<compile_context>
chip_gen: v7x
topology: tpu7x:2x2x1
jax: 0.10.2.dev20260603
libtpu: 0.0.44.dev20260713+nightly
codegen_flags: <defaults>
</compile_context>

<pallas_src>
import jax
import jax.numpy as jnp
from jax import lax
from jax.experimental import pallas as pl
from jax.experimental.pallas import tpu as pltpu
from jax.experimental.pallas import tpu_sc as plsc

B, C, HH, WW = 4, 3, 224, 224
PLANE = HH * WW
N = B * PLANE
NW = 32
NPT = N // NW
TPB = NW // B
NV = NPT // 16
LANES = 16

M = 256
LO = -6.5
DF = 13.0 / (M - 1)
BINS = 100
MN, MX = -1.05, 1.05
DH = (MX - MN) / BINS
SIGMA = 0.6


def _sc_body(o_hbm, t_hbm, p_hbm, h_hbm,
             xv, hov, htv, mgv, pv, sem, sem2):
    wid = lax.axis_index("s") * 2 + lax.axis_index("c")
    b = wid // TPB
    off = (wid % TPB) * NPT

    hp = 3072
    hq = NPT - hp
    cps1 = [
        pltpu.async_copy(o_hbm.at[b, pl.ds(off, hp)], xv.at[pl.ds(0 * NPT, hp)], sem),
        pltpu.async_copy(t_hbm.at[b * C, pl.ds(off, hp)], xv.at[pl.ds(1 * NPT, hp)], sem),
        pltpu.async_copy(t_hbm.at[b * C + 1, pl.ds(off, hp)], xv.at[pl.ds(2 * NPT, hp)], sem),
        pltpu.async_copy(t_hbm.at[b * C + 2, pl.ds(off, hp)], xv.at[pl.ds(3 * NPT, hp)], sem),
    ]
    pltpu.sync_copy(p_hbm, pv)
    o2f = off + hp
    cps2 = [
        pltpu.async_copy(o_hbm.at[b, pl.ds(o2f, hq)], xv.at[pl.ds(0 * NPT + hp, hq)], sem2),
        pltpu.async_copy(t_hbm.at[b * C, pl.ds(o2f, hq)], xv.at[pl.ds(1 * NPT + hp, hq)], sem2),
        pltpu.async_copy(t_hbm.at[b * C + 1, pl.ds(o2f, hq)], xv.at[pl.ds(2 * NPT + hp, hq)], sem2),
        pltpu.async_copy(t_hbm.at[b * C + 2, pl.ds(o2f, hq)], xv.at[pl.ds(3 * NPT + hp, hq)], sem2),
    ]

    zero = jnp.zeros((LANES,), jnp.float32)
    lane_m = lax.iota(jnp.int32, LANES) * M

    @pl.loop(0, (LANES * M) // LANES, unroll=4)
    def _(j):
        sl = pl.ds(j * LANES, LANES)
        hov[sl] = zero
        htv[sl] = zero

    for cp in cps1:
        cp.wait()
    a = pv[0, :]
    pen = pv[1, :]
    e0 = a == 0.0
    e1 = a == 1.0

    def step(i, carry):
        acc_c, acc_s = carry
        base = i * LANES
        ov = xv[pl.ds(base, LANES)]
        t0 = xv[pl.ds(NPT + base, LANES)]
        t1 = xv[pl.ds(2 * NPT + base, LANES)]
        t2 = xv[pl.ds(3 * NPT + base, LANES)]
        tv = jnp.where(e0, t0, jnp.where(e1, t1, t2))
        m = jnp.where(jnp.abs(t0) + jnp.abs(t1) + jnp.abs(t2) > 0.0, 1.0, 0.0)
        oadj = jnp.where(ov > 1.0, ov * pen, ov)
        oadj = jnp.where(ov < -1.0, ov * pen, oadj)
        d = oadj - tv
        acc_s = acc_s + d * d * m
        acc_c = acc_c + m
        for val, hv in ((oadj, hov), (tv, htv)):
            u = (val - LO) * (1.0 / DF) + 0.5
            u = jnp.minimum(jnp.maximum(u, 0.0), M - 1.001)
            idx = lane_m + u.astype(jnp.int32)
            plsc.addupdate_scatter(hv, [idx], m)
        return acc_c, acc_s

    carry1 = pl.loop(0, hp // LANES, init_carry=(zero, zero), unroll=8)(step)
    for cp in cps2:
        cp.wait()
    acc_c, acc_s = pl.loop(hp // LANES, NV, init_carry=carry1, unroll=8)(step)
    mgv[2, pl.ds(0, LANES)] = acc_c
    mgv[2, pl.ds(LANES, LANES)] = acc_s

    @pl.loop(0, M // LANES)
    def _(j):
        offj = j * LANES
        so = hov[pl.ds(offj, LANES)]
        st = htv[pl.ds(offj, LANES)]
        for l in range(1, LANES):
            so = so + hov[pl.ds(l * M + offj, LANES)]
            st = st + htv[pl.ds(l * M + offj, LANES)]
        mgv[0, pl.ds(offj, LANES)] = so
        mgv[1, pl.ds(offj, LANES)] = st

    pltpu.sync_copy(mgv, h_hbm.at[wid])


_sc_call = pl.kernel(
    _sc_body,
    out_type=jax.ShapeDtypeStruct((NW, 3, M), jnp.float32),
    mesh=plsc.VectorSubcoreMesh(core_axis_name="c", subcore_axis_name="s"),
    scratch_types=[
        pltpu.VMEM((4 * NPT,), jnp.float32),
        pltpu.VMEM((LANES * M,), jnp.float32),
        pltpu.VMEM((LANES * M,), jnp.float32),
        pltpu.VMEM((3, M), jnp.float32),
        pltpu.VMEM((2, LANES), jnp.float32),
        pltpu.SemaphoreType.DMA,
        pltpu.SemaphoreType.DMA,
    ],
    compiler_params=pltpu.CompilerParams(needs_layout_passes=False),
)


def _tc_body(h_ref, o_ref):
    h = h_ref[...]
    g = jnp.sum(h, axis=0)
    cnt = jnp.sum(h[:, 2, :LANES])
    sumsq = jnp.sum(h[:, 2, LANES:2 * LANES])
    jf = lax.broadcasted_iota(jnp.int32, (128, M), 1).astype(jnp.float32)
    bf = lax.broadcasted_iota(jnp.int32, (128, M), 0).astype(jnp.float32)
    f = LO + DF * jf
    c = MN + DH * (bf + 0.5)
    amat = jnp.exp(-0.5 * ((f - c) * (1.0 / SIGMA)) ** 2)
    amat = jnp.where(bf < float(BINS), amat, 0.0)
    ho = jnp.sum(amat * g[0][None, :], axis=1)
    ht = jnp.sum(amat * g[1][None, :], axis=1)
    o_ref[...] = sumsq / cnt + ho / jnp.sum(ho) - ht / jnp.sum(ht)


_tc_call = pl.pallas_call(
    _tc_body,
    out_shape=jax.ShapeDtypeStruct((128,), jnp.float32),
)


@jax.jit
def kernel(outputs, target, epoch, penalty):
    ax = jnp.mod(jnp.asarray(epoch, jnp.int32), 3)
    o_sel = jax.vmap(lambda img: lax.dynamic_index_in_dim(img, ax, 0, False))(
        outputs[:, :C]).reshape(B, PLANE)
    t2 = target[:, :C, :, :].reshape(B * C, PLANE)
    pen = jnp.asarray(penalty, jnp.float32)
    params = jnp.stack([
        jnp.broadcast_to(ax.astype(jnp.float32), (LANES,)),
        jnp.broadcast_to(pen, (LANES,)),
    ])
    h = _sc_call(o_sel, t2, params)
    out = _tc_call(h)
    return out[:BINS]

# --- scband reference (transcript-rebuilt; emitter-appended) ---
"""Pipeline reference for scband-angle-histo-loss-22222160790120 (READ-ONLY COPY).

The authoritative reference and input builder live on the scoring server;
editing this copy changes nothing except your own understanding.
"""

import jax, jax.numpy as jnp
import numpy as np


def setup_inputs(seed: int = 0) -> dict:
    key = jax.random.key(seed)
    k1, k2 = jax.random.split(key)
    outputs = jax.random.normal(k1, (4, 3, 224, 224), dtype=jnp.float32)
    target = jax.random.normal(k2, (4, 3, 224, 224), dtype=jnp.float32)
    return {"outputs": outputs, "target": target, "epoch": 1, "penalty": 2}


def reference(outputs, target, epoch, penalty):
    outputs = outputs[:, :3, :, :]
    target = target[:, :3, :, :]
    # penalty applied where |outputs| exceeds 1 (masks computed on original values)
    o = jnp.where(outputs > 1, outputs * penalty, outputs)
    o = jnp.where(outputs < -1, outputs * penalty, o)
    # valid-pixel mask; use float weights instead of boolean gather for static shapes
    mask = jnp.sum(jnp.abs(target), axis=1) > 0  # [B, H, W]
    maskf = mask.astype(jnp.float32)
    axis = epoch % 3
    diff = (o - target)[:, axis, :, :]
    cnt = jnp.sum(maskf)
    loss = jnp.sum((diff ** 2) * maskf) / cnt
    mn = -1.05
    mx = 1.05
    bins = 100
    delta = float(mx - mn) / float(bins)
    centers = mn + delta * (jnp.arange(bins, dtype=jnp.float32) + 0.5)
    sigma = 0.6
    mflat = maskf.reshape(-1)

    def soft_histo(vals):
        v = vals.reshape(-1)[None, :] - centers[:, None]  # [bins, N]
        kern = jnp.exp(-0.5 * (v / sigma) ** 2) / (sigma * np.sqrt(np.pi * 2)) * delta
        h = jnp.sum(kern * mflat[None, :], axis=-1)  # [bins]
        return h / jnp.sum(h)

    output_histo = soft_histo(o[:, axis, :, :])
    target_histo = soft_histo(target[:, axis, :, :])
    histo_loss = output_histo - target_histo
    return loss + histo_loss

if __name__ == "__main__":
    import jax
    _d = setup_inputs()
    print(jax.jit(kernel)(*tuple(_d.values())))

</pallas_src>

<mosaic_0001>
#map = affine_map<(d0, d1) -> (0, 0)>
#map1 = affine_map<(d0, d1) -> (0, 0, 0)>
module attributes {stable_mosaic.version = 14 : i64} {
  func.func @_sc_body(%arg0: i32, %arg1: i32, %arg2: memref<4x50176xf32, #tpu.memory_space<hbm>>, %arg3: memref<12x50176xf32, #tpu.memory_space<hbm>>, %arg4: memref<2x16xf32, #tpu.memory_space<hbm>>, %arg5: memref<32x3x256xf32, #tpu.memory_space<hbm>>, %arg6: memref<25088xf32, #tpu.memory_space<vmem>>, %arg7: memref<4096xf32, #tpu.memory_space<vmem>>, %arg8: memref<4096xf32, #tpu.memory_space<vmem>>, %arg9: memref<3x256xf32, #tpu.memory_space<vmem>>, %arg10: memref<2x16xf32, #tpu.memory_space<vmem>>, %arg11: memref<!tpu.dma_semaphore, #tpu.memory_space<semaphore_mem>>, %arg12: memref<!tpu.dma_semaphore, #tpu.memory_space<semaphore_mem>>) attributes {dimension_semantics = [#tpu.dimension_semantics<core_parallel>, #tpu.dimension_semantics<subcore_parallel>], iteration_bounds = array<i64: 2, 16>, scalar_prefetch = 0 : i64, scratch_operands = 7 : i64, tpu.core_type = #tpu.core_type<sc_vector_subcore>, window_params = [{transform_indices = #map}, {transform_indices = #map}, {transform_indices = #map}, {transform_indices = #map1}]} {
    %mul3A = arith.constant 2 : i32
    %mul3A_0 = arith.muli %arg1, %mul3A : i32
    %add3A = arith.addi %mul3A_0, %arg0 : i32
    %jit3A = arith.constant 8 : i32
    %div3A = arith.divsi %add3A, %jit3A : i32
    %sign3A = arith.constant 0 : i32
    %sign3A_1 = arith.cmpi sgt, %add3A, %sign3A : i32
    %sign3A_2 = arith.extui %sign3A_1 : i1 to i32
    %sign3A_3 = arith.constant 0 : i32
    %sign3A_4 = arith.cmpi slt, %add3A, %sign3A_3 : i32
    %sign3A_5 = arith.extui %sign3A_4 : i1 to i32
    %sign3A_6 = arith.subi %sign3A_2, %sign3A_5 : i32
    %sign3A_7 = arith.constant 0 : i32
    %sign3A_8 = arith.cmpi sgt, %jit3A, %sign3A_7 : i32
    %sign3A_9 = arith.extui %sign3A_8 : i1 to i32
    %sign3A_10 = arith.constant 0 : i32
    %sign3A_11 = arith.cmpi slt, %jit3A, %sign3A_10 : i32
    %sign3A_12 = arith.extui %sign3A_11 : i1 to i32
    %sign3A_13 = arith.subi %sign3A_9, %sign3A_12 : i32
    %ne3A = arith.cmpi ne, %sign3A_6, %sign3A_13 : i32
    %rem3A = arith.remsi %add3A, %jit3A : i32
    %ne3A_14 = arith.constant 0 : i32
    %ne3A_15 = arith.cmpi ne, %rem3A, %ne3A_14 : i32
    %and3A = arith.andi %ne3A, %ne3A_15 : i1
    %sub3A = arith.constant 1 : i32
    %sub3A_16 = arith.subi %div3A, %sub3A : i32
    %select_n3A = arith.select %and3A, %sub3A_16, %div3A : i32
    %jit3A_17 = arith.constant 8 : i32
    %eq3A = arith.constant 0 : i32
    %eq3A_18 = arith.cmpi eq, %jit3A_17, %eq3A : i32
    %jit3A_19 = arith.constant 1 : i32
    %select_n3A_20 = arith.select %eq3A_18, %jit3A_19, %jit3A_17 : i32
    %rem3A_21 = arith.remsi %add3A, %select_n3A_20 : i32
    %ne3A_22 = arith.constant 0 : i32
    %ne3A_23 = arith.cmpi ne, %rem3A_21, %ne3A_22 : i32
    %lt3A = arith.constant 0 : i32
    %lt3A_24 = arith.cmpi slt, %rem3A_21, %lt3A : i32
    %lt3A_25 = arith.constant 0 : i32
    %lt3A_26 = arith.cmpi slt, %select_n3A_20, %lt3A_25 : i32
    %ne3A_27 = arith.xori %lt3A_24, %lt3A_26 : i1
    %and3A_28 = arith.andi %ne3A_27, %ne3A_23 : i1
    %add3A_29 = arith.addi %rem3A_21, %select_n3A_20 : i32
    %select_n3A_30 = arith.select %and3A_28, %add3A_29, %rem3A_21 : i32
    %mul3A_31 = arith.constant 6272 : i32
    %mul3A_32 = arith.muli %select_n3A_30, %mul3A_31 : i32
    %dma_start3A = arith.constant 0 : i32
    %dma_start3A_33 = tpu.memref_slice %arg6[%dma_start3A] : memref<25088xf32, #tpu.memory_space<vmem>> -> memref<3072xf32, #tpu.memory_space<vmem>>
    %dma_start3A_34 = tpu.memref_slice %arg2[%select_n3A, %mul3A_32] : memref<4x50176xf32, #tpu.memory_space<hbm>> -> memref<1x3072xf32, #tpu.memory_space<hbm>>
    %dma_start3A_35 = tpu.memref_squeeze %dma_start3A_34 : memref<1x3072xf32, #tpu.memory_space<hbm>> -> memref<3072xf32, #tpu.memory_space<hbm>>
    %dma_start3A_36 = arith.constant 0 : i32
    %dma_start3A_37 = tpu.memref_slice %arg6[%dma_start3A_36] : memref<25088xf32, #tpu.memory_space<vmem>> -> memref<3072xf32, #tpu.memory_space<vmem>>
    %dma_start3A_38 = tpu.memref_slice %arg2[%select_n3A, %mul3A_32] : memref<4x50176xf32, #tpu.memory_space<hbm>> -> memref<1x3072xf32, #tpu.memory_space<hbm>>
    %dma_start3A_39 = tpu.memref_squeeze %dma_start3A_38 : memref<1x3072xf32, #tpu.memory_space<hbm>> -> memref<3072xf32, #tpu.memory_space<hbm>>
    tpu.enqueue_dma source(%dma_start3A_39 : memref<3072xf32, #tpu.memory_space<hbm>>) target(%dma_start3A_37 : memref<3072xf32, #tpu.memory_space<vmem>>) target_semaphore(%arg11 : memref<!tpu.dma_semaphore, #tpu.memory_space<semaphore_mem>>)
    %mul3A_40 = arith.constant 3 : i32
    %mul3A_41 = arith.muli %select_n3A, %mul3A_40 : i32
    %dma_start3A_42 = arith.constant 6272 : i32
    %dma_start3A_43 = tpu.memref_slice %arg6[%dma_start3A_42] : memref<25088xf32, #tpu.memory_space<vmem>> -> memref<3072xf32, #tpu.memory_space<vmem>>
    %dma_start3A_44 = tpu.memref_slice %arg3[%mul3A_41, %mul3A_32] : memref<12x50176xf32, #tpu.memory_space<hbm>> -> memref<1x3072xf32, #tpu.memory_space<hbm>>
    %dma_start3A_45 = tpu.memref_squeeze %dma_start3A_44 : memref<1x3072xf32, #tpu.memory_space<hbm>> -> memref<3072xf32, #tpu.memory_space<hbm>>
    %dma_start3A_46 = arith.constant 6272 : i32
    %dma_start3A_47 = tpu.memref_slice %arg6[%dma_start3A_46] : memref<25088xf32, #tpu.memory_space<vmem>> -> memref<3072xf32, #tpu.memory_space<vmem>>
    %dma_start3A_48 = tpu.memref_slice %arg3[%mul3A_41, %mul3A_32] : memref<12x50176xf32, #tpu.memory_space<hbm>> -> memref<1x3072xf32, #tpu.memory_space<hbm>>
    %dma_start3A_49 = tpu.memref_squeeze %dma_start3A_48 : memref<1x3072xf32, #tpu.memory_space<hbm>> -> memref<3072xf32, #tpu.memory_space<hbm>>
    tpu.enqueue_dma source(%dma_start3A_49 : memref<3072xf32, #tpu.memory_space<hbm>>) target(%dma_start3A_47 : memref<3072xf32, #tpu.memory_space<vmem>>) target_semaphore(%arg11 : memref<!tpu.dma_semaphore, #tpu.memory_space<semaphore_mem>>)
    %mul3A_50 = arith.constant 3 : i32
    %mul3A_51 = arith.muli %select_n3A, %mul3A_50 : i32
    %add3A_52 = arith.constant 1 : i32
    %add3A_53 = arith.addi %mul3A_51, %add3A_52 : i32
    %dma_start3A_54 = arith.constant 12544 : i32
    %dma_start3A_55 = tpu.memref_slice %arg6[%dma_start3A_54] : memref<25088xf32, #tpu.memory_space<vmem>> -> memref<3072xf32, #tpu.memory_space<vmem>>
    %dma_start3A_56 = tpu.memref_slice %arg3[%add3A_53, %mul3A_32] : memref<12x50176xf32, #tpu.memory_space<hbm>> -> memref<1x3072xf32, #tpu.memory_space<hbm>>
    %dma_start3A_57 = tpu.memref_squeeze %dma_start3A_56 : memref<1x3072xf32, #tpu.memory_space<hbm>> -> memref<3072xf32, #tpu.memory_space<hbm>>
    %dma_start3A_58 = arith.constant 12544 : i32
    %dma_start3A_59 = tpu.memref_slice %arg6[%dma_start3A_58] : memref<25088xf32, #tpu.memory_space<vmem>> -> memref<3072xf32, #tpu.memory_space<vmem>>
    %dma_start3A_60 = tpu.memref_slice %arg3[%add3A_53, %mul3A_32] : memref<12x50176xf32, #tpu.memory_space<hbm>> -> memref<1x3072xf32, #tpu.memory_space<hbm>>
    %dma_start3A_61 = tpu.memref_squeeze %dma_start3A_60 : memref<1x3072xf32, #tpu.memory_space<hbm>> -> memref<3072xf32, #tpu.memory_space<hbm>>
    tpu.enqueue_dma source(%dma_start3A_61 : memref<3072xf32, #tpu.memory_space<hbm>>) target(%dma_start3A_59 : memref<3072xf32, #tpu.memory_space<vmem>>) target_semaphore(%arg11 : memref<!tpu.dma_semaphore, #tpu.memory_space<semaphore_mem>>)
    %mul3A_62 = arith.constant 3 : i32
    %mul3A_63 = arith.muli %select_n3A, %mul3A_62 : i32
    %add3A_64 = arith.constant 2 : i32
    %add3A_65 = arith.addi %mul3A_63, %add3A_64 : i32
    %dma_start3A_66 = arith.constant 18816 : i32
    %dma_start3A_67 = tpu.memref_slice %arg6[%dma_start3A_66] : memref<25088xf32, #tpu.memory_space<vmem>> -> memref<3072xf32, #tpu.memory_space<vmem>>
    %dma_start3A_68 = tpu.memref_slice %arg3[%add3A_65, %mul3A_32] : memref<12x50176xf32, #tpu.memory_space<hbm>> -> memref<1x3072xf32, #tpu.memory_space<hbm>>
    %dma_start3A_69 = tpu.memref_squeeze %dma_start3A_68 : memref<1x3072xf32, #tpu.memory_space<hbm>> -> memref<3072xf32, #tpu.memory_space<hbm>>
    %dma_start3A_70 = arith.constant 18816 : i32
    %dma_start3A_71 = tpu.memref_slice %arg6[%dma_start3A_70] : memref<25088xf32, #tpu.memory_space<vmem>> -> memref<3072xf32, #tpu.memory_space<vmem>>
    %dma_start3A_72 = tpu.memref_slice %arg3[%add3A_65, %mul3A_32] : memref<12x50176xf32, #tpu.memory_space<hbm>> -> memref<1x3072xf32, #tpu.memory_space<hbm>>
    %dma_start3A_73 = tpu.memref_squeeze %dma_start3A_72 : memref<1x3072xf32, #tpu.memory_space<hbm>> -> memref<3072xf32, #tpu.memory_space<hbm>>
    tpu.enqueue_dma source(%dma_start3A_73 : memref<3072xf32, #tpu.memory_space<hbm>>) target(%dma_start3A_71 : memref<3072xf32, #tpu.memory_space<vmem>>) target_semaphore(%arg11 : memref<!tpu.dma_semaphore, #tpu.memory_space<semaphore_mem>>)
    "tpu.region"() ({
      %run_scoped3A = tpu.sem_alloc : memref<!tpu.dma_semaphore, #tpu.memory_space<semaphore_mem>>
      tpu.enqueue_dma source(%arg4 : memref<2x16xf32, #tpu.memory_space<hbm>>) target(%arg10 : memref<2x16xf32, #tpu.memory_space<vmem>>) target_semaphore(%run_scoped3A : memref<!tpu.dma_semaphore, #tpu.memory_space<semaphore_mem>>)
      tpu.wait_dma2 semaphore(%run_scoped3A : memref<!tpu.dma_semaphore, #tpu.memory_space<semaphore_mem>>) src(%arg4 : memref<2x16xf32, #tpu.memory_space<hbm>>) dst(%arg10 : memref<2x16xf32, #tpu.memory_space<vmem>>)
      tpu.yield
    }) : () -> ()
    %add3A_74 = arith.constant 3072 : i32
    %add3A_75 = arith.addi %mul3A_32, %add3A_74 : i32
    %dma_start3A_76 = arith.constant 3072 : i32
    %dma_start3A_77 = tpu.memref_slice %arg6[%dma_start3A_76] : memref<25088xf32, #tpu.memory_space<vmem>> -> memref<3200xf32, #tpu.memory_space<vmem>>
    %dma_start3A_78 = tpu.memref_slice %arg2[%select_n3A, %add3A_75] : memref<4x50176xf32, #tpu.memory_space<hbm>> -> memref<1x3200xf32, #tpu.memory_space<hbm>>
    %dma_start3A_79 = tpu.memref_squeeze %dma_start3A_78 : memref<1x3200xf32, #tpu.memory_space<hbm>> -> memref<3200xf32, #tpu.memory_space<hbm>>
    %dma_start3A_80 = arith.constant 3072 : i32
    %dma_start3A_81 = tpu.memref_slice %arg6[%dma_start3A_80] : memref<25088xf32, #tpu.memory_space<vmem>> -> memref<3200xf32, #tpu.memory_space<vmem>>
    %dma_start3A_82 = tpu.memref_slice %arg2[%select_n3A, %add3A_75] : memref<4x50176xf32, #tpu.memory_space<hbm>> -> memref<1x3200xf32, #tpu.memory_space<hbm>>
    %dma_start3A_83 = tpu.memref_squeeze %dma_start3A_82 : memref<1x3200xf32, #tpu.memory_space<hbm>> -> memref<3200xf32, #tpu.memory_space<hbm>>
    tpu.enqueue_dma source(%dma_start3A_83 : memref<3200xf32, #tpu.memory_space<hbm>>) target(%dma_start3A_81 : memref<3200xf32, #tpu.memory_space<vmem>>) target_semaphore(%arg12 : memref<!tpu.dma_semaphore, #tpu.memory_space<semaphore_mem>>)
    %mul3A_84 = arith.constant 3 : i32
    %mul3A_85 = arith.muli %select_n3A, %mul3A_84 : i32
    %dma_start3A_86 = arith.constant 9344 : i32
    %dma_start3A_87 = tpu.memref_slice %arg6[%dma_start3A_86] : memref<25088xf32, #tpu.memory_space<vmem>> -> memref<3200xf32, #tpu.memory_space<vmem>>
    %dma_start3A_88 = tpu.memref_slice %arg3[%mul3A_85, %add3A_75] : memref<12x50176xf32, #tpu.memory_space<hbm>> -> memref<1x3200xf32, #tpu.memory_space<hbm>>
    %dma_start3A_89 = tpu.memref_squeeze %dma_start3A_88 : memref<1x3200xf32, #tpu.memory_space<hbm>> -> memref<3200xf32, #tpu.memory_space<hbm>>
    %dma_start3A_90 = arith.constant 9344 : i32
    %dma_start3A_91 = tpu.memref_slice %arg6[%dma_start3A_90] : memref<25088xf32, #tpu.memory_space<vmem>> -> memref<3200xf32, #tpu.memory_space<vmem>>
    %dma_start3A_92 = tpu.memref_slice %arg3[%mul3A_85, %add3A_75] : memref<12x50176xf32, #tpu.memory_space<hbm>> -> memref<1x3200xf32, #tpu.memory_space<hbm>>
    %dma_start3A_93 = tpu.memref_squeeze %dma_start3A_92 : memref<1x3200xf32, #tpu.memory_space<hbm>> -> memref<3200xf32, #tpu.memory_space<hbm>>
    tpu.enqueue_dma source(%dma_start3A_93 : memref<3200xf32, #tpu.memory_space<hbm>>) target(%dma_start3A_91 : memref<3200xf32, #tpu.memory_space<vmem>>) target_semaphore(%arg12 : memref<!tpu.dma_semaphore, #tpu.memory_space<semaphore_mem>>)
    %mul3A_94 = arith.constant 3 : i32
    %mul3A_95 = arith.muli %select_n3A, %mul3A_94 : i32
    %add3A_96 = arith.constant 1 : i32
    %add3A_97 = arith.addi %mul3A_95, %add3A_96 : i32
    %dma_start3A_98 = arith.constant 15616 : i32
    %dma_start3A_99 = tpu.memref_slice %arg6[%dma_start3A_98] : memref<25088xf32, #tpu.memory_space<vmem>> -> memref<3200xf32, #tpu.memory_space<vmem>>
    %dma_start3A_100 = tpu.memref_slice %arg3[%add3A_97, %add3A_75] : memref<12x50176xf32, #tpu.memory_space<hbm>> -> memref<1x3200xf32, #tpu.memory_space<hbm>>
    %dma_start3A_101 = tpu.memref_squeeze %dma_start3A_100 : memref<1x3200xf32, #tpu.memory_space<hbm>> -> memref<3200xf32, #tpu.memory_space<hbm>>
    %dma_start3A_102 = arith.constant 15616 : i32
    %dma_start3A_103 = tpu.memref_slice %arg6[%dma_start3A_102] : memref<25088xf32, #tpu.memory_space<vmem>> -> memref<3200xf32, #tpu.memory_space<vmem>>
    %dma_start3A_104 = tpu.memref_slice %arg3[%add3A_97, %add3A_75] : memref<12x50176xf32, #tpu.memory_space<hbm>> -> memref<1x3200xf32, #tpu.memory_space<hbm>>
    %dma_start3A_105 = tpu.memref_squeeze %dma_start3A_104 : memref<1x3200xf32, #tpu.memory_space<hbm>> -> memref<3200xf32, #tpu.memory_space<hbm>>
    tpu.enqueue_dma source(%dma_start3A_105 : memref<3200xf32, #tpu.memory_space<hbm>>) target(%dma_start3A_103 : memref<3200xf32, #tpu.memory_space<vmem>>) target_semaphore(%arg12 : memref<!tpu.dma_semaphore, #tpu.memory_space<semaphore_mem>>)
    %mul3A_106 = arith.constant 3 : i32
    %mul3A_107 = arith.muli %select_n3A, %mul3A_106 : i32
    %add3A_108 = arith.constant 2 : i32
    %add3A_109 = arith.addi %mul3A_107, %add3A_108 : i32
    %dma_start3A_110 = arith.constant 21888 : i32
    %dma_start3A_111 = tpu.memref_slice %arg6[%dma_start3A_110] : memref<25088xf32, #tpu.memory_space<vmem>> -> memref<3200xf32, #tpu.memory_space<vmem>>
    %dma_start3A_112 = tpu.memref_slice %arg3[%add3A_109, %add3A_75] : memref<12x50176xf32, #tpu.memory_space<hbm>> -> memref<1x3200xf32, #tpu.memory_space<hbm>>
    %dma_start3A_113 = tpu.memref_squeeze %dma_start3A_112 : memref<1x3200xf32, #tpu.memory_space<hbm>> -> memref<3200xf32, #tpu.memory_space<hbm>>
    %dma_start3A_114 = arith.constant 21888 : i32
    %dma_start3A_115 = tpu.memref_slice %arg6[%dma_start3A_114] : memref<25088xf32, #tpu.memory_space<vmem>> -> memref<3200xf32, #tpu.memory_space<vmem>>
    %dma_start3A_116 = tpu.memref_slice %arg3[%add3A_109, %add3A_75] : memref<12x50176xf32, #tpu.memory_space<hbm>> -> memref<1x3200xf32, #tpu.memory_space<hbm>>
    %dma_start3A_117 = tpu.memref_squeeze %dma_start3A_116 : memref<1x3200xf32, #tpu.memory_space<hbm>> -> memref<3200xf32, #tpu.memory_space<hbm>>
    tpu.enqueue_dma source(%dma_start3A_117 : memref<3200xf32, #tpu.memory_space<hbm>>) target(%dma_start3A_115 : memref<3200xf32, #tpu.memory_space<vmem>>) target_semaphore(%arg12 : memref<!tpu.dma_semaphore, #tpu.memory_space<semaphore_mem>>)
    %broadcast_in_dim3A = arith.constant 0.000000e+00 : f32
    %broadcast_in_dim3A_118 = vector.broadcast %broadcast_in_dim3A : f32 to vector<16xf32>
    %iota3A = tpu.iota {dimensions = array<i32: 0>} : vector<16xi32>
    %mul3A_119 = arith.constant 256 : i32
    %mul3A_120 = vector.broadcast %mul3A_119 : i32 to vector<16xi32>
    %mul3A_121 = arith.muli %iota3A, %mul3A_120 : vector<16xi32>
    %scan3A = arith.constant 0 : i32
    %scan3A_122 = arith.constant 256 : i32
    %scan3A_123 = arith.addi %scan3A, %scan3A_122 : i32
    %scan3A_124 = arith.constant 4 : i32
    scf.for %scan3A_226 = %scan3A to %scan3A_123 step %scan3A_124  : i32 {
      %mul3A_227 = arith.constant 1 : i32
      %mul3A_228 = arith.muli %scan3A_226, %mul3A_227 : i32
      %add3A_229 = arith.constant 0 : i32
      %add3A_230 = arith.addi %add3A_229, %mul3A_228 : i32
      %mul3A_231 = arith.constant 16 : i32
      %mul3A_232 = arith.muli %add3A_230, %mul3A_231 : i32
      %swap3A_233 = arith.index_cast %mul3A_232 : i32 to index
      %swap3A_234 = tpu.vector_load %arg7[%swap3A_233] {strides = array<i32>} : memref<4096xf32, #tpu.memory_space<vmem>>, vector<16xf32>,
      tpu.vector_store %arg7[%swap3A_233], %broadcast_in_dim3A_118 {strides = array<i32>} : memref<4096xf32, #tpu.memory_space<vmem>>, vector<16xf32>,
      %swap3A_235 = arith.index_cast %mul3A_232 : i32 to index
      %swap3A_236 = tpu.vector_load %arg8[%swap3A_235] {strides = array<i32>} : memref<4096xf32, #tpu.memory_space<vmem>>, vector<16xf32>,
      tpu.vector_store %arg8[%swap3A_235], %broadcast_in_dim3A_118 {strides = array<i32>} : memref<4096xf32, #tpu.memory_space<vmem>>, vector<16xf32>,
      %scan3A_237 = arith.constant 1 : i32
      %scan3A_238 = arith.addi %scan3A_226, %scan3A_237 : i32
      %mul3A_239 = arith.constant 1 : i32
      %mul3A_240 = arith.muli %scan3A_238, %mul3A_239 : i32
      %add3A_241 = arith.constant 0 : i32
      %add3A_242 = arith.addi %add3A_241, %mul3A_240 : i32
      %mul3A_243 = arith.constant 16 : i32
      %mul3A_244 = arith.muli %add3A_242, %mul3A_243 : i32
      %swap3A_245 = arith.index_cast %mul3A_244 : i32 to index
      %swap3A_246 = tpu.vector_load %arg7[%swap3A_245] {strides = array<i32>} : memref<4096xf32, #tpu.memory_space<vmem>>, vector<16xf32>,
      tpu.vector_store %arg7[%swap3A_245], %broadcast_in_dim3A_118 {strides = array<i32>} : memref<4096xf32, #tpu.memory_space<vmem>>, vector<16xf32>,
      %swap3A_247 = arith.index_cast %mul3A_244 : i32 to index
      %swap3A_248 = tpu.vector_load %arg8[%swap3A_247] {strides = array<i32>} : memref<4096xf32, #tpu.memory_space<vmem>>, vector<16xf32>,
      tpu.vector_store %arg8[%swap3A_247], %broadcast_in_dim3A_118 {strides = array<i32>} : memref<4096xf32, #tpu.memory_space<vmem>>, vector<16xf32>,
      %scan3A_249 = arith.constant 2 : i32
      %scan3A_250 = arith.addi %scan3A_226, %scan3A_249 : i32
      %mul3A_251 = arith.constant 1 : i32
      %mul3A_252 = arith.muli %scan3A_250, %mul3A_251 : i32
      %add3A_253 = arith.constant 0 : i32
      %add3A_254 = arith.addi %add3A_253, %mul3A_252 : i32
      %mul3A_255 = arith.constant 16 : i32
      %mul3A_256 = arith.muli %add3A_254, %mul3A_255 : i32
      %swap3A_257 = arith.index_cast %mul3A_256 : i32 to index
      %swap3A_258 = tpu.vector_load %arg7[%swap3A_257] {strides = array<i32>} : memref<4096xf32, #tpu.memory_space<vmem>>, vector<16xf32>,
      tpu.vector_store %arg7[%swap3A_257], %broadcast_in_dim3A_118 {strides = array<i32>} : memref<4096xf32, #tpu.memory_space<vmem>>, vector<16xf32>,
      %swap3A_259 = arith.index_cast %mul3A_256 : i32 to index
      %swap3A_260 = tpu.vector_load %arg8[%swap3A_259] {strides = array<i32>} : memref<4096xf32, #tpu.memory_space<vmem>>, vector<16xf32>,
      tpu.vector_store %arg8[%swap3A_259], %broadcast_in_dim3A_118 {strides = array<i32>} : memref<4096xf32, #tpu.memory_space<vmem>>, vector<16xf32>,
      %scan3A_261 = arith.constant 3 : i32
      %scan3A_262 = arith.addi %scan3A_226, %scan3A_261 : i32
      %mul3A_263 = arith.constant 1 : i32
      %mul3A_264 = arith.muli %scan3A_262, %mul3A_263 : i32
      %add3A_265 = arith.constant 0 : i32
      %add3A_266 = arith.addi %add3A_265, %mul3A_264 : i32
      %mul3A_267 = arith.constant 16 : i32
      %mul3A_268 = arith.muli %add3A_266, %mul3A_267 : i32
      %swap3A_269 = arith.index_cast %mul3A_268 : i32 to index
      %swap3A_270 = tpu.vector_load %arg7[%swap3A_269] {strides = array<i32>} : memref<4096xf32, #tpu.memory_space<vmem>>, vector<16xf32>,
      tpu.vector_store %arg7[%swap3A_269], %broadcast_in_dim3A_118 {strides = array<i32>} : memref<4096xf32, #tpu.memory_space<vmem>>, vector<16xf32>,
      %swap3A_271 = arith.index_cast %mul3A_268 : i32 to index
      %swap3A_272 = tpu.vector_load %arg8[%swap3A_271] {strides = array<i32>} : memref<4096xf32, #tpu.memory_space<vmem>>, vector<16xf32>,
      tpu.vector_store %arg8[%swap3A_271], %broadcast_in_dim3A_118 {strides = array<i32>} : memref<4096xf32, #tpu.memory_space<vmem>>, vector<16xf32>,
    }
    %scan3A_125 = arith.constant 256 : i32
    %dma_wait3A = arith.constant 0 : i32
    %dma_wait3A_126 = tpu.memref_slice %arg6[%dma_wait3A] : memref<25088xf32, #tpu.memory_space<vmem>> -> memref<3072xf32, #tpu.memory_space<vmem>>
    %dma_wait3A_127 = tpu.memref_slice %arg2[%select_n3A, %mul3A_32] : memref<4x50176xf32, #tpu.memory_space<hbm>> -> memref<1x3072xf32, #tpu.memory_space<hbm>>
    %dma_wait3A_128 = tpu.memref_squeeze %dma_wait3A_127 : memref<1x3072xf32, #tpu.memory_space<hbm>> -> memref<3072xf32, #tpu.memory_space<hbm>>
    %dma_wait3A_129 = arith.constant 0 : i32
    %dma_wait3A_130 = tpu.memref_slice %arg6[%dma_wait3A_129] : memref<25088xf32, #tpu.memory_space<vmem>> -> memref<3072xf32, #tpu.memory_space<vmem>>
    %dma_wait3A_131 = tpu.memref_slice %arg2[%select_n3A, %mul3A_32] : memref<4x50176xf32, #tpu.memory_space<hbm>> -> memref<1x3072xf32, #tpu.memory_space<hbm>>
    %dma_wait3A_132 = tpu.memref_squeeze %dma_wait3A_131 : memref<1x3072xf32, #tpu.memory_space<hbm>> -> memref<3072xf32, #tpu.memory_space<hbm>>
    tpu.wait_dma2 semaphore(%arg11 : memref<!tpu.dma_semaphore, #tpu.memory_space<semaphore_mem>>) src(%dma_wait3A_132 : memref<3072xf32, #tpu.memory_space<hbm>>) dst(%dma_wait3A_130 : memref<3072xf32, #tpu.memory_space<vmem>>)
    %dma_wait3A_133 = arith.constant 6272 : i32
    %dma_wait3A_134 = tpu.memref_slice %arg6[%dma_wait3A_133] : memref<25088xf32, #tpu.memory_space<vmem>> -> memref<3072xf32, #tpu.memory_space<vmem>>
    %dma_wait3A_135 = tpu.memref_slice %arg3[%mul3A_41, %mul3A_32] : memref<12x50176xf32, #tpu.memory_space<hbm>> -> memref<1x3072xf32, #tpu.memory_space<hbm>>
    %dma_wait3A_136 = tpu.memref_squeeze %dma_wait3A_135 : memref<1x3072xf32, #tpu.memory_space<hbm>> -> memref<3072xf32, #tpu.memory_space<hbm>>
    %dma_wait3A_137 = arith.constant 6272 : i32
    %dma_wait3A_138 = tpu.memref_slice %arg6[%dma_wait3A_137] : memref<25088xf32, #tpu.memory_space<vmem>> -> memref<3072xf32, #tpu.memory_space<vmem>>
    %dma_wait3A_139 = tpu.memref_slice %arg3[%mul3A_41, %mul3A_32] : memref<12x50176xf32, #tpu.memory_space<hbm>> -> memref<1x3072xf32, #tpu.memory_space<hbm>>
    %dma_wait3A_140 = tpu.memref_squeeze %dma_wait3A_139 : memref<1x3072xf32, #tpu.memory_space<hbm>> -> memref<3072xf32, #tpu.memory_space<hbm>>
    tpu.wait_dma2 semaphore(%arg11 : memref<!tpu.dma_semaphore, #tpu.memory_space<semaphore_mem>>) src(%dma_wait3A_140 : memref<3072xf32, #tpu.memory_space<hbm>>) dst(%dma_wait3A_138 : memref<3072xf32, #tpu.memory_space<vmem>>)
    %dma_wait3A_141 = arith.constant 12544 : i32
    %dma_wait3A_142 = tpu.memref_slice %arg6[%dma_wait3A_141] : memref<25088xf32, #tpu.memory_space<vmem>> -> memref<3072xf32, #tpu.memory_space<vmem>>
    %dma_wait3A_143 = tpu.memref_slice %arg3[%add3A_53, %mul3A_32] : memref<12x50176xf32, #tpu.memory_space<hbm>> -> memref<1x3072xf32, #tpu.memory_space<hbm>>
    %dma_wait3A_144 = tpu.memref_squeeze %dma_wait3A_143 : memref<1x3072xf32, #tpu.memory_space<hbm>> -> memref<3072xf32, #tpu.memory_space<hbm>>
    %dma_wait3A_145 = arith.constant 12544 : i32
    %dma_wait3A_146 = tpu.memref_slice %arg6[%dma_wait3A_145] : memref<25088xf32, #tpu.memory_space<vmem>> -> memref<3072xf32, #tpu.memory_space<vmem>>
    %dma_wait3A_147 = tpu.memref_slice %arg3[%add3A_53, %mul3A_32] : memref<12x50176xf32, #tpu.memory_space<hbm>> -> memref<1x3072xf32, #tpu.memory_space<hbm>>
    %dma_wait3A_148 = tpu.memref_squeeze %dma_wait3A_147 : memref<1x3072xf32, #tpu.memory_space<hbm>> -> memref<3072xf32, #tpu.memory_space<hbm>>
    tpu.wait_dma2 semaphore(%arg11 : memref<!tpu.dma_semaphore, #tpu.memory_space<semaphore_mem>>) src(%dma_wait3A_148 : memref<3072xf32, #tpu.memory_space<hbm>>) dst(%dma_wait3A_146 : memref<3072xf32, #tpu.memory_space<vmem>>)
    %dma_wait3A_149 = arith.constant 18816 : i32
    %dma_wait3A_150 = tpu.memref_slice %arg6[%dma_wait3A_149] : memref<25088xf32, #tpu.memory_space<vmem>> -> memref<3072xf32, #tpu.memory_space<vmem>>
    %dma_wait3A_151 = tpu.memref_slice %arg3[%add3A_65, %mul3A_32] : memref<12x50176xf32, #tpu.memory_space<hbm>> -> memref<1x3072xf32, #tpu.memory_space<hbm>>
    %dma_wait3A_152 = tpu.memref_squeeze %dma_wait3A_151 : memref<1x3072xf32, #tpu.memory_space<hbm>> -> memref<3072xf32, #tpu.memory_space<hbm>>
    %dma_wait3A_153 = arith.constant 18816 : i32
    %dma_wait3A_154 = tpu.memref_slice %arg6[%dma_wait3A_153] : memref<25088xf32, #tpu.memory_space<vmem>> -> memref<3072xf32, #tpu.memory_space<vmem>>
    %dma_wait3A_155 = tpu.memref_slice %arg3[%add3A_65, %mul3A_32] : memref<12x50176xf32, #tpu.memory_space<hbm>> -> memref<1x3072xf32, #tpu.memory_space<hbm>>
    %dma_wait3A_156 = tpu.memref_squeeze %dma_wait3A_155 : memref<1x3072xf32, #tpu.memory_space<hbm>> -> memref<3072xf32, #tpu.memory_space<hbm>>
    tpu.wait_dma2 semaphore(%arg11 : memref<!tpu.dma_semaphore, #tpu.memory_space<semaphore_mem>>) src(%dma_wait3A_156 : memref<3072xf32, #tpu.memory_space<hbm>>) dst(%dma_wait3A_154 : memref<3072xf32, #tpu.memory_space<vmem>>)
    %get3A = arith.constant 0 : i32
    %get3A_157 = arith.index_cast %get3A : i32 to index
    %get3A_158 = arith.constant 0 : index
    %get3A_159 = tpu.vector_load %arg10[%get3A_157, %get3A_158] {strides = array<i32>} : memref<2x16xf32, #tpu.memory_space<vmem>>, vector<16xf32>,
    %get3A_160 = arith.constant 1 : i32
    %get3A_161 = arith.index_cast %get3A_160 : i32 to index
    %get3A_162 = arith.constant 0 : index
    %get3A_163 = tpu.vector_load %arg10[%get3A_161, %get3A_162] {strides = array<i32>} : memref<2x16xf32, #tpu.memory_space<vmem>>, vector<16xf32>,
    %eq3A_164 = arith.constant 0.000000e+00 : f32
    %eq3A_165 = vector.broadcast %eq3A_164 : f32 to vector<16xf32>
    %eq3A_166 = arith.cmpf oeq, %get3A_159, %eq3A_165 : vector<16xf32>
    %eq3A_167 = arith.constant 1.000000e+00 : f32
    %eq3A_168 = vector.broadcast %eq3A_167 : f32 to vector<16xf32>
    %eq3A_169 = arith.cmpf oeq, %get3A_159, %eq3A_168 : vector<16xf32>
    %scan3A_170 = arith.constant 0 : i32
    %scan3A_171 = arith.constant 192 : i32
    %scan3A_172 = arith.addi %scan3A_170, %scan3A_171 : i32
    %scan3A_173 = arith.constant 8 : i32
    %scan3A_174:2 = scf.for %scan3A_226 = %scan3A_170 to %scan3A_172 step %scan3A_173 iter_args(%scan3A_227 = %broadcast_in_dim3A_118, %scan3A_228 = %broadcast_in_dim3A_118) -> (vector<16xf32>, vector<16xf32>)  : i32 {
      %mul3A_229 = arith.constant 1 : i32
      %mul3A_230 = arith.muli %scan3A_226, %mul3A_229 : i32
      %add3A_231 = arith.constant 0 : i32
      %add3A_232 = arith.addi %add3A_231, %mul3A_230 : i32
      %mul3A_233 = arith.constant 16 : i32
      %mul3A_234 = arith.muli %add3A_232, %mul3A_233 : i32
      %get3A_235 = arith.index_cast %mul3A_234 : i32 to index
      %get3A_236 = tpu.vector_load %arg6[%get3A_235] {strides = array<i32>} : memref<25088xf32, #tpu.memory_space<vmem>>, vector<16xf32>,
      %add3A_237 = arith.constant 6272 : i32
      %add3A_238 = arith.addi %add3A_237, %mul3A_234 : i32
      %get3A_239 = arith.index_cast %add3A_238 : i32 to index
      %get3A_240 = tpu.vector_load %arg6[%get3A_239] {strides = array<i32>} : memref<25088xf32, #tpu.memory_space<vmem>>, vector<16xf32>,
      %add3A_241 = arith.constant 12544 : i32
      %add3A_242 = arith.addi %add3A_241, %mul3A_234 : i32
      %get3A_243 = arith.index_cast %add3A_242 : i32 to index
      %get3A_244 = tpu.vector_load %arg6[%get3A_243] {strides = array<i32>} : memref<25088xf32, #tpu.memory_space<vmem>>, vector<16xf32>,
      %add3A_245 = arith.constant 18816 : i32
      %add3A_246 = arith.addi %add3A_245, %mul3A_234 : i32
      %get3A_247 = arith.index_cast %add3A_246 : i32 to index
      %get3A_248 = tpu.vector_load %arg6[%get3A_247] {strides = array<i32>} : memref<25088xf32, #tpu.memory_space<vmem>>, vector<16xf32>,
      %select_n3A_249 = arith.select %eq3A_169, %get3A_244, %get3A_248 : vector<16xi1>, vector<16xf32>
      %select_n3A_250 = arith.select %eq3A_166, %get3A_240, %select_n3A_249 : vector<16xi1>, vector<16xf32>
      %abs3A = math.absf %get3A_240 : vector<16xf32>
      %abs3A_251 = math.absf %get3A_244 : vector<16xf32>
      %add3A_252 = arith.addf %abs3A, %abs3A_251 : vector<16xf32>
      %abs3A_253 = math.absf %get3A_248 : vector<16xf32>
      %add3A_254 = arith.addf %add3A_252, %abs3A_253 : vector<16xf32>
      %gt3A = arith.constant 0.000000e+00 : f32
      %gt3A_255 = vector.broadcast %gt3A : f32 to vector<16xf32>
      %gt3A_256 = arith.cmpf ogt, %add3A_254, %gt3A_255 : vector<16xf32>
      %jit3A_257 = arith.constant 1.000000e+00 : f32
      %jit3A_258 = arith.constant 0.000000e+00 : f32
      %broadcast_in_dim3A_259 = vector.broadcast %jit3A_257 : f32 to vector<16xf32>
      %broadcast_in_dim3A_260 = vector.broadcast %jit3A_258 : f32 to vector<16xf32>
      %select_n3A_261 = arith.select %gt3A_256, %broadcast_in_dim3A_259, %broadcast_in_dim3A_260 : vector<16xi1>, vector<16xf32>
      %gt3A_262 = arith.constant 1.000000e+00 : f32
      %gt3A_263 = vector.broadcast %gt3A_262 : f32 to vector<16xf32>
      %gt3A_264 = arith.cmpf ogt, %get3A_236, %gt3A_263 : vector<16xf32>
      %mul3A_265 = arith.mulf %get3A_236, %get3A_163 : vector<16xf32>
      %select_n3A_266 = arith.select %gt3A_264, %mul3A_265, %get3A_236 : vector<16xi1>, vector<16xf32>
      %lt3A_267 = arith.constant -1.000000e+00 : f32
      %lt3A_268 = vector.broadcast %lt3A_267 : f32 to vector<16xf32>
      %lt3A_269 = arith.cmpf olt, %get3A_236, %lt3A_268 : vector<16xf32>
      %mul3A_270 = arith.mulf %get3A_236, %get3A_163 : vector<16xf32>
      %select_n3A_271 = arith.select %lt3A_269, %mul3A_270, %select_n3A_266 : vector<16xi1>, vector<16xf32>
      %sub3A_272 = arith.subf %select_n3A_271, %select_n3A_250 : vector<16xf32>
      %mul3A_273 = arith.mulf %sub3A_272, %sub3A_272 : vector<16xf32>
      %mul3A_274 = arith.mulf %mul3A_273, %select_n3A_261 : vector<16xf32>
      %add3A_275 = arith.addf %scan3A_228, %mul3A_274 : vector<16xf32>
      %add3A_276 = arith.addf %scan3A_227, %select_n3A_261 : vector<16xf32>
      %sub3A_277 = arith.constant -6.500000e+00 : f32
      %sub3A_278 = vector.broadcast %sub3A_277 : f32 to vector<16xf32>
      %sub3A_279 = arith.subf %select_n3A_271, %sub3A_278 : vector<16xf32>
      %mul3A_280 = arith.constant 19.6153851 : f32
      %mul3A_281 = vector.broadcast %mul3A_280 : f32 to vector<16xf32>
      %mul3A_282 = arith.mulf %sub3A_279, %mul3A_281 : vector<16xf32>
      %add3A_283 = arith.constant 5.000000e-01 : f32
      %add3A_284 = vector.broadcast %add3A_283 : f32 to vector<16xf32>
      %add3A_285 = arith.addf %mul3A_282, %add3A_284 : vector<16xf32>
      %max3A = arith.constant 0.000000e+00 : f32
      %max3A_286 = vector.broadcast %max3A : f32 to vector<16xf32>
      %max3A_287 = arith.maximumf %add3A_285, %max3A_286 : vector<16xf32>
      %min3A = arith.constant 2.549990e+02 : f32
      %min3A_288 = vector.broadcast %min3A : f32 to vector<16xf32>
      %min3A_289 = arith.minimumf %max3A_287, %min3A_288 : vector<16xf32>
      %convert_element_type3A = arith.fptosi %min3A_289 : vector<16xf32> to vector<16xi32>
      %add3A_290 = arith.addi %mul3A_121, %convert_element_type3A : vector<16xi32>
      tpu.vector_store_idx %arg7[%add3A_290], %select_n3A_261 {add = true} : memref<4096xf32, #tpu.memory_space<vmem>>[vector<16xi32>], vector<16xf32>,
      %sub3A_291 = arith.constant -6.500000e+00 : f32
      %sub3A_292 = vector.broadcast %sub3A_291 : f32 to vector<16xf32>
      %sub3A_293 = arith.subf %select_n3A_250, %sub3A_292 : vector<16xf32>
      %mul3A_294 = arith.constant 19.6153851 : f32
      %mul3A_295 = vector.broadcast %mul3A_294 : f32 to vector<16xf32>
      %mul3A_296 = arith.mulf %sub3A_293, %mul3A_295 : vector<16xf32>
      %add3A_297 = arith.constant 5.000000e-01 : f32
      %add3A_298 = vector.broadcast %add3A_297 : f32 to vector<16xf32>
      %add3A_299 = arith.addf %mul3A_296, %add3A_298 : vector<16xf32>
      %max3A_300 = arith.constant 0.000000e+00 : f32
      %max3A_301 = vector.broadcast %max3A_300 : f32 to vector<16xf32>
      %max3A_302 = arith.maximumf %add3A_299, %max3A_301 : vector<16xf32>
      %min3A_303 = arith.constant 2.549990e+02 : f32
      %min3A_304 = vector.broadcast %min3A_303 : f32 to vector<16xf32>
      %min3A_305 = arith.minimumf %max3A_302, %min3A_304 : vector<16xf32>
      %convert_element_type3A_306 = arith.fptosi %min3A_305 : vector<16xf32> to vector<16xi32>
      %add3A_307 = arith.addi %mul3A_121, %convert_element_type3A_306 : vector<16xi32>
      tpu.vector_store_idx %arg8[%add3A_307], %select_n3A_261 {add = true} : memref<4096xf32, #tpu.memory_space<vmem>>[vector<16xi32>], vector<16xf32>,
      %scan3A_308 = arith.constant 1 : i32
      %scan3A_309 = arith.addi %scan3A_226, %scan3A_308 : i32
      %mul3A_310 = arith.constant 1 : i32
      %mul3A_311 = arith.muli %scan3A_309, %mul3A_310 : i32
      %add3A_312 = arith.constant 0 : i32
      %add3A_313 = arith.addi %add3A_312, %mul3A_311 : i32
      %mul3A_314 = arith.constant 16 : i32
      %mul3A_315 = arith.muli %add3A_313, %mul3A_314 : i32
      %get3A_316 = arith.index_cast %mul3A_315 : i32 to index
      %get3A_317 = tpu.vector_load %arg6[%get3A_316] {strides = array<i32>} : memref<25088xf32, #tpu.memory_space<vmem>>, vector<16xf32>,
      %add3A_318 = arith.constant 6272 : i32
      %add3A_319 = arith.addi %add3A_318, %mul3A_315 : i32
      %get3A_320 = arith.index_cast %add3A_319 : i32 to index
      %get3A_321 = tpu.vector_load %arg6[%get3A_320] {strides = array<i32>} : memref<25088xf32, #tpu.memory_space<vmem>>, vector<16xf32>,
      %add3A_322 = arith.constant 12544 : i32
      %add3A_323 = arith.addi %add3A_322, %mul3A_315 : i32
      %get3A_324 = arith.index_cast %add3A_323 : i32 to index
      %get3A_325 = tpu.vector_load %arg6[%get3A_324] {strides = array<i32>} : memref<25088xf32, #tpu.memory_space<vmem>>, vector<16xf32>,
      %add3A_326 = arith.constant 18816 : i32
      %add3A_327 = arith.addi %add3A_326, %mul3A_315 : i32
      %get3A_328 = arith.index_cast %add3A_327 : i32 to index
      %get3A_329 = tpu.vector_load %arg6[%get3A_328] {strides = array<i32>} : memref<25088xf32, #tpu.memory_space<vmem>>, vector<16xf32>,
      %select_n3A_330 = arith.select %eq3A_169, %get3A_325, %get3A_329 : vector<16xi1>, vector<16xf32>
      %select_n3A_331 = arith.select %eq3A_166, %get3A_321, %select_n3A_330 : vector<16xi1>, vector<16xf32>
      %abs3A_332 = math.absf %get3A_321 : vector<16xf32>
      %abs3A_333 = math.absf %get3A_325 : vector<16xf32>
      %add3A_334 = arith.addf %abs3A_332, %abs3A_333 : vector<16xf32>
      %abs3A_335 = math.absf %get3A_329 : vector<16xf32>
      %add3A_336 = arith.addf %add3A_334, %abs3A_335 : vector<16xf32>
      %gt3A_337 = arith.constant 0.000000e+00 : f32
      %gt3A_338 = vector.broadcast %gt3A_337 : f32 to vector<16xf32>
      %gt3A_339 = arith.cmpf ogt, %add3A_336, %gt3A_338 : vector<16xf32>
      %jit3A_340 = arith.constant 1.000000e+00 : f32
      %jit3A_341 = arith.constant 0.000000e+00 : f32
      %broadcast_in_dim3A_342 = vector.broadcast %jit3A_340 : f32 to vector<16xf32>
      %broadcast_in_dim3A_343 = vector.broadcast %jit3A_341 : f32 to vector<16xf32>
      %select_n3A_344 = arith.select %gt3A_339, %broadcast_in_dim3A_342, %broadcast_in_dim3A_343 : vector<16xi1>, vector<16xf32>
      %gt3A_345 = arith.constant 1.000000e+00 : f32
      %gt3A_346 = vector.broadcast %gt3A_345 : f32 to vector<16xf32>
      %gt3A_347 = arith.cmpf ogt, %get3A_317, %gt3A_346 : vector<16xf32>
      %mul3A_348 = arith.mulf %get3A_317, %get3A_163 : vector<16xf32>
      %select_n3A_349 = arith.select %gt3A_347, %mul3A_348, %get3A_317 : vector<16xi1>, vector<16xf32>
      %lt3A_350 = arith.constant -1.000000e+00 : f32
      %lt3A_351 = vector.broadcast %lt3A_350 : f32 to vector<16xf32>
      %lt3A_352 = arith.cmpf olt, %get3A_317, %lt3A_351 : vector<16xf32>
      %mul3A_353 = arith.mulf %get3A_317, %get3A_163 : vector<16xf32>
      %select_n3A_354 = arith.select %lt3A_352, %mul3A_353, %select_n3A_349 : vector<16xi1>, vector<16xf32>
      %sub3A_355 = arith.subf %select_n3A_354, %select_n3A_331 : vector<16xf32>
      %mul3A_356 = arith.mulf %sub3A_355, %sub3A_355 : vector<16xf32>
      %mul3A_357 = arith.mulf %mul3A_356, %select_n3A_344 : vector<16xf32>
      %add3A_358 = arith.addf %add3A_275, %mul3A_357 : vector<16xf32>
      %add3A_359 = arith.addf %add3A_276, %select_n3A_344 : vector<16xf32>
      %sub3A_360 = arith.constant -6.500000e+00 : f32
      %sub3A_361 = vector.broadcast %sub3A_360 : f32 to vector<16xf32>
      %sub3A_362 = arith.subf %select_n3A_354, %sub3A_361 : vector<16xf32>
      %mul3A_363 = arith.constant 19.6153851 : f32
      %mul3A_364 = vector.broadcast %mul3A_363 : f32 to vector<16xf32>
      %mul3A_365 = arith.mulf %sub3A_362, %mul3A_364 : vector<16xf32>
      %add3A_366 = arith.constant 5.000000e-01 : f32
      %add3A_367 = vector.broadcast %add3A_366 : f32 to vector<16xf32>
      %add3A_368 = arith.addf %mul3A_365, %add3A_367 : vector<16xf32>
      %max3A_369 = arith.constant 0.000000e+00 : f32
      %max3A_370 = vector.broadcast %max3A_369 : f32 to vector<16xf32>
      %max3A_371 = arith.maximumf %add3A_368, %max3A_370 : vector<16xf32>
      %min3A_372 = arith.constant 2.549990e+02 : f32
      %min3A_373 = vector.broadcast %min3A_372 : f32 to vector<16xf32>
      %min3A_374 = arith.minimumf %max3A_371, %min3A_373 : vector<16xf32>
      %convert_element_type3A_375 = arith.fptosi %min3A_374 : vector<16xf32> to vector<16xi32>
      %add3A_376 = arith.addi %mul3A_121, %convert_element_type3A_375 : vector<16xi32>
      tpu.vector_store_idx %arg7[%add3A_376], %select_n3A_344 {add = true} : memref<4096xf32, #tpu.memory_space<vmem>>[vector<16xi32>], vector<16xf32>,
      %sub3A_377 = arith.constant -6.500000e+00 : f32
      %sub3A_378 = vector.broadcast %sub3A_377 : f32 to vector<16xf32>
      %sub3A_379 = arith.subf %select_n3A_331, %sub3A_378 : vector<16xf32>
      %mul3A_380 = arith.constant 19.6153851 : f32
      %mul3A_381 = vector.broadcast %mul3A_380 : f32 to vector<16xf32>
      %mul3A_382 = arith.mulf %sub3A_379, %mul3A_381 : vector<16xf32>
      %add3A_383 = arith.constant 5.000000e-01 : f32
      %add3A_384 = vector.broadcast %add3A_383 : f32 to vector<16xf32>
      %add3A_385 = arith.addf %mul3A_382, %add3A_384 : vector<16xf32>
      %max3A_386 = arith.constant 0.000000e+00 : f32
      %max3A_387 = vector.broadcast %max3A_386 : f32 to vector<16xf32>
      %max3A_388 = arith.maximumf %add3A_385, %max3A_387 : vector<16xf32>
      %min3A_389 = arith.constant 2.549990e+02 : f32
      %min3A_390 = vector.broadcast %min3A_389 : f32 to vector<16xf32>
      %min3A_391 = arith.minimumf %max3A_388, %min3A_390 : vector<16xf32>
      %convert_element_type3A_392 = arith.fptosi %min3A_391 : vector<16xf32> to vector<16xi32>
      %add3A_393 = arith.addi %mul3A_121, %convert_element_type3A_392 : vector<16xi32>
      tpu.vector_store_idx %arg8[%add3A_393], %select_n3A_344 {add = true} : memref<4096xf32, #tpu.memory_space<vmem>>[vector<16xi32>], vector<16xf32>,
      %scan3A_394 = arith.constant 2 : i32
      %scan3A_395 = arith.addi %scan3A_226, %scan3A_394 : i32
      %mul3A_396 = arith.constant 1 : i32
      %mul3A_397 = arith.muli %scan3A_395, %mul3A_396 : i32
      %add3A_398 = arith.constant 0 : i32
      %add3A_399 = arith.addi %add3A_398, %mul3A_397 : i32
      %mul3A_400 = arith.constant 16 : i32
      %mul3A_401 = arith.muli %add3A_399, %mul3A_400 : i32
      %get3A_402 = arith.index_cast %mul3A_401 : i32 to index
      %get3A_403 = tpu.vector_load %arg6[%get3A_402] {strides = array<i32>} : memref<25088xf32, #tpu.memory_space<vmem>>, vector<16xf32>,
      %add3A_404 = arith.constant 6272 : i32
      %add3A_405 = arith.addi %add3A_404, %mul3A_401 : i32
      %get3A_406 = arith.index_cast %add3A_405 : i32 to index
      %get3A_407 = tpu.vector_load %arg6[%get3A_406] {strides = array<i32>} : memref<25088xf32, #tpu.memory_space<vmem>>, vector<16xf32>,
      %add3A_408 = arith.constant 12544 : i32
      %add3A_409 = arith.addi %add3A_408, %mul3A_401 : i32
      %get3A_410 = arith.index_cast %add3A_409 : i32 to index
      %get3A_411 = tpu.vector_load %arg6[%get3A_410] {strides = array<i32>} : memref<25088xf32, #tpu.memory_space<vmem>>, vector<16xf32>,
      %add3A_412 = arith.constant 18816 : i32
      %add3A_413 = arith.addi %add3A_412, %mul3A_401 : i32
      %get3A_414 = arith.index_cast %add3A_413 : i32 to index
      %get3A_415 = tpu.vector_load %arg6[%get3A_414] {strides = array<i32>} : memref<25088xf32, #tpu.memory_space<vmem>>, vector<16xf32>,
      %select_n3A_416 = arith.select %eq3A_169, %get3A_411, %get3A_415 : vector<16xi1>, vector<16xf32>
      %select_n3A_417 = arith.select %eq3A_166, %get3A_407, %select_n3A_416 : vector<16xi1>, vector<16xf32>
      %abs3A_418 = math.absf %get3A_407 : vector<16xf32>
      %abs3A_419 = math.absf %get3A_411 : vector<16xf32>
      %add3A_420 = arith.addf %abs3A_418, %abs3A_419 : vector<16xf32>
      %abs3A_421 = math.absf %get3A_415 : vector<16xf32>
      %add3A_422 = arith.addf %add3A_420, %abs3A_421 : vector<16xf32>
      %gt3A_423 = arith.constant 0.000000e+00 : f32
      %gt3A_424 = vector.broadcast %gt3A_423 : f32 to vector<16xf32>
      %gt3A_425 = arith.cmpf ogt, %add3A_422, %gt3A_424 : vector<16xf32>
      %jit3A_426 = arith.constant 1.000000e+00 : f32
      %jit3A_427 = arith.constant 0.000000e+00 : f32
      %broadcast_in_dim3A_428 = vector.broadcast %jit3A_426 : f32 to vector<16xf32>
      %broadcast_in_dim3A_429 = vector.broadcast %jit3A_427 : f32 to vector<16xf32>
      %select_n3A_430 = arith.select %gt3A_425, %broadcast_in_dim3A_428, %broadcast_in_dim3A_429 : vector<16xi1>, vector<16xf32>
      %gt3A_431 = arith.constant 1.000000e+00 : f32
      %gt3A_432 = vector.broadcast %gt3A_431 : f32 to vector<16xf32>
      %gt3A_433 = arith.cmpf ogt, %get3A_403, %gt3A_432 : vector<16xf32>
      %mul3A_434 = arith.mulf %get3A_403, %get3A_163 : vector<16xf32>
      %select_n3A_435 = arith.select %gt3A_433, %mul3A_434, %get3A_403 : vector<16xi1>, vector<16xf32>
      %lt3A_436 = arith.constant -1.000000e+00 : f32
      %lt3A_437 = vector.broadcast %lt3A_436 : f32 to vector<16xf32>
      %lt3A_438 = arith.cmpf olt, %get3A_403, %lt3A_437 : vector<16xf32>
      %mul3A_439 = arith.mulf %get3A_403, %get3A_163 : vector<16xf32>
      %select_n3A_440 = arith.select %lt3A_438, %mul3A_439, %select_n3A_435 : vector<16xi1>, vector<16xf32>
      %sub3A_441 = arith.subf %select_n3A_440, %select_n3A_417 : vector<16xf32>
      %mul3A_442 = arith.mulf %sub3A_441, %sub3A_441 : vector<16xf32>
      %mul3A_443 = arith.mulf %mul3A_442, %select_n3A_430 : vector<16xf32>
      %add3A_444 = arith.addf %add3A_358, %mul3A_443 : vector<16xf32>
      %add3A_445 = arith.addf %add3A_359, %select_n3A_430 : vector<16xf32>
      %sub3A_446 = arith.constant -6.500000e+00 : f32
      %sub3A_447 = vector.broadcast %sub3A_446 : f32 to vector<16xf32>
      %sub3A_448 = arith.subf %select_n3A_440, %sub3A_447 : vector<16xf32>
      %mul3A_449 = arith.constant 19.6153851 : f32
      %mul3A_450 = vector.broadcast %mul3A_449 : f32 to vector<16xf32>
      %mul3A_451 = arith.mulf %sub3A_448, %mul3A_450 : vector<16xf32>
      %add3A_452 = arith.constant 5.000000e-01 : f32
      %add3A_453 = vector.broadcast %add3A_452 : f32 to vector<16xf32>
      %add3A_454 = arith.addf %mul3A_451, %add3A_453 : vector<16xf32>
      %max3A_455 = arith.constant 0.000000e+00 : f32
      %max3A_456 = vector.broadcast %max3A_455 : f32 to vector<16xf32>
      %max3A_457 = arith.maximumf %add3A_454, %max3A_456 : vector<16xf32>
      %min3A_458 = arith.constant 2.549990e+02 : f32
      %min3A_459 = vector.broadcast %min3A_458 : f32 to vector<16xf32>
      %min3A_460 = arith.minimumf %max3A_457, %min3A_459 : vector<16xf32>
      %convert_element_type3A_461 = arith.fptosi %min3A_460 : vector<16xf32> to vector<16xi32>
      %add3A_462 = arith.addi %mul3A_121, %convert_element_type3A_461 : vector<16xi32>
      tpu.vector_store_idx %arg7[%add3A_462], %select_n3A_430 {add = true} : memref<4096xf32, #tpu.memory_space<vmem>>[vector<16xi32>], vector<16xf32>,
      %sub3A_463 = arith.constant -6.500000e+00 : f32
      %sub3A_464 = vector.broadcast %sub3A_463 : f32 to vector<16xf32>
      %sub3A_465 = arith.subf %select_n3A_417, %sub3A_464 : vector<16xf32>
      %mul3A_466 = arith.constant 19.6153851 : f32
      %mul3A_467 = vector.broadcast %mul3A_466 : f32 to vector<16xf32>
      %mul3A_468 = arith.mulf %sub3A_465, %mul3A_467 : vector<16xf32>
      %add3A_469 = arith.constant 5.000000e-01 : f32
      %add3A_470 = vector.broadcast %add3A_469 : f32 to vector<16xf32>
      %add3A_471 = arith.addf %mul3A_468, %add3A_470 : vector<16xf32>
      %max3A_472 = arith.constant 0.000000e+00 : f32
      %max3A_473 = vector.broadcast %max3A_472 : f32 to vector<16xf32>
      %max3A_474 = arith.maximumf %add3A_471, %max3A_473 : vector<16xf32>
      %min3A_475 = arith.constant 2.549990e+02 : f32
      %min3A_476 = vector.broadcast %min3A_475 : f32 to vector<16xf32>
      %min3A_477 = arith.minimumf %max3A_474, %min3A_476 : vector<16xf32>
      %convert_element_type3A_478 = arith.fptosi %min3A_477 : vector<16xf32> to vector<16xi32>
      %add3A_479 = arith.addi %mul3A_121, %convert_element_type3A_478 : vector<16xi32>
      tpu.vector_store_idx %arg8[%add3A_479], %select_n3A_430 {add = true} : memref<4096xf32, #tpu.memory_space<vmem>>[vector<16xi32>], vector<16xf32>,
      %scan3A_480 = arith.constant 3 : i32
      %scan3A_481 = arith.addi %scan3A_226, %scan3A_480 : i32
      %mul3A_482 = arith.constant 1 : i32
      %mul3A_483 = arith.muli %scan3A_481, %mul3A_482 : i32
      %add3A_484 = arith.constant 0 : i32
      %add3A_485 = arith.addi %add3A_484, %mul3A_483 : i32
      %mul3A_486 = arith.constant 16 : i32
      %mul3A_487 = arith.muli %add3A_485, %mul3A_486 : i32
      %get3A_488 = arith.index_cast %mul3A_487 : i32 to index
      %get3A_489 = tpu.vector_load %arg6[%get3A_488] {strides = array<i32>} : memref<25088xf32, #tpu.memory_space<vmem>>, vector<16xf32>,
      %add3A_490 = arith.constant 6272 : i32
      %add3A_491 = arith.addi %add3A_490, %mul3A_487 : i32
      %get3A_492 = arith.index_cast %add3A_491 : i32 to index
      %get3A_493 = tpu.vector_load %arg6[%get3A_492] {strides = array<i32>} : memref<25088xf32, #tpu.memory_space<vmem>>, vector<16xf32>,
      %add3A_494 = arith.constant 12544 : i32
      %add3A_495 = arith.addi %add3A_494, %mul3A_487 : i32
      %get3A_496 = arith.index_cast %add3A_495 : i32 to index
      %get3A_497 = tpu.vector_load %arg6[%get3A_496] {strides = array<i32>} : memref<25088xf32, #tpu.memory_space<vmem>>, vector<16xf32>,
      %add3A_498 = arith.constant 18816 : i32
      %add3A_499 = arith.addi %add3A_498, %mul3A_487 : i32
      %get3A_500 = arith.index_cast %add3A_499 : i32 to index
      %get3A_501 = tpu.vector_load %arg6[%get3A_500] {strides = array<i32>} : memref<25088xf32, #tpu.memory_space<vmem>>, vector<16xf32>,
      %select_n3A_502 = arith.select %eq3A_169, %get3A_497, %get3A_501 : vector<16xi1>, vector<16xf32>
      %select_n3A_503 = arith.select %eq3A_166, %get3A_493, %select_n3A_502 : vector<16xi1>, vector<16xf32>
      %abs3A_504 = math.absf %get3A_493 : vector<16xf32>
      %abs3A_505 = math.absf %get3A_497 : vector<16xf32>
      %add3A_506 = arith.addf %abs3A_504, %abs3A_505 : vector<16xf32>
      %abs3A_507 = math.absf %get3A_501 : vector<16xf32>
      %add3A_508 = arith.addf %add3A_506, %abs3A_507 : vector<16xf32>
      %gt3A_509 = arith.constant 0.000000e+00 : f32
      %gt3A_510 = vector.broadcast %gt3A_509 : f32 to vector<16xf32>
      %gt3A_511 = arith.cmpf ogt, %add3A_508, %gt3A_510 : vector<16xf32>
      %jit3A_512 = arith.constant 1.000000e+00 : f32
      %jit3A_513 = arith.constant 0.000000e+00 : f32
      %broadcast_in_dim3A_514 = vector.broadcast %jit3A_512 : f32 to vector<16xf32>
      %broadcast_in_dim3A_515 = vector.broadcast %jit3A_513 : f32 to vector<16xf32>
      %select_n3A_516 = arith.select %gt3A_511, %broadcast_in_dim3A_514, %broadcast_in_dim3A_515 : vector<16xi1>, vector<16xf32>
      %gt3A_517 = arith.constant 1.000000e+00 : f32
      %gt3A_518 = vector.broadcast %gt3A_517 : f32 to vector<16xf32>
      %gt3A_519 = arith.cmpf ogt, %get3A_489, %gt3A_518 : vector<16xf32>
      %mul3A_520 = arith.mulf %get3A_489, %get3A_163 : vector<16xf32>
      %select_n3A_521 = arith.select %gt3A_519, %mul3A_520, %get3A_489 : vector<16xi1>, vector<16xf32>
      %lt3A_522 = arith.constant -1.000000e+00 : f32
      %lt3A_523 = vector.broadcast %lt3A_522 : f32 to vector<16xf32>
      %lt3A_524 = arith.cmpf olt, %get3A_489, %lt3A_523 : vector<16xf32>
      %mul3A_525 = arith.mulf %get3A_489, %get3A_163 : vector<16xf32>
      %select_n3A_526 = arith.select %lt3A_524, %mul3A_525, %select_n3A_521 : vector<16xi1>, vector<16xf32>
      %sub3A_527 = arith.subf %select_n3A_526, %select_n3A_503 : vector<16xf32>
      %mul3A_528 = arith.mulf %sub3A_527, %sub3A_527 : vector<16xf32>
      %mul3A_529 = arith.mulf %mul3A_528, %select_n3A_516 : vector<16xf32>
      %add3A_530 = arith.addf %add3A_444, %mul3A_529 : vector<16xf32>
      %add3A_531 = arith.addf %add3A_445, %select_n3A_516 : vector<16xf32>
      %sub3A_532 = arith.constant -6.500000e+00 : f32
      %sub3A_533 = vector.broadcast %sub3A_532 : f32 to vector<16xf32>
      %sub3A_534 = arith.subf %select_n3A_526, %sub3A_533 : vector<16xf32>
      %mul3A_535 = arith.constant 19.6153851 : f32
      %mul3A_536 = vector.broadcast %mul3A_535 : f32 to vector<16xf32>
      %mul3A_537 = arith.mulf %sub3A_534, %mul3A_536 : vector<16xf32>
      %add3A_538 = arith.constant 5.000000e-01 : f32
      %add3A_539 = vector.broadcast %add3A_538 : f32 to vector<16xf32>
      %add3A_540 = arith.addf %mul3A_537, %add3A_539 : vector<16xf32>
      %max3A_541 = arith.constant 0.000000e+00 : f32
      %max3A_542 = vector.broadcast %max3A_541 : f32 to vector<16xf32>
      %max3A_543 = arith.maximumf %add3A_540, %max3A_542 : vector<16xf32>
      %min3A_544 = arith.constant 2.549990e+02 : f32
      %min3A_545 = vector.broadcast %min3A_544 : f32 to vector<16xf32>
      %min3A_546 = arith.minimumf %max3A_543, %min3A_545 : vector<16xf32>
      %convert_element_type3A_547 = arith.fptosi %min3A_546 : vector<16xf32> to vector<16xi32>
      %add3A_548 = arith.addi %mul3A_121, %convert_element_type3A_547 : vector<16xi32>
      tpu.vector_store_idx %arg7[%add3A_548], %select_n3A_516 {add = true} : memref<4096xf32, #tpu.memory_space<vmem>>[vector<16xi32>], vector<16xf32>,
      %sub3A_549 = arith.constant -6.500000e+00 : f32
      %sub3A_550 = vector.broadcast %sub3A_549 : f32 to vector<16xf32>
      %sub3A_551 = arith.subf %select_n3A_503, %sub3A_550 : vector<16xf32>
      %mul3A_552 = arith.constant 19.6153851 : f32
      %mul3A_553 = vector.broadcast %mul3A_552 : f32 to vector<16xf32>
      %mul3A_554 = arith.mulf %sub3A_551, %mul3A_553 : vector<16xf32>
      %add3A_555 = arith.constant 5.000000e-01 : f32
      %add3A_556 = vector.broadcast %add3A_555 : f32 to vector<16xf32>
      %add3A_557 = arith.addf %mul3A_554, %add3A_556 : vector<16xf32>
      %max3A_558 = arith.constant 0.000000e+00 : f32
      %max3A_559 = vector.broadcast %max3A_558 : f32 to vector<16xf32>
      %max3A_560 = arith.maximumf %add3A_557, %max3A_559 : vector<16xf32>
      %min3A_561 = arith.constant 2.549990e+02 : f32
      %min3A_562 = vector.broadcast %min3A_561 : f32 to vector<16xf32>
      %min3A_563 = arith.minimumf %max3A_560, %min3A_562 : vector<16xf32>
      %convert_element_type3A_564 = arith.fptosi %min3A_563 : vector<16xf32> to vector<16xi32>
      %add3A_565 = arith.addi %mul3A_121, %convert_element_type3A_564 : vector<16xi32>
      tpu.vector_store_idx %arg8[%add3A_565], %select_n3A_516 {add = true} : memref<4096xf32, #tpu.memory_space<vmem>>[vector<16xi32>], vector<16xf32>,
      %scan3A_566 = arith.constant 4 : i32
      %scan3A_567 = arith.addi %scan3A_226, %scan3A_566 : i32
      %mul3A_568 = arith.constant 1 : i32
      %mul3A_569 = arith.muli %scan3A_567, %mul3A_568 : i32
      %add3A_570 = arith.constant 0 : i32
      %add3A_571 = arith.addi %add3A_570, %mul3A_569 : i32
      %mul3A_572 = arith.constant 16 : i32
      %mul3A_573 = arith.muli %add3A_571, %mul3A_572 : i32
      %get3A_574 = arith.index_cast %mul3A_573 : i32 to index
      %get3A_575 = tpu.vector_load %arg6[%get3A_574] {strides = array<i32>} : memref<25088xf32, #tpu.memory_space<vmem>>, vector<16xf32>,
      %add3A_576 = arith.constant 6272 : i32
      %add3A_577 = arith.addi %add3A_576, %mul3A_573 : i32
      %get3A_578 = arith.index_cast %add3A_577 : i32 to index
      %get3A_579 = tpu.vector_load %arg6[%get3A_578] {strides = array<i32>} : memref<25088xf32, #tpu.memory_space<vmem>>, vector<16xf32>,
      %add3A_580 = arith.constant 12544 : i32
      %add3A_581 = arith.addi %add3A_580, %mul3A_573 : i32
      %get3A_582 = arith.index_cast %add3A_581 : i32 to index
      %get3A_583 = tpu.vector_load %arg6[%get3A_582] {strides = array<i32>} : memref<25088xf32, #tpu.memory_space<vmem>>, vector<16xf32>,
      %add3A_584 = arith.constant 18816 : i32
      %add3A_585 = arith.addi %add3A_584, %mul3A_573 : i32
      %get3A_586 = arith.index_cast %add3A_585 : i32 to index
      %get3A_587 = tpu.vector_load %arg6[%get3A_586] {strides = array<i32>} : memref<25088xf32, #tpu.memory_space<vmem>>, vector<16xf32>,
      %select_n3A_588 = arith.select %eq3A_169, %get3A_583, %get3A_587 : vector<16xi1>, vector<16xf32>
      %select_n3A_589 = arith.select %eq3A_166, %get3A_579, %select_n3A_588 : vector<16xi1>, vector<16xf32>
      %abs3A_590 = math.absf %get3A_579 : vector<16xf32>
      %abs3A_591 = math.absf %get3A_583 : vector<16xf32>
      %add3A_592 = arith.addf %abs3A_590, %abs3A_591 : vector<16xf32>
      %abs3A_593 = math.absf %get3A_587 : vector<16xf32>
      %add3A_594 = arith.addf %add3A_592, %abs3A_593 : vector<16xf32>
      %gt3A_595 = arith.constant 0.000000e+00 : f32
      %gt3A_596 = vector.broadcast %gt3A_595 : f32 to vector<16xf32>
      %gt3A_597 = arith.cmpf ogt, %add3A_594, %gt3A_596 : vector<16xf32>
      %jit3A_598 = arith.constant 1.000000e+00 : f32
      %jit3A_599 = arith.constant 0.000000e+00 : f32
      %broadcast_in_dim3A_600 = vector.broadcast %jit3A_598 : f32 to vector<16xf32>
      %broadcast_in_dim3A_601 = vector.broadcast %jit3A_599 : f32 to vector<16xf32>
      %select_n3A_602 = arith.select %gt3A_597, %broadcast_in_dim3A_600, %broadcast_in_dim3A_601 : vector<16xi1>, vector<16xf32>
      %gt3A_603 = arith.constant 1.000000e+00 : f32
      %gt3A_604 = vector.broadcast %gt3A_603 : f32 to vector<16xf32>
      %gt3A_605 = arith.cmpf ogt, %get3A_575, %gt3A_604 : vector<16xf32>
      %mul3A_606 = arith.mulf %get3A_575, %get3A_163 : vector<16xf32>
      %select_n3A_607 = arith.select %gt3A_605, %mul3A_606, %get3A_575 : vector<16xi1>, vector<16xf32>
      %lt3A_608 = arith.constant -1.000000e+00 : f32
      %lt3A_609 = vector.broadcast %lt3A_608 : f32 to vector<16xf32>
      %lt3A_610 = arith.cmpf olt, %get3A_575, %lt3A_609 : vector<16xf32>
      %mul3A_611 = arith.mulf %get3A_575, %get3A_163 : vector<16xf32>
      %select_n3A_612 = arith.select %lt3A_610, %mul3A_611, %select_n3A_607 : vector<16xi1>, vector<16xf32>
      %sub3A_613 = arith.subf %select_n3A_612, %select_n3A_589 : vector<16xf32>
      %mul3A_614 = arith.mulf %sub3A_613, %sub3A_613 : vector<16xf32>
      %mul3A_615 = arith.mulf %mul3A_614, %select_n3A_602 : vector<16xf32>
      %add3A_616 = arith.addf %add3A_530, %mul3A_615 : vector<16xf32>
      %add3A_617 = arith.addf %add3A_531, %select_n3A_602 : vector<16xf32>
      %sub3A_618 = arith.constant -6.500000e+00 : f32
      %sub3A_619 = vector.broadcast %sub3A_618 : f32 to vector<16xf32>
      %sub3A_620 = arith.subf %select_n3A_612, %sub3A_619 : vector<16xf32>
      %mul3A_621 = arith.constant 19.6153851 : f32
      %mul3A_622 = vector.broadcast %mul3A_621 : f32 to vector<16xf32>
      %mul3A_623 = arith.mulf %sub3A_620, %mul3A_622 : vector<16xf32>
      %add3A_624 = arith.constant 5.000000e-01 : f32
      %add3A_625 = vector.broadcast %add3A_624 : f32 to vector<16xf32>
      %add3A_626 = arith.addf %mul3A_623, %add3A_625 : vector<16xf32>
      %max3A_627 = arith.constant 0.000000e+00 : f32
      %max3A_628 = vector.broadcast %max3A_627 : f32 to vector<16xf32>
      %max3A_629 = arith.maximumf %add3A_626, %max3A_628 : vector<16xf32>
      %min3A_630 = arith.constant 2.549990e+02 : f32
      %min3A_631 = vector.broadcast %min3A_630 : f32 to vector<16xf32>
      %min3A_632 = arith.minimumf %max3A_629, %min3A_631 : vector<16xf32>
      %convert_element_type3A_633 = arith.fptosi %min3A_632 : vector<16xf32> to vector<16xi32>
      %add3A_634 = arith.addi %mul3A_121, %convert_element_type3A_633 : vector<16xi32>
      tpu.vector_store_idx %arg7[%add3A_634], %select_n3A_602 {add = true} : memref<4096xf32, #tpu.memory_space<vmem>>[vector<16xi32>], vector<16xf32>,
      %sub3A_635 = arith.constant -6.500000e+00 : f32
      %sub3A_636 = vector.broadcast %sub3A_635 : f32 to vector<16xf32>
      %sub3A_637 = arith.subf %select_n3A_589, %sub3A_636 : vector<16xf32>
      %mul3A_638 = arith.constant 19.6153851 : f32
      %mul3A_639 = vector.broadcast %mul3A_638 : f32 to vector<16xf32>
      %mul3A_640 = arith.mulf %sub3A_637, %mul3A_639 : vector<16xf32>
      %add3A_641 = arith.constant 5.000000e-01 : f32
      %add3A_642 = vector.broadcast %add3A_641 : f32 to vector<16xf32>
      %add3A_643 = arith.addf %mul3A_640, %add3A_642 : vector<16xf32>
      %max3A_644 = arith.constant 0.000000e+00 : f32
      %max3A_645 = vector.broadcast %max3A_644 : f32 to vector<16xf32>
      %max3A_646 = arith.maximumf %add3A_643, %max3A_645 : vector<16xf32>
      %min3A_647 = arith.constant 2.549990e+02 : f32
      %min3A_648 = vector.broadcast %min3A_647 : f32 to vector<16xf32>
      %min3A_649 = arith.minimumf %max3A_646, %min3A_648 : vector<16xf32>
      %convert_element_type3A_650 = arith.fptosi %min3A_649 : vector<16xf32> to vector<16xi32>
      %add3A_651 = arith.addi %mul3A_121, %convert_element_type3A_650 : vector<16xi32>
      tpu.vector_store_idx %arg8[%add3A_651], %select_n3A_602 {add = true} : memref<4096xf32, #tpu.memory_space<vmem>>[vector<16xi32>], vector<16xf32>,
      %scan3A_652 = arith.constant 5 : i32
      %scan3A_653 = arith.addi %scan3A_226, %scan3A_652 : i32
      %mul3A_654 = arith.constant 1 : i32
      %mul3A_655 = arith.muli %scan3A_653, %mul3A_654 : i32
      %add3A_656 = arith.constant 0 : i32
      %add3A_657 = arith.addi %add3A_656, %mul3A_655 : i32
      %mul3A_658 = arith.constant 16 : i32
      %mul3A_659 = arith.muli %add3A_657, %mul3A_658 : i32
      %get3A_660 = arith.index_cast %mul3A_659 : i32 to index
      %get3A_661 = tpu.vector_load %arg6[%get3A_660] {strides = array<i32>} : memref<25088xf32, #tpu.memory_space<vmem>>, vector<16xf32>,
      %add3A_662 = arith.constant 6272 : i32
      %add3A_663 = arith.addi %add3A_662, %mul3A_659 : i32
      %get3A_664 = arith.index_cast %add3A_663 : i32 to index
      %get3A_665 = tpu.vector_load %arg6[%get3A_664] {strides = array<i32>} : memref<25088xf32, #tpu.memory_space<vmem>>, vector<16xf32>,
      %add3A_666 = arith.constant 12544 : i32
      %add3A_667 = arith.addi %add3A_666, %mul3A_659 : i32
      %get3A_668 = arith.index_cast %add3A_667 : i32 to index
      %get3A_669 = tpu.vector_load %arg6[%get3A_668] {strides = array<i32>} : memref<25088xf32, #tpu.memory_space<vmem>>, vector<16xf32>,
      %add3A_670 = arith.constant 18816 : i32
      %add3A_671 = arith.addi %add3A_670, %mul3A_659 : i32
      %get3A_672 = arith.index_cast %add3A_671 : i32 to index
      %get3A_673 = tpu.vector_load %arg6[%get3A_672] {strides = array<i32>} : memref<25088xf32, #tpu.memory_space<vmem>>, vector<16xf32>,
      %select_n3A_674 = arith.select %eq3A_169, %get3A_669, %get3A_673 : vector<16xi1>, vector<16xf32>
      %select_n3A_675 = arith.select %eq3A_166, %get3A_665, %select_n3A_674 : vector<16xi1>, vector<16xf32>
      %abs3A_676 = math.absf %get3A_665 : vector<16xf32>
      %abs3A_677 = math.absf %get3A_669 : vector<16xf32>
      %add3A_678 = arith.addf %abs3A_676, %abs3A_677 : vector<16xf32>
      %abs3A_679 = math.absf %get3A_673 : vector<16xf32>
      %add3A_680 = arith.addf %add3A_678, %abs3A_679 : vector<16xf32>
      %gt3A_681 = arith.constant 0.000000e+00 : f32
      %gt3A_682 = vector.broadcast %gt3A_681 : f32 to vector<16xf32>
      %gt3A_683 = arith.cmpf ogt, %add3A_680, %gt3A_682 : vector<16xf32>
      %jit3A_684 = arith.constant 1.000000e+00 : f32
      %jit3A_685 = arith.constant 0.000000e+00 : f32
      %broadcast_in_dim3A_686 = vector.broadcast %jit3A_684 : f32 to vector<16xf32>
      %broadcast_in_dim3A_687 = vector.broadcast %jit3A_685 : f32 to vector<16xf32>
      %select_n3A_688 = arith.select %gt3A_683, %broadcast_in_dim3A_686, %broadcast_in_dim3A_687 : vector<16xi1>, vector<16xf32>
      %gt3A_689 = arith.constant 1.000000e+00 : f32
      %gt3A_690 = vector.broadcast %gt3A_689 : f32 to vector<16xf32>
      %gt3A_691 = arith.cmpf ogt, %get3A_661, %gt3A_690 : vector<16xf32>
      %mul3A_692 = arith.mulf %get3A_661, %get3A_163 : vector<16xf32>
      %select_n3A_693 = arith.select %gt3A_691, %mul3A_692, %get3A_661 : vector<16xi1>, vector<16xf32>
      %lt3A_694 = arith.constant -1.000000e+00 : f32
      %lt3A_695 = vector.broadcast %lt3A_694 : f32 to vector<16xf32>
      %lt3A_696 = arith.cmpf olt, %get3A_661, %lt3A_695 : vector<16xf32>
      %mul3A_697 = arith.mulf %get3A_661, %get3A_163 : vector<16xf32>
      %select_n3A_698 = arith.select %lt3A_696, %mul3A_697, %select_n3A_693 : vector<16xi1>, vector<16xf32>
      %sub3A_699 = arith.subf %select_n3A_698, %select_n3A_675 : vector<16xf32>
      %mul3A_700 = arith.mulf %sub3A_699, %sub3A_699 : vector<16xf32>
      %mul3A_701 = arith.mulf %mul3A_700, %select_n3A_688 : vector<16xf32>
      %add3A_702 = arith.addf %add3A_616, %mul3A_701 : vector<16xf32>
      %add3A_703 = arith.addf %add3A_617, %select_n3A_688 : vector<16xf32>
      %sub3A_704 = arith.constant -6.500000e+00 : f32
      %sub3A_705 = vector.broadcast %sub3A_704 : f32 to vector<16xf32>
      %sub3A_706 = arith.subf %select_n3A_698, %sub3A_705 : vector<16xf32>
      %mul3A_707 = arith.constant 19.6153851 : f32
      %mul3A_708 = vector.broadcast %mul3A_707 : f32 to vector<16xf32>
      %mul3A_709 = arith.mulf %sub3A_706, %mul3A_708 : vector<16xf32>
      %add3A_710 = arith.constant 5.000000e-01 : f32
      %add3A_711 = vector.broadcast %add3A_710 : f32 to vector<16xf32>
      %add3A_712 = arith.addf %mul3A_709, %add3A_711 : vector<16xf32>
      %max3A_713 = arith.constant 0.000000e+00 : f32
      %max3A_714 = vector.broadcast %max3A_713 : f32 to vector<16xf32>
      %max3A_715 = arith.maximumf %add3A_712, %max3A_714 : vector<16xf32>
      %min3A_716 = arith.constant 2.549990e+02 : f32
      %min3A_717 = vector.broadcast %min3A_716 : f32 to vector<16xf32>
      %min3A_718 = arith.minimumf %max3A_715, %min3A_717 : vector<16xf32>
      %convert_element_type3A_719 = arith.fptosi %min3A_718 : vector<16xf32> to vector<16xi32>
      %add3A_720 = arith.addi %mul3A_121, %convert_element_type3A_719 : vector<16xi32>
      tpu.vector_store_idx %arg7[%add3A_720], %select_n3A_688 {add = true} : memref<4096xf32, #tpu.memory_space<vmem>>[vector<16xi32>], vector<16xf32>,
      %sub3A_721 = arith.constant -6.500000e+00 : f32
      %sub3A_722 = vector.broadcast %sub3A_721 : f32 to vector<16xf32>
      %sub3A_723 = arith.subf %select_n3A_675, %sub3A_722 : vector<16xf32>
      %mul3A_724 = arith.constant 19.6153851 : f32
      %mul3A_725 = vector.broadcast %mul3A_724 : f32 to vector<16xf32>
      %mul3A_726 = arith.mulf %sub3A_723, %mul3A_725 : vector<16xf32>
      %add3A_727 = arith.constant 5.000000e-01 : f32
      %add3A_728 = vector.broadcast %add3A_727 : f32 to vector<16xf32>
      %add3A_729 = arith.addf %mul3A_726, %add3A_728 : vector<16xf32>
      %max3A_730 = arith.constant 0.000000e+00 : f32
      %max3A_731 = vector.broadcast %max3A_730 : f32 to vector<16xf32>
      %max3A_732 = arith.maximumf %add3A_729, %max3A_731 : vector<16xf32>
      %min3A_733 = arith.constant 2.549990e+02 : f32
      %min3A_734 = vector.broadcast %min3A_733 : f32 to vector<16xf32>
      %min3A_735 = arith.minimumf %max3A_732, %min3A_734 : vector<16xf32>
      %convert_element_type3A_736 = arith.fptosi %min3A_735 : vector<16xf32> to vector<16xi32>
      %add3A_737 = arith.addi %mul3A_121, %convert_element_type3A_736 : vector<16xi32>
      tpu.vector_store_idx %arg8[%add3A_737], %select_n3A_688 {add = true} : memref<4096xf32, #tpu.memory_space<vmem>>[vector<16xi32>], vector<16xf32>,
      %scan3A_738 = arith.constant 6 : i32
      %scan3A_739 = arith.addi %scan3A_226, %scan3A_738 : i32
      %mul3A_740 = arith.constant 1 : i32
      %mul3A_741 = arith.muli %scan3A_739, %mul3A_740 : i32
      %add3A_742 = arith.constant 0 : i32
      %add3A_743 = arith.addi %add3A_742, %mul3A_741 : i32
      %mul3A_744 = arith.constant 16 : i32
      %mul3A_745 = arith.muli %add3A_743, %mul3A_744 : i32
      %get3A_746 = arith.index_cast %mul3A_745 : i32 to index
      %get3A_747 = tpu.vector_load %arg6[%get3A_746] {strides = array<i32>} : memref<25088xf32, #tpu.memory_space<vmem>>, vector<16xf32>,
      %add3A_748 = arith.constant 6272 : i32
      %add3A_749 = arith.addi %add3A_748, %mul3A_745 : i32
      %get3A_750 = arith.index_cast %add3A_749 : i32 to index
      %get3A_751 = tpu.vector_load %arg6[%get3A_750] {strides = array<i32>} : memref<25088xf32, #tpu.memory_space<vmem>>, vector<16xf32>,
      %add3A_752 = arith.constant 12544 : i32
      %add3A_753 = arith.addi %add3A_752, %mul3A_745 : i32
      %get3A_754 = arith.index_cast %add3A_753 : i32 to index
      %get3A_755 = tpu.vector_load %arg6[%get3A_754] {strides = array<i32>} : memref<25088xf32, #tpu.memory_space<vmem>>, vector<16xf32>,
      %add3A_756 = arith.constant 18816 : i32
      %add3A_757 = arith.addi %add3A_756, %mul3A_745 : i32
      %get3A_758 = arith.index_cast %add3A_757 : i32 to index
      %get3A_759 = tpu.vector_load %arg6[%get3A_758] {strides = array<i32>} : memref<25088xf32, #tpu.memory_space<vmem>>, vector<16xf32>,
      %select_n3A_760 = arith.select %eq3A_169, %get3A_755, %get3A_759 : vector<16xi1>, vector<16xf32>
      %select_n3A_761 = arith.select %eq3A_166, %get3A_751, %select_n3A_760 : vector<16xi1>, vector<16xf32>
      %abs3A_762 = math.absf %get3A_751 : vector<16xf32>
      %abs3A_763 = math.absf %get3A_755 : vector<16xf32>
      %add3A_764 = arith.addf %abs3A_762, %abs3A_763 : vector<16xf32>
      %abs3A_765 = math.absf %get3A_759 : vector<16xf32>
      %add3A_766 = arith.addf %add3A_764, %abs3A_765 : vector<16xf32>
      %gt3A_767 = arith.constant 0.000000e+00 : f32
      %gt3A_768 = vector.broadcast %gt3A_767 : f32 to vector<16xf32>
      %gt3A_769 = arith.cmpf ogt, %add3A_766, %gt3A_768 : vector<16xf32>
      %jit3A_770 = arith.constant 1.000000e+00 : f32
      %jit3A_771 = arith.constant 0.000000e+00 : f32
      %broadcast_in_dim3A_772 = vector.broadcast %jit3A_770 : f32 to vector<16xf32>
      %broadcast_in_dim3A_773 = vector.broadcast %jit3A_771 : f32 to vector<16xf32>
      %select_n3A_774 = arith.select %gt3A_769, %broadcast_in_dim3A_772, %broadcast_in_dim3A_773 : vector<16xi1>, vector<16xf32>
      %gt3A_775 = arith.constant 1.000000e+00 : f32
      %gt3A_776 = vector.broadcast %gt3A_775 : f32 to vector<16xf32>
      %gt3A_777 = arith.cmpf ogt, %get3A_747, %gt3A_776 : vector<16xf32>
      %mul3A_778 = arith.mulf %get3A_747, %get3A_163 : vector<16xf32>
      %select_n3A_779 = arith.select %gt3A_777, %mul3A_778, %get3A_747 : vector<16xi1>, vector<16xf32>
      %lt3A_780 = arith.constant -1.000000e+00 : f32
      %lt3A_781 = vector.broadcast %lt3A_780 : f32 to vector<16xf32>
      %lt3A_782 = arith.cmpf olt, %get3A_747, %lt3A_781 : vector<16xf32>
      %mul3A_783 = arith.mulf %get3A_747, %get3A_163 : vector<16xf32>
      %select_n3A_784 = arith.select %lt3A_782, %mul3A_783, %select_n3A_779 : vector<16xi1>, vector<16xf32>
      %sub3A_785 = arith.subf %select_n3A_784, %select_n3A_761 : vector<16xf32>
      %mul3A_786 = arith.mulf %sub3A_785, %sub3A_785 : vector<16xf32>
      %mul3A_787 = arith.mulf %mul3A_786, %select_n3A_774 : vector<16xf32>
      %add3A_788 = arith.addf %add3A_702, %mul3A_787 : vector<16xf32>
      %add3A_789 = arith.addf %add3A_703, %select_n3A_774 : vector<16xf32>
      %sub3A_790 = arith.constant -6.500000e+00 : f32
      %sub3A_791 = vector.broadcast %sub3A_790 : f32 to vector<16xf32>
      %sub3A_792 = arith.subf %select_n3A_784, %sub3A_791 : vector<16xf32>
      %mul3A_793 = arith.constant 19.6153851 : f32
      %mul3A_794 = vector.broadcast %mul3A_793 : f32 to vector<16xf32>
      %mul3A_795 = arith.mulf %sub3A_792, %mul3A_794 : vector<16xf32>
      %add3A_796 = arith.constant 5.000000e-01 : f32
      %add3A_797 = vector.broadcast %add3A_796 : f32 to vector<16xf32>
      %add3A_798 = arith.addf %mul3A_795, %add3A_797 : vector<16xf32>
      %max3A_799 = arith.constant 0.000000e+00 : f32
      %max3A_800 = vector.broadcast %max3A_799 : f32 to vector<16xf32>
      %max3A_801 = arith.maximumf %add3A_798, %max3A_800 : vector<16xf32>
      %min3A_802 = arith.constant 2.549990e+02 : f32
      %min3A_803 = vector.broadcast %min3A_802 : f32 to vector<16xf32>
      %min3A_804 = arith.minimumf %max3A_801, %min3A_803 : vector<16xf32>
      %convert_element_type3A_805 = arith.fptosi %min3A_804 : vector<16xf32> to vector<16xi32>
      %add3A_806 = arith.addi %mul3A_121, %convert_element_type3A_805 : vector<16xi32>
      tpu.vector_store_idx %arg7[%add3A_806], %select_n3A_774 {add = true} : memref<4096xf32, #tpu.memory_space<vmem>>[vector<16xi32>], vector<16xf32>,
      %sub3A_807 = arith.constant -6.500000e+00 : f32
      %sub3A_808 = vector.broadcast %sub3A_807 : f32 to vector<16xf32>
      %sub3A_809 = arith.subf %select_n3A_761, %sub3A_808 : vector<16xf32>
      %mul3A_810 = arith.constant 19.6153851 : f32
      %mul3A_811 = vector.broadcast %mul3A_810 : f32 to vector<16xf32>
      %mul3A_812 = arith.mulf %sub3A_809, %mul3A_811 : vector<16xf32>
      %add3A_813 = arith.constant 5.000000e-01 : f32
      %add3A_814 = vector.broadcast %add3A_813 : f32 to vector<16xf32>
      %add3A_815 = arith.addf %mul3A_812, %add3A_814 : vector<16xf32>
      %max3A_816 = arith.constant 0.000000e+00 : f32
      %max3A_817 = vector.broadcast %max3A_816 : f32 to vector<16xf32>
      %max3A_818 = arith.maximumf %add3A_815, %max3A_817 : vector<16xf32>
      %min3A_819 = arith.constant 2.549990e+02 : f32
      %min3A_820 = vector.broadcast %min3A_819 : f32 to vector<16xf32>
      %min3A_821 = arith.minimumf %max3A_818, %min3A_820 : vector<16xf32>
      %convert_element_type3A_822 = arith.fptosi %min3A_821 : vector<16xf32> to vector<16xi32>
      %add3A_823 = arith.addi %mul3A_121, %convert_element_type3A_822 : vector<16xi32>
      tpu.vector_store_idx %arg8[%add3A_823], %select_n3A_774 {add = true} : memref<4096xf32, #tpu.memory_space<vmem>>[vector<16xi32>], vector<16xf32>,
      %scan3A_824 = arith.constant 7 : i32
      %scan3A_825 = arith.addi %scan3A_226, %scan3A_824 : i32
      %mul3A_826 = arith.constant 1 : i32
      %mul3A_827 = arith.muli %scan3A_825, %mul3A_826 : i32
      %add3A_828 = arith.constant 0 : i32
      %add3A_829 = arith.addi %add3A_828, %mul3A_827 : i32
      %mul3A_830 = arith.constant 16 : i32
      %mul3A_831 = arith.muli %add3A_829, %mul3A_830 : i32
      %get3A_832 = arith.index_cast %mul3A_831 : i32 to index
      %get3A_833 = tpu.vector_load %arg6[%get3A_832] {strides = array<i32>} : memref<25088xf32, #tpu.memory_space<vmem>>, vector<16xf32>,
      %add3A_834 = arith.constant 6272 : i32
      %add3A_835 = arith.addi %add3A_834, %mul3A_831 : i32
      %get3A_836 = arith.index_cast %add3A_835 : i32 to index
      %get3A_837 = tpu.vector_load %arg6[%get3A_836] {strides = array<i32>} : memref<25088xf32, #tpu.memory_space<vmem>>, vector<16xf32>,
      %add3A_838 = arith.constant 12544 : i32
      %add3A_839 = arith.addi %add3A_838, %mul3A_831 : i32
      %get3A_840 = arith.index_cast %add3A_839 : i32 to index
      %get3A_841 = tpu.vector_load %arg6[%get3A_840] {strides = array<i32>} : memref<25088xf32, #tpu.memory_space<vmem>>, vector<16xf32>,
      %add3A_842 = arith.constant 18816 : i32
      %add3A_843 = arith.addi %add3A_842, %mul3A_831 : i32
      %get3A_844 = arith.index_cast %add3A_843 : i32 to index
      %get3A_845 = tpu.vector_load %arg6[%get3A_844] {strides = array<i32>} : memref<25088xf32, #tpu.memory_space<vmem>>, vector<16xf32>,
      %select_n3A_846 = arith.select %eq3A_169, %get3A_841, %get3A_845 : vector<16xi1>, vector<16xf32>
      %select_n3A_847 = arith.select %eq3A_166, %get3A_837, %select_n3A_846 : vector<16xi1>, vector<16xf32>
      %abs3A_848 = math.absf %get3A_837 : vector<16xf32>
      %abs3A_849 = math.absf %get3A_841 : vector<16xf32>
      %add3A_850 = arith.addf %abs3A_848, %abs3A_849 : vector<16xf32>
      %abs3A_851 = math.absf %get3A_845 : vector<16xf32>
      %add3A_852 = arith.addf %add3A_850, %abs3A_851 : vector<16xf32>
      %gt3A_853 = arith.constant 0.000000e+00 : f32
      %gt3A_854 = vector.broadcast %gt3A_853 : f32 to vector<16xf32>
      %gt3A_855 = arith.cmpf ogt, %add3A_852, %gt3A_854 : vector<16xf32>
      %jit3A_856 = arith.constant 1.000000e+00 : f32
      %jit3A_857 = arith.constant 0.000000e+00 : f32
      %broadcast_in_dim3A_858 = vector.broadcast %jit3A_856 : f32 to vector<16xf32>
      %broadcast_in_dim3A_859 = vector.broadcast %jit3A_857 : f32 to vector<16xf32>
      %select_n3A_860 = arith.select %gt3A_855, %broadcast_in_dim3A_858, %broadcast_in_dim3A_859 : vector<16xi1>, vector<16xf32>
      %gt3A_861 = arith.constant 1.000000e+00 : f32
      %gt3A_862 = vector.broadcast %gt3A_861 : f32 to vector<16xf32>
      %gt3A_863 = arith.cmpf ogt, %get3A_833, %gt3A_862 : vector<16xf32>
      %mul3A_864 = arith.mulf %get3A_833, %get3A_163 : vector<16xf32>
      %select_n3A_865 = arith.select %gt3A_863, %mul3A_864, %get3A_833 : vector<16xi1>, vector<16xf32>
      %lt3A_866 = arith.constant -1.000000e+00 : f32
      %lt3A_867 = vector.broadcast %lt3A_866 : f32 to vector<16xf32>
      %lt3A_868 = arith.cmpf olt, %get3A_833, %lt3A_867 : vector<16xf32>
      %mul3A_869 = arith.mulf %get3A_833, %get3A_163 : vector<16xf32>
      %select_n3A_870 = arith.select %lt3A_868, %mul3A_869, %select_n3A_865 : vector<16xi1>, vector<16xf32>
      %sub3A_871 = arith.subf %select_n3A_870, %select_n3A_847 : vector<16xf32>
      %mul3A_872 = arith.mulf %sub3A_871, %sub3A_871 : vector<16xf32>
      %mul3A_873 = arith.mulf %mul3A_872, %select_n3A_860 : vector<16xf32>
      %add3A_874 = arith.addf %add3A_788, %mul3A_873 : vector<16xf32>
      %add3A_875 = arith.addf %add3A_789, %select_n3A_860 : vector<16xf32>
      %sub3A_876 = arith.constant -6.500000e+00 : f32
      %sub3A_877 = vector.broadcast %sub3A_876 : f32 to vector<16xf32>
      %sub3A_878 = arith.subf %select_n3A_870, %sub3A_877 : vector<16xf32>
      %mul3A_879 = arith.constant 19.6153851 : f32
      %mul3A_880 = vector.broadcast %mul3A_879 : f32 to vector<16xf32>
      %mul3A_881 = arith.mulf %sub3A_878, %mul3A_880 : vector<16xf32>
      %add3A_882 = arith.constant 5.000000e-01 : f32
      %add3A_883 = vector.broadcast %add3A_882 : f32 to vector<16xf32>
      %add3A_884 = arith.addf %mul3A_881, %add3A_883 : vector<16xf32>
      %max3A_885 = arith.constant 0.000000e+00 : f32
      %max3A_886 = vector.broadcast %max3A_885 : f32 to vector<16xf32>
      %max3A_887 = arith.maximumf %add3A_884, %max3A_886 : vector<16xf32>
      %min3A_888 = arith.constant 2.549990e+02 : f32
      %min3A_889 = vector.broadcast %min3A_888 : f32 to vector<16xf32>
      %min3A_890 = arith.minimumf %max3A_887, %min3A_889 : vector<16xf32>
      %convert_element_type3A_891 = arith.fptosi %min3A_890 : vector<16xf32> to vector<16xi32>
      %add3A_892 = arith.addi %mul3A_121, %convert_element_type3A_891 : vector<16xi32>
      tpu.vector_store_idx %arg7[%add3A_892], %select_n3A_860 {add = true} : memref<4096xf32, #tpu.memory_space<vmem>>[vector<16xi32>], vector<16xf32>,
      %sub3A_893 = arith.constant -6.500000e+00 : f32
      %sub3A_894 = vector.broadcast %sub3A_893 : f32 to vector<16xf32>
      %sub3A_895 = arith.subf %select_n3A_847, %sub3A_894 : vector<16xf32>
      %mul3A_896 = arith.constant 19.6153851 : f32
      %mul3A_897 = vector.broadcast %mul3A_896 : f32 to vector<16xf32>
      %mul3A_898 = arith.mulf %sub3A_895, %mul3A_897 : vector<16xf32>
      %add3A_899 = arith.constant 5.000000e-01 : f32
      %add3A_900 = vector.broadcast %add3A_899 : f32 to vector<16xf32>
      %add3A_901 = arith.addf %mul3A_898, %add3A_900 : vector<16xf32>
      %max3A_902 = arith.constant 0.000000e+00 : f32
      %max3A_903 = vector.broadcast %max3A_902 : f32 to vector<16xf32>
      %max3A_904 = arith.maximumf %add3A_901, %max3A_903 : vector<16xf32>
      %min3A_905 = arith.constant 2.549990e+02 : f32
      %min3A_906 = vector.broadcast %min3A_905 : f32 to vector<16xf32>
      %min3A_907 = arith.minimumf %max3A_904, %min3A_906 : vector<16xf32>
      %convert_element_type3A_908 = arith.fptosi %min3A_907 : vector<16xf32> to vector<16xi32>
      %add3A_909 = arith.addi %mul3A_121, %convert_element_type3A_908 : vector<16xi32>
      tpu.vector_store_idx %arg8[%add3A_909], %select_n3A_860 {add = true} : memref<4096xf32, #tpu.memory_space<vmem>>[vector<16xi32>], vector<16xf32>,
      scf.yield %add3A_875, %add3A_874 : vector<16xf32>, vector<16xf32>
    }
    %scan3A_175 = arith.constant 192 : i32
    %dma_wait3A_176 = arith.constant 3072 : i32
    %dma_wait3A_177 = tpu.memref_slice %arg6[%dma_wait3A_176] : memref<25088xf32, #tpu.memory_space<vmem>> -> memref<3200xf32, #tpu.memory_space<vmem>>
    %dma_wait3A_178 = tpu.memref_slice %arg2[%select_n3A, %add3A_75] : memref<4x50176xf32, #tpu.memory_space<hbm>> -> memref<1x3200xf32, #tpu.memory_space<hbm>>
    %dma_wait3A_179 = tpu.memref_squeeze %dma_wait3A_178 : memref<1x3200xf32, #tpu.memory_space<hbm>> -> memref<3200xf32, #tpu.memory_space<hbm>>
    %dma_wait3A_180 = arith.constant 3072 : i32
    %dma_wait3A_181 = tpu.memref_slice %arg6[%dma_wait3A_180] : memref<25088xf32, #tpu.memory_space<vmem>> -> memref<3200xf32, #tpu.memory_space<vmem>>
    %dma_wait3A_182 = tpu.memref_slice %arg2[%select_n3A, %add3A_75] : memref<4x50176xf32, #tpu.memory_space<hbm>> -> memref<1x3200xf32, #tpu.memory_space<hbm>>
    %dma_wait3A_183 = tpu.memref_squeeze %dma_wait3A_182 : memref<1x3200xf32, #tpu.memory_space<hbm>> -> memref<3200xf32, #tpu.memory_space<hbm>>
    tpu.wait_dma2 semaphore(%arg12 : memref<!tpu.dma_semaphore, #tpu.memory_space<semaphore_mem>>) src(%dma_wait3A_183 : memref<3200xf32, #tpu.memory_space<hbm>>) dst(%dma_wait3A_181 : memref<3200xf32, #tpu.memory_space<vmem>>)
    %dma_wait3A_184 = arith.constant 9344 : i32
    %dma_wait3A_185 = tpu.memref_slice %arg6[%dma_wait3A_184] : memref<25088xf32, #tpu.memory_space<vmem>> -> memref<3200xf32, #tpu.memory_space<vmem>>
    %dma_wait3A_186 = tpu.memref_slice %arg3[%mul3A_85, %add3A_75] : memref<12x50176xf32, #tpu.memory_space<hbm>> -> memref<1x3200xf32, #tpu.memory_space<hbm>>
    %dma_wait3A_187 = tpu.memref_squeeze %dma_wait3A_186 : memref<1x3200xf32, #tpu.memory_space<hbm>> -> memref<3200xf32, #tpu.memory_space<hbm>>
    %dma_wait3A_188 = arith.constant 9344 : i32
    %dma_wait3A_189 = tpu.memref_slice %arg6[%dma_wait3A_188] : memref<25088xf32, #tpu.memory_space<vmem>> -> memref<3200xf32, #tpu.memory_space<vmem>>
    %dma_wait3A_190 = tpu.memref_slice %arg3[%mul3A_85, %add3A_75] : memref<12x50176xf32, #tpu.memory_space<hbm>> -> memref<1x3200xf32, #tpu.memory_space<hbm>>
    %dma_wait3A_191 = tpu.memref_squeeze %dma_wait3A_190 : memref<1x3200xf32, #tpu.memory_space<hbm>> -> memref<3200xf32, #tpu.memory_space<hbm>>
    tpu.wait_dma2 semaphore(%arg12 : memref<!tpu.dma_semaphore, #tpu.memory_space<semaphore_mem>>) src(%dma_wait3A_191 : memref<3200xf32, #tpu.memory_space<hbm>>) dst(%dma_wait3A_189 : memref<3200xf32, #tpu.memory_space<vmem>>)
    %dma_wait3A_192 = arith.constant 15616 : i32
    %dma_wait3A_193 = tpu.memref_slice %arg6[%dma_wait3A_192] : memref<25088xf32, #tpu.memory_space<vmem>> -> memref<3200xf32, #tpu.memory_space<vmem>>
    %dma_wait3A_194 = tpu.memref_slice %arg3[%add3A_97, %add3A_75] : memref<12x50176xf32, #tpu.memory_space<hbm>> -> memref<1x3200xf32, #tpu.memory_space<hbm>>
    %dma_wait3A_195 = tpu.memref_squeeze %dma_wait3A_194 : memref<1x3200xf32, #tpu.memory_space<hbm>> -> memref<3200xf32, #tpu.memory_space<hbm>>
    %dma_wait3A_196 = arith.constant 15616 : i32
    %dma_wait3A_197 = tpu.memref_slice %arg6[%dma_wait3A_196] : memref<25088xf32, #tpu.memory_space<vmem>> -> memref<3200xf32, #tpu.memory_space<vmem>>
    %dma_wait3A_198 = tpu.memref_slice %arg3[%add3A_97, %add3A_75] : memref<12x50176xf32, #tpu.memory_space<hbm>> -> memref<1x3200xf32, #tpu.memory_space<hbm>>
    %dma_wait3A_199 = tpu.memref_squeeze %dma_wait3A_198 : memref<1x3200xf32, #tpu.memory_space<hbm>> -> memref<3200xf32, #tpu.memory_space<hbm>>
    tpu.wait_dma2 semaphore(%arg12 : memref<!tpu.dma_semaphore, #tpu.memory_space<semaphore_mem>>) src(%dma_wait3A_199 : memref<3200xf32, #tpu.memory_space<hbm>>) dst(%dma_wait3A_197 : memref<3200xf32, #tpu.memory_space<vmem>>)
    %dma_wait3A_200 = arith.constant 21888 : i32
    %dma_wait3A_201 = tpu.memref_slice %arg6[%dma_wait3A_200] : memref<25088xf32, #tpu.memory_space<vmem>> -> memref<3200xf32, #tpu.memory_space<vmem>>
    %dma_wait3A_202 = tpu.memref_slice %arg3[%add3A_109, %add3A_75] : memref<12x50176xf32, #tpu.memory_space<hbm>> -> memref<1x3200xf32, #tpu.memory_space<hbm>>
    %dma_wait3A_203 = tpu.memref_squeeze %dma_wait3A_202 : memref<1x3200xf32, #tpu.memory_space<hbm>> -> memref<3200xf32, #tpu.memory_space<hbm>>
    %dma_wait3A_204 = arith.constant 21888 : i32
    %dma_wait3A_205 = tpu.memref_slice %arg6[%dma_wait3A_204] : memref<25088xf32, #tpu.memory_space<vmem>> -> memref<3200xf32, #tpu.memory_space<vmem>>
    %dma_wait3A_206 = tpu.memref_slice %arg3[%add3A_109, %add3A_75] : memref<12x50176xf32, #tpu.memory_space<hbm>> -> memref<1x3200xf32, #tpu.memory_space<hbm>>
    %dma_wait3A_207 = tpu.memref_squeeze %dma_wait3A_206 : memref<1x3200xf32, #tpu.memory_space<hbm>> -> memref<3200xf32, #tpu.memory_space<hbm>>
    tpu.wait_dma2 semaphore(%arg12 : memref<!tpu.dma_semaphore, #tpu.memory_space<semaphore_mem>>) src(%dma_wait3A_207 : memref<3200xf32, #tpu.memory_space<hbm>>) dst(%dma_wait3A_205 : memref<3200xf32, #tpu.memory_space<vmem>>)
    %scan3A_208 = arith.constant 0 : i32
    %scan3A_209 = arith.constant 200 : i32
    %scan3A_210 = arith.addi %scan3A_208, %scan3A_209 : i32
    %scan3A_211 = arith.constant 8 : i32
    %scan3A_212:2 = scf.for %scan3A_226 = %scan3A_208 to %scan3A_210 step %scan3A_211 iter_args(%scan3A_227 = %scan3A_174#0, %scan3A_228 = %scan3A_174#1) -> (vector<16xf32>, vector<16xf32>)  : i32 {
      %mul3A_229 = arith.constant 1 : i32
      %mul3A_230 = arith.muli %scan3A_226, %mul3A_229 : i32
      %add3A_231 = arith.constant 192 : i32
      %add3A_232 = arith.addi %add3A_231, %mul3A_230 : i32
      %mul3A_233 = arith.constant 16 : i32
      %mul3A_234 = arith.muli %add3A_232, %mul3A_233 : i32
      %get3A_235 = arith.index_cast %mul3A_234 : i32 to index
      %get3A_236 = tpu.vector_load %arg6[%get3A_235] {strides = array<i32>} : memref<25088xf32, #tpu.memory_space<vmem>>, vector<16xf32>,
      %add3A_237 = arith.constant 6272 : i32
      %add3A_238 = arith.addi %add3A_237, %mul3A_234 : i32
      %get3A_239 = arith.index_cast %add3A_238 : i32 to index
      %get3A_240 = tpu.vector_load %arg6[%get3A_239] {strides = array<i32>} : memref<25088xf32, #tpu.memory_space<vmem>>, vector<16xf32>,
      %add3A_241 = arith.constant 12544 : i32
      %add3A_242 = arith.addi %add3A_241, %mul3A_234 : i32
      %get3A_243 = arith.index_cast %add3A_242 : i32 to index
      %get3A_244 = tpu.vector_load %arg6[%get3A_243] {strides = array<i32>} : memref<25088xf32, #tpu.memory_space<vmem>>, vector<16xf32>,
      %add3A_245 = arith.constant 18816 : i32
      %add3A_246 = arith.addi %add3A_245, %mul3A_234 : i32
      %get3A_247 = arith.index_cast %add3A_246 : i32 to index
      %get3A_248 = tpu.vector_load %arg6[%get3A_247] {strides = array<i32>} : memref<25088xf32, #tpu.memory_space<vmem>>, vector<16xf32>,
      %select_n3A_249 = arith.select %eq3A_169, %get3A_244, %get3A_248 : vector<16xi1>, vector<16xf32>
      %select_n3A_250 = arith.select %eq3A_166, %get3A_240, %select_n3A_249 : vector<16xi1>, vector<16xf32>
      %abs3A = math.absf %get3A_240 : vector<16xf32>
      %abs3A_251 = math.absf %get3A_244 : vector<16xf32>
      %add3A_252 = arith.addf %abs3A, %abs3A_251 : vector<16xf32>
      %abs3A_253 = math.absf %get3A_248 : vector<16xf32>
      %add3A_254 = arith.addf %add3A_252, %abs3A_253 : vector<16xf32>
      %gt3A = arith.constant 0.000000e+00 : f32
      %gt3A_255 = vector.broadcast %gt3A : f32 to vector<16xf32>
      %gt3A_256 = arith.cmpf ogt, %add3A_254, %gt3A_255 : vector<16xf32>
      %jit3A_257 = arith.constant 1.000000e+00 : f32
      %jit3A_258 = arith.constant 0.000000e+00 : f32
      %broadcast_in_dim3A_259 = vector.broadcast %jit3A_257 : f32 to vector<16xf32>
      %broadcast_in_dim3A_260 = vector.broadcast %jit3A_258 : f32 to vector<16xf32>
      %select_n3A_261 = arith.select %gt3A_256, %broadcast_in_dim3A_259, %broadcast_in_dim3A_260 : vector<16xi1>, vector<16xf32>
      %gt3A_262 = arith.constant 1.000000e+00 : f32
      %gt3A_263 = vector.broadcast %gt3A_262 : f32 to vector<16xf32>
      %gt3A_264 = arith.cmpf ogt, %get3A_236, %gt3A_263 : vector<16xf32>
      %mul3A_265 = arith.mulf %get3A_236, %get3A_163 : vector<16xf32>
      %select_n3A_266 = arith.select %gt3A_264, %mul3A_265, %get3A_236 : vector<16xi1>, vector<16xf32>
      %lt3A_267 = arith.constant -1.000000e+00 : f32
      %lt3A_268 = vector.broadcast %lt3A_267 : f32 to vector<16xf32>
      %lt3A_269 = arith.cmpf olt, %get3A_236, %lt3A_268 : vector<16xf32>
      %mul3A_270 = arith.mulf %get3A_236, %get3A_163 : vector<16xf32>
      %select_n3A_271 = arith.select %lt3A_269, %mul3A_270, %select_n3A_266 : vector<16xi1>, vector<16xf32>
      %sub3A_272 = arith.subf %select_n3A_271, %select_n3A_250 : vector<16xf32>
      %mul3A_273 = arith.mulf %sub3A_272, %sub3A_272 : vector<16xf32>
      %mul3A_274 = arith.mulf %mul3A_273, %select_n3A_261 : vector<16xf32>
      %add3A_275 = arith.addf %scan3A_228, %mul3A_274 : vector<16xf32>
      %add3A_276 = arith.addf %scan3A_227, %select_n3A_261 : vector<16xf32>
      %sub3A_277 = arith.constant -6.500000e+00 : f32
      %sub3A_278 = vector.broadcast %sub3A_277 : f32 to vector<16xf32>
      %sub3A_279 = arith.subf %select_n3A_271, %sub3A_278 : vector<16xf32>
      %mul3A_280 = arith.constant 19.6153851 : f32
      %mul3A_281 = vector.broadcast %mul3A_280 : f32 to vector<16xf32>
      %mul3A_282 = arith.mulf %sub3A_279, %mul3A_281 : vector<16xf32>
      %add3A_283 = arith.constant 5.000000e-01 : f32
      %add3A_284 = vector.broadcast %add3A_283 : f32 to vector<16xf32>
      %add3A_285 = arith.addf %mul3A_282, %add3A_284 : vector<16xf32>
      %max3A = arith.constant 0.000000e+00 : f32
      %max3A_286 = vector.broadcast %max3A : f32 to vector<16xf32>
      %max3A_287 = arith.maximumf %add3A_285, %max3A_286 : vector<16xf32>
      %min3A = arith.constant 2.549990e+02 : f32
      %min3A_288 = vector.broadcast %min3A : f32 to vector<16xf32>
      %min3A_289 = arith.minimumf %max3A_287, %min3A_288 : vector<16xf32>
      %convert_element_type3A = arith.fptosi %min3A_289 : vector<16xf32> to vector<16xi32>
      %add3A_290 = arith.addi %mul3A_121, %convert_element_type3A : vector<16xi32>
      tpu.vector_store_idx %arg7[%add3A_290], %select_n3A_261 {add = true} : memref<4096xf32, #tpu.memory_space<vmem>>[vector<16xi32>], vector<16xf32>,
      %sub3A_291 = arith.constant -6.500000e+00 : f32
      %sub3A_292 = vector.broadcast %sub3A_291 : f32 to vector<16xf32>
      %sub3A_293 = arith.subf %select_n3A_250, %sub3A_292 : vector<16xf32>
      %mul3A_294 = arith.constant 19.6153851 : f32
      %mul3A_295 = vector.broadcast %mul3A_294 : f32 to vector<16xf32>
      %mul3A_296 = arith.mulf %sub3A_293, %mul3A_295 : vector<16xf32>
      %add3A_297 = arith.constant 5.000000e-01 : f32
      %add3A_298 = vector.broadcast %add3A_297 : f32 to vector<16xf32>
      %add3A_299 = arith.addf %mul3A_296, %add3A_298 : vector<16xf32>
      %max3A_300 = arith.constant 0.000000e+00 : f32
      %max3A_301 = vector.broadcast %max3A_300 : f32 to vector<16xf32>
      %max3A_302 = arith.maximumf %add3A_299, %max3A_301 : vector<16xf32>
      %min3A_303 = arith.constant 2.549990e+02 : f32
      %min3A_304 = vector.broadcast %min3A_303 : f32 to vector<16xf32>
      %min3A_305 = arith.minimumf %max3A_302, %min3A_304 : vector<16xf32>
      %convert_element_type3A_306 = arith.fptosi %min3A_305 : vector<16xf32> to vector<16xi32>
      %add3A_307 = arith.addi %mul3A_121, %convert_element_type3A_306 : vector<16xi32>
      tpu.vector_store_idx %arg8[%add3A_307], %select_n3A_261 {add = true} : memref<4096xf32, #tpu.memory_space<vmem>>[vector<16xi32>], vector<16xf32>,
      %scan3A_308 = arith.constant 1 : i32
      %scan3A_309 = arith.addi %scan3A_226, %scan3A_308 : i32
      %mul3A_310 = arith.constant 1 : i32
      %mul3A_311 = arith.muli %scan3A_309, %mul3A_310 : i32
      %add3A_312 = arith.constant 192 : i32
      %add3A_313 = arith.addi %add3A_312, %mul3A_311 : i32
      %mul3A_314 = arith.constant 16 : i32
      %mul3A_315 = arith.muli %add3A_313, %mul3A_314 : i32
      %get3A_316 = arith.index_cast %mul3A_315 : i32 to index
      %get3A_317 = tpu.vector_load %arg6[%get3A_316] {strides = array<i32>} : memref<25088xf32, #tpu.memory_space<vmem>>, vector<16xf32>,
      %add3A_318 = arith.constant 6272 : i32
      %add3A_319 = arith.addi %add3A_318, %mul3A_315 : i32
      %get3A_320 = arith.index_cast %add3A_319 : i32 to index
      %get3A_321 = tpu.vector_load %arg6[%get3A_320] {strides = array<i32>} : memref<25088xf32, #tpu.memory_space<vmem>>, vector<16xf32>,
      %add3A_322 = arith.constant 12544 : i32
      %add3A_323 = arith.addi %add3A_322, %mul3A_315 : i32
      %get3A_324 = arith.index_cast %add3A_323 : i32 to index
      %get3A_325 = tpu.vector_load %arg6[%get3A_324] {strides = array<i32>} : memref<25088xf32, #tpu.memory_space<vmem>>, vector<16xf32>,
      %add3A_326 = arith.constant 18816 : i32
      %add3A_327 = arith.addi %add3A_326, %mul3A_315 : i32
      %get3A_328 = arith.index_cast %add3A_327 : i32 to index
      %get3A_329 = tpu.vector_load %arg6[%get3A_328] {strides = array<i32>} : memref<25088xf32, #tpu.memory_space<vmem>>, vector<16xf32>,
      %select_n3A_330 = arith.select %eq3A_169, %get3A_325, %get3A_329 : vector<16xi1>, vector<16xf32>
      %select_n3A_331 = arith.select %eq3A_166, %get3A_321, %select_n3A_330 : vector<16xi1>, vector<16xf32>
      %abs3A_332 = math.absf %get3A_321 : vector<16xf32>
      %abs3A_333 = math.absf %get3A_325 : vector<16xf32>
      %add3A_334 = arith.addf %abs3A_332, %abs3A_333 : vector<16xf32>
      %abs3A_335 = math.absf %get3A_329 : vector<16xf32>
      %add3A_336 = arith.addf %add3A_334, %abs3A_335 : vector<16xf32>
      %gt3A_337 = arith.constant 0.000000e+00 : f32
      %gt3A_338 = vector.broadcast %gt3A_337 : f32 to vector<16xf32>
      %gt3A_339 = arith.cmpf ogt, %add3A_336, %gt3A_338 : vector<16xf32>
      %jit3A_340 = arith.constant 1.000000e+00 : f32
      %jit3A_341 = arith.constant 0.000000e+00 : f32
      %broadcast_in_dim3A_342 = vector.broadcast %jit3A_340 : f32 to vector<16xf32>
      %broadcast_in_dim3A_343 = vector.broadcast %jit3A_341 : f32 to vector<16xf32>
      %select_n3A_344 = arith.select %gt3A_339, %broadcast_in_dim3A_342, %broadcast_in_dim3A_343 : vector<16xi1>, vector<16xf32>
      %gt3A_345 = arith.constant 1.000000e+00 : f32
      %gt3A_346 = vector.broadcast %gt3A_345 : f32 to vector<16xf32>
      %gt3A_347 = arith.cmpf ogt, %get3A_317, %gt3A_346 : vector<16xf32>
      %mul3A_348 = arith.mulf %get3A_317, %get3A_163 : vector<16xf32>
      %select_n3A_349 = arith.select %gt3A_347, %mul3A_348, %get3A_317 : vector<16xi1>, vector<16xf32>
      %lt3A_350 = arith.constant -1.000000e+00 : f32
      %lt3A_351 = vector.broadcast %lt3A_350 : f32 to vector<16xf32>
      %lt3A_352 = arith.cmpf olt, %get3A_317, %lt3A_351 : vector<16xf32>
      %mul3A_353 = arith.mulf %get3A_317, %get3A_163 : vector<16xf32>
      %select_n3A_354 = arith.select %lt3A_352, %mul3A_353, %select_n3A_349 : vector<16xi1>, vector<16xf32>
      %sub3A_355 = arith.subf %select_n3A_354, %select_n3A_331 : vector<16xf32>
      %mul3A_356 = arith.mulf %sub3A_355, %sub3A_355 : vector<16xf32>
      %mul3A_357 = arith.mulf %mul3A_356, %select_n3A_344 : vector<16xf32>
      %add3A_358 = arith.addf %add3A_275, %mul3A_357 : vector<16xf32>
      %add3A_359 = arith.addf %add3A_276, %select_n3A_344 : vector<16xf32>
      %sub3A_360 = arith.constant -6.500000e+00 : f32
      %sub3A_361 = vector.broadcast %sub3A_360 : f32 to vector<16xf32>
      %sub3A_362 = arith.subf %select_n3A_354, %sub3A_361 : vector<16xf32>
      %mul3A_363 = arith.constant 19.6153851 : f32
      %mul3A_364 = vector.broadcast %mul3A_363 : f32 to vector<16xf32>
      %mul3A_365 = arith.mulf %sub3A_362, %mul3A_364 : vector<16xf32>
      %add3A_366 = arith.constant 5.000000e-01 : f32
      %add3A_367 = vector.broadcast %add3A_366 : f32 to vector<16xf32>
      %add3A_368 = arith.addf %mul3A_365, %add3A_367 : vector<16xf32>
      %max3A_369 = arith.constant 0.000000e+00 : f32
      %max3A_370 = vector.broadcast %max3A_369 : f32 to vector<16xf32>
      %max3A_371 = arith.maximumf %add3A_368, %max3A_370 : vector<16xf32>
      %min3A_372 = arith.constant 2.549990e+02 : f32
      %min3A_373 = vector.broadcast %min3A_372 : f32 to vector<16xf32>
      %min3A_374 = arith.minimumf %max3A_371, %min3A_373 : vector<16xf32>
      %convert_element_type3A_375 = arith.fptosi %min3A_374 : vector<16xf32> to vector<16xi32>
      %add3A_376 = arith.addi %mul3A_121, %convert_element_type3A_375 : vector<16xi32>
      tpu.vector_store_idx %arg7[%add3A_376], %select_n3A_344 {add = true} : memref<4096xf32, #tpu.memory_space<vmem>>[vector<16xi32>], vector<16xf32>,
      %sub3A_377 = arith.constant -6.500000e+00 : f32
      %sub3A_378 = vector.broadcast %sub3A_377 : f32 to vector<16xf32>
      %sub3A_379 = arith.subf %select_n3A_331, %sub3A_378 : vector<16xf32>
      %mul3A_380 = arith.constant 19.6153851 : f32
      %mul3A_381 = vector.broadcast %mul3A_380 : f32 to vector<16xf32>
      %mul3A_382 = arith.mulf %sub3A_379, %mul3A_381 : vector<16xf32>
      %add3A_383 = arith.constant 5.000000e-01 : f32
      %add3A_384 = vector.broadcast %add3A_383 : f32 to vector<16xf32>
      %add3A_385 = arith.addf %mul3A_382, %add3A_384 : vector<16xf32>
      %max3A_386 = arith.constant 0.000000e+00 : f32
      %max3A_387 = vector.broadcast %max3A_386 : f32 to vector<16xf32>
      %max3A_388 = arith.maximumf %add3A_385, %max3A_387 : vector<16xf32>
      %min3A_389 = arith.constant 2.549990e+02 : f32
      %min3A_390 = vector.broadcast %min3A_389 : f32 to vector<16xf32>
      %min3A_391 = arith.minimumf %max3A_388, %min3A_390 : vector<16xf32>
      %convert_element_type3A_392 = arith.fptosi %min3A_391 : vector<16xf32> to vector<16xi32>
      %add3A_393 = arith.addi %mul3A_121, %convert_element_type3A_392 : vector<16xi32>
      tpu.vector_store_idx %arg8[%add3A_393], %select_n3A_344 {add = true} : memref<4096xf32, #tpu.memory_space<vmem>>[vector<16xi32>], vector<16xf32>,
      %scan3A_394 = arith.constant 2 : i32
      %scan3A_395 = arith.addi %scan3A_226, %scan3A_394 : i32
      %mul3A_396 = arith.constant 1 : i32
      %mul3A_397 = arith.muli %scan3A_395, %mul3A_396 : i32
      %add3A_398 = arith.constant 192 : i32
      %add3A_399 = arith.addi %add3A_398, %mul3A_397 : i32
      %mul3A_400 = arith.constant 16 : i32
      %mul3A_401 = arith.muli %add3A_399, %mul3A_400 : i32
      %get3A_402 = arith.index_cast %mul3A_401 : i32 to index
      %get3A_403 = tpu.vector_load %arg6[%get3A_402] {strides = array<i32>} : memref<25088xf32, #tpu.memory_space<vmem>>, vector<16xf32>,
      %add3A_404 = arith.constant 6272 : i32
      %add3A_405 = arith.addi %add3A_404, %mul3A_401 : i32
      %get3A_406 = arith.index_cast %add3A_405 : i32 to index
      %get3A_407 = tpu.vector_load %arg6[%get3A_406] {strides = array<i32>} : memref<25088xf32, #tpu.memory_space<vmem>>, vector<16xf32>,
      %add3A_408 = arith.constant 12544 : i32
      %add3A_409 = arith.addi %add3A_408, %mul3A_401 : i32
      %get3A_410 = arith.index_cast %add3A_409 : i32 to index
      %get3A_411 = tpu.vector_load %arg6[%get3A_410] {strides = array<i32>} : memref<25088xf32, #tpu.memory_space<vmem>>, vector<16xf32>,
      %add3A_412 = arith.constant 18816 : i32
      %add3A_413 = arith.addi %add3A_412, %mul3A_401 : i32
      %get3A_414 = arith.index_cast %add3A_413 : i32 to index
      %get3A_415 = tpu.vector_load %arg6[%get3A_414] {strides = array<i32>} : memref<25088xf32, #tpu.memory_space<vmem>>, vector<16xf32>,
      %select_n3A_416 = arith.select %eq3A_169, %get3A_411, %get3A_415 : vector<16xi1>, vector<16xf32>
      %select_n3A_417 = arith.select %eq3A_166, %get3A_407, %select_n3A_416 : vector<16xi1>, vector<16xf32>
      %abs3A_418 = math.absf %get3A_407 : vector<16xf32>
      %abs3A_419 = math.absf %get3A_411 : vector<16xf32>
      %add3A_420 = arith.addf %abs3A_418, %abs3A_419 : vector<16xf32>
      %abs3A_421 = math.absf %get3A_415 : vector<16xf32>
      %add3A_422 = arith.addf %add3A_420, %abs3A_421 : vector<16xf32>
      %gt3A_423 = arith.constant 0.000000e+00 : f32
      %gt3A_424 = vector.broadcast %gt3A_423 : f32 to vector<16xf32>
      %gt3A_425 = arith.cmpf ogt, %add3A_422, %gt3A_424 : vector<16xf32>
      %jit3A_426 = arith.constant 1.000000e+00 : f32
      %jit3A_427 = arith.constant 0.000000e+00 : f32
      %broadcast_in_dim3A_428 = vector.broadcast %jit3A_426 : f32 to vector<16xf32>
      %broadcast_in_dim3A_429 = vector.broadcast %jit3A_427 : f32 to vector<16xf32>
      %select_n3A_430 = arith.select %gt3A_425, %broadcast_in_dim3A_428, %broadcast_in_dim3A_429 : vector<16xi1>, vector<16xf32>
      %gt3A_431 = arith.constant 1.000000e+00 : f32
      %gt3A_432 = vector.broadcast %gt3A_431 : f32 to vector<16xf32>
      %gt3A_433 = arith.cmpf ogt, %get3A_403, %gt3A_432 : vector<16xf32>
      %mul3A_434 = arith.mulf %get3A_403, %get3A_163 : vector<16xf32>
      %select_n3A_435 = arith.select %gt3A_433, %mul3A_434, %get3A_403 : vector<16xi1>, vector<16xf32>
      %lt3A_436 = arith.constant -1.000000e+00 : f32
      %lt3A_437 = vector.broadcast %lt3A_436 : f32 to vector<16xf32>
      %lt3A_438 = arith.cmpf olt, %get3A_403, %lt3A_437 : vector<16xf32>
      %mul3A_439 = arith.mulf %get3A_403, %get3A_163 : vector<16xf32>
      %select_n3A_440 = arith.select %lt3A_438, %mul3A_439, %select_n3A_435 : vector<16xi1>, vector<16xf32>
      %sub3A_441 = arith.subf %select_n3A_440, %select_n3A_417 : vector<16xf32>
      %mul3A_442 = arith.mulf %sub3A_441, %sub3A_441 : vector<16xf32>
      %mul3A_443 = arith.mulf %mul3A_442, %select_n3A_430 : vector<16xf32>
      %add3A_444 = arith.addf %add3A_358, %mul3A_443 : vector<16xf32>
      %add3A_445 = arith.addf %add3A_359, %select_n3A_430 : vector<16xf32>
      %sub3A_446 = arith.constant -6.500000e+00 : f32
      %sub3A_447 = vector.broadcast %sub3A_446 : f32 to vector<16xf32>
      %sub3A_448 = arith.subf %select_n3A_440, %sub3A_447 : vector<16xf32>
      %mul3A_449 = arith.constant 19.6153851 : f32
      %mul3A_450 = vector.broadcast %mul3A_449 : f32 to vector<16xf32>
      %mul3A_451 = arith.mulf %sub3A_448, %mul3A_450 : vector<16xf32>
      %add3A_452 = arith.constant 5.000000e-01 : f32
      %add3A_453 = vector.broadcast %add3A_452 : f32 to vector<16xf32>
      %add3A_454 = arith.addf %mul3A_451, %add3A_453 : vector<16xf32>
      %max3A_455 = arith.constant 0.000000e+00 : f32
      %max3A_456 = vector.broadcast %max3A_455 : f32 to vector<16xf32>
      %max3A_457 = arith.maximumf %add3A_454, %max3A_456 : vector<16xf32>
      %min3A_458 = arith.constant 2.549990e+02 : f32
      %min3A_459 = vector.broadcast %min3A_458 : f32 to vector<16xf32>
      %min3A_460 = arith.minimumf %max3A_457, %min3A_459 : vector<16xf32>
      %convert_element_type3A_461 = arith.fptosi %min3A_460 : vector<16xf32> to vector<16xi32>
      %add3A_462 = arith.addi %mul3A_121, %convert_element_type3A_461 : vector<16xi32>
      tpu.vector_store_idx %arg7[%add3A_462], %select_n3A_430 {add = true} : memref<4096xf32, #tpu.memory_space<vmem>>[vector<16xi32>], vector<16xf32>,
      %sub3A_463 = arith.constant -6.500000e+00 : f32
      %sub3A_464 = vector.broadcast %sub3A_463 : f32 to vector<16xf32>
      %sub3A_465 = arith.subf %select_n3A_417, %sub3A_464 : vector<16xf32>
      %mul3A_466 = arith.constant 19.6153851 : f32
      %mul3A_467 = vector.broadcast %mul3A_466 : f32 to vector<16xf32>
      %mul3A_468 = arith.mulf %sub3A_465, %mul3A_467 : vector<16xf32>
      %add3A_469 = arith.constant 5.000000e-01 : f32
      %add3A_470 = vector.broadcast %add3A_469 : f32 to vector<16xf32>
      %add3A_471 = arith.addf %mul3A_468, %add3A_470 : vector<16xf32>
      %max3A_472 = arith.constant 0.000000e+00 : f32
      %max3A_473 = vector.broadcast %max3A_472 : f32 to vector<16xf32>
      %max3A_474 = arith.maximumf %add3A_471, %max3A_473 : vector<16xf32>
      %min3A_475 = arith.constant 2.549990e+02 : f32
      %min3A_476 = vector.broadcast %min3A_475 : f32 to vector<16xf32>
      %min3A_477 = arith.minimumf %max3A_474, %min3A_476 : vector<16xf32>
      %convert_element_type3A_478 = arith.fptosi %min3A_477 : vector<16xf32> to vector<16xi32>
      %add3A_479 = arith.addi %mul3A_121, %convert_element_type3A_478 : vector<16xi32>
      tpu.vector_store_idx %arg8[%add3A_479], %select_n3A_430 {add = true} : memref<4096xf32, #tpu.memory_space<vmem>>[vector<16xi32>], vector<16xf32>,
      %scan3A_480 = arith.constant 3 : i32
      %scan3A_481 = arith.addi %scan3A_226, %scan3A_480 : i32
      %mul3A_482 = arith.constant 1 : i32
      %mul3A_483 = arith.muli %scan3A_481, %mul3A_482 : i32
      %add3A_484 = arith.constant 192 : i32
      %add3A_485 = arith.addi %add3A_484, %mul3A_483 : i32
      %mul3A_486 = arith.constant 16 : i32
      %mul3A_487 = arith.muli %add3A_485, %mul3A_486 : i32
      %get3A_488 = arith.index_cast %mul3A_487 : i32 to index
      %get3A_489 = tpu.vector_load %arg6[%get3A_488] {strides = array<i32>} : memref<25088xf32, #tpu.memory_space<vmem>>, vector<16xf32>,
      %add3A_490 = arith.constant 6272 : i32
      %add3A_491 = arith.addi %add3A_490, %mul3A_487 : i32
      %get3A_492 = arith.index_cast %add3A_491 : i32 to index
      %get3A_493 = tpu.vector_load %arg6[%get3A_492] {strides = array<i32>} : memref<25088xf32, #tpu.memory_space<vmem>>, vector<16xf32>,
      %add3A_494 = arith.constant 12544 : i32
      %add3A_495 = arith.addi %add3A_494, %mul3A_487 : i32
      %get3A_496 = arith.index_cast %add3A_495 : i32 to index
      %get3A_497 = tpu.vector_load %arg6[%get3A_496] {strides = array<i32>} : memref<25088xf32, #tpu.memory_space<vmem>>, vector<16xf32>,
      %add3A_498 = arith.constant 18816 : i32
      %add3A_499 = arith.addi %add3A_498, %mul3A_487 : i32
      %get3A_500 = arith.index_cast %add3A_499 : i32 to index
      %get3A_501 = tpu.vector_load %arg6[%get3A_500] {strides = array<i32>} : memref<25088xf32, #tpu.memory_space<vmem>>, vector<16xf32>,
      %select_n3A_502 = arith.select %eq3A_169, %get3A_497, %get3A_501 : vector<16xi1>, vector<16xf32>
      %select_n3A_503 = arith.select %eq3A_166, %get3A_493, %select_n3A_502 : vector<16xi1>, vector<16xf32>
      %abs3A_504 = math.absf %get3A_493 : vector<16xf32>
      %abs3A_505 = math.absf %get3A_497 : vector<16xf32>
      %add3A_506 = arith.addf %abs3A_504, %abs3A_505 : vector<16xf32>
      %abs3A_507 = math.absf %get3A_501 : vector<16xf32>
      %add3A_508 = arith.addf %add3A_506, %abs3A_507 : vector<16xf32>
      %gt3A_509 = arith.constant 0.000000e+00 : f32
      %gt3A_510 = vector.broadcast %gt3A_509 : f32 to vector<16xf32>
      %gt3A_511 = arith.cmpf ogt, %add3A_508, %gt3A_510 : vector<16xf32>
      %jit3A_512 = arith.constant 1.000000e+00 : f32
      %jit3A_513 = arith.constant 0.000000e+00 : f32
      %broadcast_in_dim3A_514 = vector.broadcast %jit3A_512 : f32 to vector<16xf32>
      %broadcast_in_dim3A_515 = vector.broadcast %jit3A_513 : f32 to vector<16xf32>
      %select_n3A_516 = arith.select %gt3A_511, %broadcast_in_dim3A_514, %broadcast_in_dim3A_515 : vector<16xi1>, vector<16xf32>
      %gt3A_517 = arith.constant 1.000000e+00 : f32
      %gt3A_518 = vector.broadcast %gt3A_517 : f32 to vector<16xf32>
      %gt3A_519 = arith.cmpf ogt, %get3A_489, %gt3A_518 : vector<16xf32>
      %mul3A_520 = arith.mulf %get3A_489, %get3A_163 : vector<16xf32>
      %select_n3A_521 = arith.select %gt3A_519, %mul3A_520, %get3A_489 : vector<16xi1>, vector<16xf32>
      %lt3A_522 = arith.constant -1.000000e+00 : f32
      %lt3A_523 = vector.broadcast %lt3A_522 : f32 to vector<16xf32>
      %lt3A_524 = arith.cmpf olt, %get3A_489, %lt3A_523 : vector<16xf32>
      %mul3A_525 = arith.mulf %get3A_489, %get3A_163 : vector<16xf32>
      %select_n3A_526 = arith.select %lt3A_524, %mul3A_525, %select_n3A_521 : vector<16xi1>, vector<16xf32>
      %sub3A_527 = arith.subf %select_n3A_526, %select_n3A_503 : vector<16xf32>
      %mul3A_528 = arith.mulf %sub3A_527, %sub3A_527 : vector<16xf32>
      %mul3A_529 = arith.mulf %mul3A_528, %select_n3A_516 : vector<16xf32>
      %add3A_530 = arith.addf %add3A_444, %mul3A_529 : vector<16xf32>
      %add3A_531 = arith.addf %add3A_445, %select_n3A_516 : vector<16xf32>
      %sub3A_532 = arith.constant -6.500000e+00 : f32
      %sub3A_533 = vector.broadcast %sub3A_532 : f32 to vector<16xf32>
      %sub3A_534 = arith.subf %select_n3A_526, %sub3A_533 : vector<16xf32>
      %mul3A_535 = arith.constant 19.6153851 : f32
      %mul3A_536 = vector.broadcast %mul3A_535 : f32 to vector<16xf32>
      %mul3A_537 = arith.mulf %sub3A_534, %mul3A_536 : vector<16xf32>
      %add3A_538 = arith.constant 5.000000e-01 : f32
      %add3A_539 = vector.broadcast %add3A_538 : f32 to vector<16xf32>
      %add3A_540 = arith.addf %mul3A_537, %add3A_539 : vector<16xf32>
      %max3A_541 = arith.constant 0.000000e+00 : f32
      %max3A_542 = vector.broadcast %max3A_541 : f32 to vector<16xf32>
      %max3A_543 = arith.maximumf %add3A_540, %max3A_542 : vector<16xf32>
      %min3A_544 = arith.constant 2.549990e+02 : f32
      %min3A_545 = vector.broadcast %min3A_544 : f32 to vector<16xf32>
      %min3A_546 = arith.minimumf %max3A_543, %min3A_545 : vector<16xf32>
      %convert_element_type3A_547 = arith.fptosi %min3A_546 : vector<16xf32> to vector<16xi32>
      %add3A_548 = arith.addi %mul3A_121, %convert_element_type3A_547 : vector<16xi32>
      tpu.vector_store_idx %arg7[%add3A_548], %select_n3A_516 {add = true} : memref<4096xf32, #tpu.memory_space<vmem>>[vector<16xi32>], vector<16xf32>,
      %sub3A_549 = arith.constant -6.500000e+00 : f32
      %sub3A_550 = vector.broadcast %sub3A_549 : f32 to vector<16xf32>
      %sub3A_551 = arith.subf %select_n3A_503, %sub3A_550 : vector<16xf32>
      %mul3A_552 = arith.constant 19.6153851 : f32
      %mul3A_553 = vector.broadcast %mul3A_552 : f32 to vector<16xf32>
      %mul3A_554 = arith.mulf %sub3A_551, %mul3A_553 : vector<16xf32>
      %add3A_555 = arith.constant 5.000000e-01 : f32
      %add3A_556 = vector.broadcast %add3A_555 : f32 to vector<16xf32>
      %add3A_557 = arith.addf %mul3A_554, %add3A_556 : vector<16xf32>
      %max3A_558 = arith.constant 0.000000e+00 : f32
      %max3A_559 = vector.broadcast %max3A_558 : f32 to vector<16xf32>
      %max3A_560 = arith.maximumf %add3A_557, %max3A_559 : vector<16xf32>
      %min3A_561 = arith.constant 2.549990e+02 : f32
      %min3A_562 = vector.broadcast %min3A_561 : f32 to vector<16xf32>
      %min3A_563 = arith.minimumf %max3A_560, %min3A_562 : vector<16xf32>
      %convert_element_type3A_564 = arith.fptosi %min3A_563 : vector<16xf32> to vector<16xi32>
      %add3A_565 = arith.addi %mul3A_121, %convert_element_type3A_564 : vector<16xi32>
      tpu.vector_store_idx %arg8[%add3A_565], %select_n3A_516 {add = true} : memref<4096xf32, #tpu.memory_space<vmem>>[vector<16xi32>], vector<16xf32>,
      %scan3A_566 = arith.constant 4 : i32
      %scan3A_567 = arith.addi %scan3A_226, %scan3A_566 : i32
      %mul3A_568 = arith.constant 1 : i32
      %mul3A_569 = arith.muli %scan3A_567, %mul3A_568 : i32
      %add3A_570 = arith.constant 192 : i32
      %add3A_571 = arith.addi %add3A_570, %mul3A_569 : i32
      %mul3A_572 = arith.constant 16 : i32
      %mul3A_573 = arith.muli %add3A_571, %mul3A_572 : i32
      %get3A_574 = arith.index_cast %mul3A_573 : i32 to index
      %get3A_575 = tpu.vector_load %arg6[%get3A_574] {strides = array<i32>} : memref<25088xf32, #tpu.memory_space<vmem>>, vector<16xf32>,
      %add3A_576 = arith.constant 6272 : i32
      %add3A_577 = arith.addi %add3A_576, %mul3A_573 : i32
      %get3A_578 = arith.index_cast %add3A_577 : i32 to index
      %get3A_579 = tpu.vector_load %arg6[%get3A_578] {strides = array<i32>} : memref<25088xf32, #tpu.memory_space<vmem>>, vector<16xf32>,
      %add3A_580 = arith.constant 12544 : i32
      %add3A_581 = arith.addi %add3A_580, %mul3A_573 : i32
      %get3A_582 = arith.index_cast %add3A_581 : i32 to index
      %get3A_583 = tpu.vector_load %arg6[%get3A_582] {strides = array<i32>} : memref<25088xf32, #tpu.memory_space<vmem>>, vector<16xf32>,
      %add3A_584 = arith.constant 18816 : i32
      %add3A_585 = arith.addi %add3A_584, %mul3A_573 : i32
      %get3A_586 = arith.index_cast %add3A_585 : i32 to index
      %get3A_587 = tpu.vector_load %arg6[%get3A_586] {strides = array<i32>} : memref<25088xf32, #tpu.memory_space<vmem>>, vector<16xf32>,
      %select_n3A_588 = arith.select %eq3A_169, %get3A_583, %get3A_587 : vector<16xi1>, vector<16xf32>
      %select_n3A_589 = arith.select %eq3A_166, %get3A_579, %select_n3A_588 : vector<16xi1>, vector<16xf32>
      %abs3A_590 = math.absf %get3A_579 : vector<16xf32>
      %abs3A_591 = math.absf %get3A_583 : vector<16xf32>
      %add3A_592 = arith.addf %abs3A_590, %abs3A_591 : vector<16xf32>
      %abs3A_593 = math.absf %get3A_587 : vector<16xf32>
      %add3A_594 = arith.addf %add3A_592, %abs3A_593 : vector<16xf32>
      %gt3A_595 = arith.constant 0.000000e+00 : f32
      %gt3A_596 = vector.broadcast %gt3A_595 : f32 to vector<16xf32>
      %gt3A_597 = arith.cmpf ogt, %add3A_594, %gt3A_596 : vector<16xf32>
      %jit3A_598 = arith.constant 1.000000e+00 : f32
      %jit3A_599 = arith.constant 0.000000e+00 : f32
      %broadcast_in_dim3A_600 = vector.broadcast %jit3A_598 : f32 to vector<16xf32>
      %broadcast_in_dim3A_601 = vector.broadcast %jit3A_599 : f32 to vector<16xf32>
      %select_n3A_602 = arith.select %gt3A_597, %broadcast_in_dim3A_600, %broadcast_in_dim3A_601 : vector<16xi1>, vector<16xf32>
      %gt3A_603 = arith.constant 1.000000e+00 : f32
      %gt3A_604 = vector.broadcast %gt3A_603 : f32 to vector<16xf32>
      %gt3A_605 = arith.cmpf ogt, %get3A_575, %gt3A_604 : vector<16xf32>
      %mul3A_606 = arith.mulf %get3A_575, %get3A_163 : vector<16xf32>
      %select_n3A_607 = arith.select %gt3A_605, %mul3A_606, %get3A_575 : vector<16xi1>, vector<16xf32>
      %lt3A_608 = arith.constant -1.000000e+00 : f32
      %lt3A_609 = vector.broadcast %lt3A_608 : f32 to vector<16xf32>
      %lt3A_610 = arith.cmpf olt, %get3A_575, %lt3A_609 : vector<16xf32>
      %mul3A_611 = arith.mulf %get3A_575, %get3A_163 : vector<16xf32>
      %select_n3A_612 = arith.select %lt3A_610, %mul3A_611, %select_n3A_607 : vector<16xi1>, vector<16xf32>
      %sub3A_613 = arith.subf %select_n3A_612, %select_n3A_589 : vector<16xf32>
      %mul3A_614 = arith.mulf %sub3A_613, %sub3A_613 : vector<16xf32>
      %mul3A_615 = arith.mulf %mul3A_614, %select_n3A_602 : vector<16xf32>
      %add3A_616 = arith.addf %add3A_530, %mul3A_615 : vector<16xf32>
      %add3A_617 = arith.addf %add3A_531, %select_n3A_602 : vector<16xf32>
      %sub3A_618 = arith.constant -6.500000e+00 : f32
      %sub3A_619 = vector.broadcast %sub3A_618 : f32 to vector<16xf32>
      %sub3A_620 = arith.subf %select_n3A_612, %sub3A_619 : vector<16xf32>
      %mul3A_621 = arith.constant 19.6153851 : f32
      %mul3A_622 = vector.broadcast %mul3A_621 : f32 to vector<16xf32>
      %mul3A_623 = arith.mulf %sub3A_620, %mul3A_622 : vector<16xf32>
      %add3A_624 = arith.constant 5.000000e-01 : f32
      %add3A_625 = vector.broadcast %add3A_624 : f32 to vector<16xf32>
      %add3A_626 = arith.addf %mul3A_623, %add3A_625 : vector<16xf32>
      %max3A_627 = arith.constant 0.000000e+00 : f32
      %max3A_628 = vector.broadcast %max3A_627 : f32 to vector<16xf32>
      %max3A_629 = arith.maximumf %add3A_626, %max3A_628 : vector<16xf32>
      %min3A_630 = arith.constant 2.549990e+02 : f32
      %min3A_631 = vector.broadcast %min3A_630 : f32 to vector<16xf32>
      %min3A_632 = arith.minimumf %max3A_629, %min3A_631 : vector<16xf32>
      %convert_element_type3A_633 = arith.fptosi %min3A_632 : vector<16xf32> to vector<16xi32>
      %add3A_634 = arith.addi %mul3A_121, %convert_element_type3A_633 : vector<16xi32>
      tpu.vector_store_idx %arg7[%add3A_634], %select_n3A_602 {add = true} : memref<4096xf32, #tpu.memory_space<vmem>>[vector<16xi32>], vector<16xf32>,
      %sub3A_635 = arith.constant -6.500000e+00 : f32
      %sub3A_636 = vector.broadcast %sub3A_635 : f32 to vector<16xf32>
      %sub3A_637 = arith.subf %select_n3A_589, %sub3A_636 : vector<16xf32>
      %mul3A_638 = arith.constant 19.6153851 : f32
      %mul3A_639 = vector.broadcast %mul3A_638 : f32 to vector<16xf32>
      %mul3A_640 = arith.mulf %sub3A_637, %mul3A_639 : vector<16xf32>
      %add3A_641 = arith.constant 5.000000e-01 : f32
      %add3A_642 = vector.broadcast %add3A_641 : f32 to vector<16xf32>
      %add3A_643 = arith.addf %mul3A_640, %add3A_642 : vector<16xf32>
      %max3A_644 = arith.constant 0.000000e+00 : f32
      %max3A_645 = vector.broadcast %max3A_644 : f32 to vector<16xf32>
      %max3A_646 = arith.maximumf %add3A_643, %max3A_645 : vector<16xf32>
      %min3A_647 = arith.constant 2.549990e+02 : f32
      %min3A_648 = vector.broadcast %min3A_647 : f32 to vector<16xf32>
      %min3A_649 = arith.minimumf %max3A_646, %min3A_648 : vector<16xf32>
      %convert_element_type3A_650 = arith.fptosi %min3A_649 : vector<16xf32> to vector<16xi32>
      %add3A_651 = arith.addi %mul3A_121, %convert_element_type3A_650 : vector<16xi32>
      tpu.vector_store_idx %arg8[%add3A_651], %select_n3A_602 {add = true} : memref<4096xf32, #tpu.memory_space<vmem>>[vector<16xi32>], vector<16xf32>,
      %scan3A_652 = arith.constant 5 : i32
      %scan3A_653 = arith.addi %scan3A_226, %scan3A_652 : i32
      %mul3A_654 = arith.constant 1 : i32
      %mul3A_655 = arith.muli %scan3A_653, %mul3A_654 : i32
      %add3A_656 = arith.constant 192 : i32
      %add3A_657 = arith.addi %add3A_656, %mul3A_655 : i32
      %mul3A_658 = arith.constant 16 : i32
      %mul3A_659 = arith.muli %add3A_657, %mul3A_658 : i32
      %get3A_660 = arith.index_cast %mul3A_659 : i32 to index
      %get3A_661 = tpu.vector_load %arg6[%get3A_660] {strides = array<i32>} : memref<25088xf32, #tpu.memory_space<vmem>>, vector<16xf32>,
      %add3A_662 = arith.constant 6272 : i32
      %add3A_663 = arith.addi %add3A_662, %mul3A_659 : i32
      %get3A_664 = arith.index_cast %add3A_663 : i32 to index
      %get3A_665 = tpu.vector_load %arg6[%get3A_664] {strides = array<i32>} : memref<25088xf32, #tpu.memory_space<vmem>>, vector<16xf32>,
      %add3A_666 = arith.constant 12544 : i32
      %add3A_667 = arith.addi %add3A_666, %mul3A_659 : i32
      %get3A_668 = arith.index_cast %add3A_667 : i32 to index
      %get3A_669 = tpu.vector_load %arg6[%get3A_668] {strides = array<i32>} : memref<25088xf32, #tpu.memory_space<vmem>>, vector<16xf32>,
      %add3A_670 = arith.constant 18816 : i32
      %add3A_671 = arith.addi %add3A_670, %mul3A_659 : i32
      %get3A_672 = arith.index_cast %add3A_671 : i32 to index
      %get3A_673 = tpu.vector_load %arg6[%get3A_672] {strides = array<i32>} : memref<25088xf32, #tpu.memory_space<vmem>>, vector<16xf32>,
      %select_n3A_674 = arith.select %eq3A_169, %get3A_669, %get3A_673 : vector<16xi1>, vector<16xf32>
      %select_n3A_675 = arith.select %eq3A_166, %get3A_665, %select_n3A_674 : vector<16xi1>, vector<16xf32>
      %abs3A_676 = math.absf %get3A_665 : vector<16xf32>
      %abs3A_677 = math.absf %get3A_669 : vector<16xf32>
      %add3A_678 = arith.addf %abs3A_676, %abs3A_677 : vector<16xf32>
      %abs3A_679 = math.absf %get3A_673 : vector<16xf32>
      %add3A_680 = arith.addf %add3A_678, %abs3A_679 : vector<16xf32>
      %gt3A_681 = arith.constant 0.000000e+00 : f32
      %gt3A_682 = vector.broadcast %gt3A_681 : f32 to vector<16xf32>
      %gt3A_683 = arith.cmpf ogt, %add3A_680, %gt3A_682 : vector<16xf32>
      %jit3A_684 = arith.constant 1.000000e+00 : f32
      %jit3A_685 = arith.constant 0.000000e+00 : f32
      %broadcast_in_dim3A_686 = vector.broadcast %jit3A_684 : f32 to vector<16xf32>
      %broadcast_in_dim3A_687 = vector.broadcast %jit3A_685 : f32 to vector<16xf32>
      %select_n3A_688 = arith.select %gt3A_683, %broadcast_in_dim3A_686, %broadcast_in_dim3A_687 : vector<16xi1>, vector<16xf32>
      %gt3A_689 = arith.constant 1.000000e+00 : f32
      %gt3A_690 = vector.broadcast %gt3A_689 : f32 to vector<16xf32>
      %gt3A_691 = arith.cmpf ogt, %get3A_661, %gt3A_690 : vector<16xf32>
      %mul3A_692 = arith.mulf %get3A_661, %get3A_163 : vector<16xf32>
      %select_n3A_693 = arith.select %gt3A_691, %mul3A_692, %get3A_661 : vector<16xi1>, vector<16xf32>
      %lt3A_694 = arith.constant -1.000000e+00 : f32
      %lt3A_695 = vector.broadcast %lt3A_694 : f32 to vector<16xf32>
      %lt3A_696 = arith.cmpf olt, %get3A_661, %lt3A_695 : vector<16xf32>
      %mul3A_697 = arith.mulf %get3A_661, %get3A_163 : vector<16xf32>
      %select_n3A_698 = arith.select %lt3A_696, %mul3A_697, %select_n3A_693 : vector<16xi1>, vector<16xf32>
      %sub3A_699 = arith.subf %select_n3A_698, %select_n3A_675 : vector<16xf32>
      %mul3A_700 = arith.mulf %sub3A_699, %sub3A_699 : vector<16xf32>
      %mul3A_701 = arith.mulf %mul3A_700, %select_n3A_688 : vector<16xf32>
      %add3A_702 = arith.addf %add3A_616, %mul3A_701 : vector<16xf32>
      %add3A_703 = arith.addf %add3A_617, %select_n3A_688 : vector<16xf32>
      %sub3A_704 = arith.constant -6.500000e+00 : f32
      %sub3A_705 = vector.broadcast %sub3A_704 : f32 to vector<16xf32>
      %sub3A_706 = arith.subf %select_n3A_698, %sub3A_705 : vector<16xf32>
      %mul3A_707 = arith.constant 19.6153851 : f32
      %mul3A_708 = vector.broadcast %mul3A_707 : f32 to vector<16xf32>
      %mul3A_709 = arith.mulf %sub3A_706, %mul3A_708 : vector<16xf32>
      %add3A_710 = arith.constant 5.000000e-01 : f32
      %add3A_711 = vector.broadcast %add3A_710 : f32 to vector<16xf32>
      %add3A_712 = arith.addf %mul3A_709, %add3A_711 : vector<16xf32>
      %max3A_713 = arith.constant 0.000000e+00 : f32
      %max3A_714 = vector.broadcast %max3A_713 : f32 to vector<16xf32>
      %max3A_715 = arith.maximumf %add3A_712, %max3A_714 : vector<16xf32>
      %min3A_716 = arith.constant 2.549990e+02 : f32
      %min3A_717 = vector.broadcast %min3A_716 : f32 to vector<16xf32>
      %min3A_718 = arith.minimumf %max3A_715, %min3A_717 : vector<16xf32>
      %convert_element_type3A_719 = arith.fptosi %min3A_718 : vector<16xf32> to vector<16xi32>
      %add3A_720 = arith.addi %mul3A_121, %convert_element_type3A_719 : vector<16xi32>
      tpu.vector_store_idx %arg7[%add3A_720], %select_n3A_688 {add = true} : memref<4096xf32, #tpu.memory_space<vmem>>[vector<16xi32>], vector<16xf32>,
      %sub3A_721 = arith.constant -6.500000e+00 : f32
      %sub3A_722 = vector.broadcast %sub3A_721 : f32 to vector<16xf32>
      %sub3A_723 = arith.subf %select_n3A_675, %sub3A_722 : vector<16xf32>
      %mul3A_724 = arith.constant 19.6153851 : f32
      %mul3A_725 = vector.broadcast %mul3A_724 : f32 to vector<16xf32>
      %mul3A_726 = arith.mulf %sub3A_723, %mul3A_725 : vector<16xf32>
      %add3A_727 = arith.constant 5.000000e-01 : f32
      %add3A_728 = vector.broadcast %add3A_727 : f32 to vector<16xf32>
      %add3A_729 = arith.addf %mul3A_726, %add3A_728 : vector<16xf32>
      %max3A_730 = arith.constant 0.000000e+00 : f32
      %max3A_731 = vector.broadcast %max3A_730 : f32 to vector<16xf32>
      %max3A_732 = arith.maximumf %add3A_729, %max3A_731 : vector<16xf32>
      %min3A_733 = arith.constant 2.549990e+02 : f32
      %min3A_734 = vector.broadcast %min3A_733 : f32 to vector<16xf32>
      %min3A_735 = arith.minimumf %max3A_732, %min3A_734 : vector<16xf32>
      %convert_element_type3A_736 = arith.fptosi %min3A_735 : vector<16xf32> to vector<16xi32>
      %add3A_737 = arith.addi %mul3A_121, %convert_element_type3A_736 : vector<16xi32>
      tpu.vector_store_idx %arg8[%add3A_737], %select_n3A_688 {add = true} : memref<4096xf32, #tpu.memory_space<vmem>>[vector<16xi32>], vector<16xf32>,
      %scan3A_738 = arith.constant 6 : i32
      %scan3A_739 = arith.addi %scan3A_226, %scan3A_738 : i32
      %mul3A_740 = arith.constant 1 : i32
      %mul3A_741 = arith.muli %scan3A_739, %mul3A_740 : i32
      %add3A_742 = arith.constant 192 : i32
      %add3A_743 = arith.addi %add3A_742, %mul3A_741 : i32
      %mul3A_744 = arith.constant 16 : i32
      %mul3A_745 = arith.muli %add3A_743, %mul3A_744 : i32
      %get3A_746 = arith.index_cast %mul3A_745 : i32 to index
      %get3A_747 = tpu.vector_load %arg6[%get3A_746] {strides = array<i32>} : memref<25088xf32, #tpu.memory_space<vmem>>, vector<16xf32>,
      %add3A_748 = arith.constant 6272 : i32
      %add3A_749 = arith.addi %add3A_748, %mul3A_745 : i32
      %get3A_750 = arith.index_cast %add3A_749 : i32 to index
      %get3A_751 = tpu.vector_load %arg6[%get3A_750] {strides = array<i32>} : memref<25088xf32, #tpu.memory_space<vmem>>, vector<16xf32>,
      %add3A_752 = arith.constant 12544 : i32
      %add3A_753 = arith.addi %add3A_752, %mul3A_745 : i32
      %get3A_754 = arith.index_cast %add3A_753 : i32 to index
      %get3A_755 = tpu.vector_load %arg6[%get3A_754] {strides = array<i32>} : memref<25088xf32, #tpu.memory_space<vmem>>, vector<16xf32>,
      %add3A_756 = arith.constant 18816 : i32
      %add3A_757 = arith.addi %add3A_756, %mul3A_745 : i32
      %get3A_758 = arith.index_cast %add3A_757 : i32 to index
      %get3A_759 = tpu.vector_load %arg6[%get3A_758] {strides = array<i32>} : memref<25088xf32, #tpu.memory_space<vmem>>, vector<16xf32>,
      %select_n3A_760 = arith.select %eq3A_169, %get3A_755, %get3A_759 : vector<16xi1>, vector<16xf32>
      %select_n3A_761 = arith.select %eq3A_166, %get3A_751, %select_n3A_760 : vector<16xi1>, vector<16xf32>
      %abs3A_762 = math.absf %get3A_751 : vector<16xf32>
      %abs3A_763 = math.absf %get3A_755 : vector<16xf32>
      %add3A_764 = arith.addf %abs3A_762, %abs3A_763 : vector<16xf32>
      %abs3A_765 = math.absf %get3A_759 : vector<16xf32>
      %add3A_766 = arith.addf %add3A_764, %abs3A_765 : vector<16xf32>
      %gt3A_767 = arith.constant 0.000000e+00 : f32
      %gt3A_768 = vector.broadcast %gt3A_767 : f32 to vector<16xf32>
      %gt3A_769 = arith.cmpf ogt, %add3A_766, %gt3A_768 : vector<16xf32>
      %jit3A_770 = arith.constant 1.000000e+00 : f32
      %jit3A_771 = arith.constant 0.000000e+00 : f32
      %broadcast_in_dim3A_772 = vector.broadcast %jit3A_770 : f32 to vector<16xf32>
      %broadcast_in_dim3A_773 = vector.broadcast %jit3A_771 : f32 to vector<16xf32>
      %select_n3A_774 = arith.select %gt3A_769, %broadcast_in_dim3A_772, %broadcast_in_dim3A_773 : vector<16xi1>, vector<16xf32>
      %gt3A_775 = arith.constant 1.000000e+00 : f32
      %gt3A_776 = vector.broadcast %gt3A_775 : f32 to vector<16xf32>
      %gt3A_777 = arith.cmpf ogt, %get3A_747, %gt3A_776 : vector<16xf32>
      %mul3A_778 = arith.mulf %get3A_747, %get3A_163 : vector<16xf32>
      %select_n3A_779 = arith.select %gt3A_777, %mul3A_778, %get3A_747 : vector<16xi1>, vector<16xf32>
      %lt3A_780 = arith.constant -1.000000e+00 : f32
      %lt3A_781 = vector.broadcast %lt3A_780 : f32 to vector<16xf32>
      %lt3A_782 = arith.cmpf olt, %get3A_747, %lt3A_781 : vector<16xf32>
      %mul3A_783 = arith.mulf %get3A_747, %get3A_163 : vector<16xf32>
      %select_n3A_784 = arith.select %lt3A_782, %mul3A_783, %select_n3A_779 : vector<16xi1>, vector<16xf32>
      %sub3A_785 = arith.subf %select_n3A_784, %select_n3A_761 : vector<16xf32>
      %mul3A_786 = arith.mulf %sub3A_785, %sub3A_785 : vector<16xf32>
      %mul3A_787 = arith.mulf %mul3A_786, %select_n3A_774 : vector<16xf32>
      %add3A_788 = arith.addf %add3A_702, %mul3A_787 : vector<16xf32>
      %add3A_789 = arith.addf %add3A_703, %select_n3A_774 : vector<16xf32>
      %sub3A_790 = arith.constant -6.500000e+00 : f32
      %sub3A_791 = vector.broadcast %sub3A_790 : f32 to vector<16xf32>
      %sub3A_792 = arith.subf %select_n3A_784, %sub3A_791 : vector<16xf32>
      %mul3A_793 = arith.constant 19.6153851 : f32
      %mul3A_794 = vector.broadcast %mul3A_793 : f32 to vector<16xf32>
      %mul3A_795 = arith.mulf %sub3A_792, %mul3A_794 : vector<16xf32>
      %add3A_796 = arith.constant 5.000000e-01 : f32
      %add3A_797 = vector.broadcast %add3A_796 : f32 to vector<16xf32>
      %add3A_798 = arith.addf %mul3A_795, %add3A_797 : vector<16xf32>
      %max3A_799 = arith.constant 0.000000e+00 : f32
      %max3A_800 = vector.broadcast %max3A_799 : f32 to vector<16xf32>
      %max3A_801 = arith.maximumf %add3A_798, %max3A_800 : vector<16xf32>
      %min3A_802 = arith.constant 2.549990e+02 : f32
      %min3A_803 = vector.broadcast %min3A_802 : f32 to vector<16xf32>
      %min3A_804 = arith.minimumf %max3A_801, %min3A_803 : vector<16xf32>
      %convert_element_type3A_805 = arith.fptosi %min3A_804 : vector<16xf32> to vector<16xi32>
      %add3A_806 = arith.addi %mul3A_121, %convert_element_type3A_805 : vector<16xi32>
      tpu.vector_store_idx %arg7[%add3A_806], %select_n3A_774 {add = true} : memref<4096xf32, #tpu.memory_space<vmem>>[vector<16xi32>], vector<16xf32>,
      %sub3A_807 = arith.constant -6.500000e+00 : f32
      %sub3A_808 = vector.broadcast %sub3A_807 : f32 to vector<16xf32>
      %sub3A_809 = arith.subf %select_n3A_761, %sub3A_808 : vector<16xf32>
      %mul3A_810 = arith.constant 19.6153851 : f32
      %mul3A_811 = vector.broadcast %mul3A_810 : f32 to vector<16xf32>
      %mul3A_812 = arith.mulf %sub3A_809, %mul3A_811 : vector<16xf32>
      %add3A_813 = arith.constant 5.000000e-01 : f32
      %add3A_814 = vector.broadcast %add3A_813 : f32 to vector<16xf32>
      %add3A_815 = arith.addf %mul3A_812, %add3A_814 : vector<16xf32>
      %max3A_816 = arith.constant 0.000000e+00 : f32
      %max3A_817 = vector.broadcast %max3A_816 : f32 to vector<16xf32>
      %max3A_818 = arith.maximumf %add3A_815, %max3A_817 : vector<16xf32>
      %min3A_819 = arith.constant 2.549990e+02 : f32
      %min3A_820 = vector.broadcast %min3A_819 : f32 to vector<16xf32>
      %min3A_821 = arith.minimumf %max3A_818, %min3A_820 : vector<16xf32>
      %convert_element_type3A_822 = arith.fptosi %min3A_821 : vector<16xf32> to vector<16xi32>
      %add3A_823 = arith.addi %mul3A_121, %convert_element_type3A_822 : vector<16xi32>
      tpu.vector_store_idx %arg8[%add3A_823], %select_n3A_774 {add = true} : memref<4096xf32, #tpu.memory_space<vmem>>[vector<16xi32>], vector<16xf32>,
      %scan3A_824 = arith.constant 7 : i32
      %scan3A_825 = arith.addi %scan3A_226, %scan3A_824 : i32
      %mul3A_826 = arith.constant 1 : i32
      %mul3A_827 = arith.muli %scan3A_825, %mul3A_826 : i32
      %add3A_828 = arith.constant 192 : i32
      %add3A_829 = arith.addi %add3A_828, %mul3A_827 : i32
      %mul3A_830 = arith.constant 16 : i32
      %mul3A_831 = arith.muli %add3A_829, %mul3A_830 : i32
      %get3A_832 = arith.index_cast %mul3A_831 : i32 to index
      %get3A_833 = tpu.vector_load %arg6[%get3A_832] {strides = array<i32>} : memref<25088xf32, #tpu.memory_space<vmem>>, vector<16xf32>,
      %add3A_834 = arith.constant 6272 : i32
      %add3A_835 = arith.addi %add3A_834, %mul3A_831 : i32
      %get3A_836 = arith.index_cast %add3A_835 : i32 to index
      %get3A_837 = tpu.vector_load %arg6[%get3A_836] {strides = array<i32>} : memref<25088xf32, #tpu.memory_space<vmem>>, vector<16xf32>,
      %add3A_838 = arith.constant 12544 : i32
      %add3A_839 = arith.addi %add3A_838, %mul3A_831 : i32
      %get3A_840 = arith.index_cast %add3A_839 : i32 to index
      %get3A_841 = tpu.vector_load %arg6[%get3A_840] {strides = array<i32>} : memref<25088xf32, #tpu.memory_space<vmem>>, vector<16xf32>,
      %add3A_842 = arith.constant 18816 : i32
      %add3A_843 = arith.addi %add3A_842, %mul3A_831 : i32
      %get3A_844 = arith.index_cast %add3A_843 : i32 to index
      %get3A_845 = tpu.vector_load %arg6[%get3A_844] {strides = array<i32>} : memref<25088xf32, #tpu.memory_space<vmem>>, vector<16xf32>,
      %select_n3A_846 = arith.select %eq3A_169, %get3A_841, %get3A_845 : vector<16xi1>, vector<16xf32>
      %select_n3A_847 = arith.select %eq3A_166, %get3A_837, %select_n3A_846 : vector<16xi1>, vector<16xf32>
      %abs3A_848 = math.absf %get3A_837 : vector<16xf32>
      %abs3A_849 = math.absf %get3A_841 : vector<16xf32>
      %add3A_850 = arith.addf %abs3A_848, %abs3A_849 : vector<16xf32>
      %abs3A_851 = math.absf %get3A_845 : vector<16xf32>
      %add3A_852 = arith.addf %add3A_850, %abs3A_851 : vector<16xf32>
      %gt3A_853 = arith.constant 0.000000e+00 : f32
      %gt3A_854 = vector.broadcast %gt3A_853 : f32 to vector<16xf32>
      %gt3A_855 = arith.cmpf ogt, %add3A_852, %gt3A_854 : vector<16xf32>
      %jit3A_856 = arith.constant 1.000000e+00 : f32
      %jit3A_857 = arith.constant 0.000000e+00 : f32
      %broadcast_in_dim3A_858 = vector.broadcast %jit3A_856 : f32 to vector<16xf32>
      %broadcast_in_dim3A_859 = vector.broadcast %jit3A_857 : f32 to vector<16xf32>
      %select_n3A_860 = arith.select %gt3A_855, %broadcast_in_dim3A_858, %broadcast_in_dim3A_859 : vector<16xi1>, vector<16xf32>
      %gt3A_861 = arith.constant 1.000000e+00 : f32
      %gt3A_862 = vector.broadcast %gt3A_861 : f32 to vector<16xf32>
      %gt3A_863 = arith.cmpf ogt, %get3A_833, %gt3A_862 : vector<16xf32>
      %mul3A_864 = arith.mulf %get3A_833, %get3A_163 : vector<16xf32>
      %select_n3A_865 = arith.select %gt3A_863, %mul3A_864, %get3A_833 : vector<16xi1>, vector<16xf32>
      %lt3A_866 = arith.constant -1.000000e+00 : f32
      %lt3A_867 = vector.broadcast %lt3A_866 : f32 to vector<16xf32>
      %lt3A_868 = arith.cmpf olt, %get3A_833, %lt3A_867 : vector<16xf32>
      %mul3A_869 = arith.mulf %get3A_833, %get3A_163 : vector<16xf32>
      %select_n3A_870 = arith.select %lt3A_868, %mul3A_869, %select_n3A_865 : vector<16xi1>, vector<16xf32>
      %sub3A_871 = arith.subf %select_n3A_870, %select_n3A_847 : vector<16xf32>
      %mul3A_872 = arith.mulf %sub3A_871, %sub3A_871 : vector<16xf32>
      %mul3A_873 = arith.mulf %mul3A_872, %select_n3A_860 : vector<16xf32>
      %add3A_874 = arith.addf %add3A_788, %mul3A_873 : vector<16xf32>
      %add3A_875 = arith.addf %add3A_789, %select_n3A_860 : vector<16xf32>
      %sub3A_876 = arith.constant -6.500000e+00 : f32
      %sub3A_877 = vector.broadcast %sub3A_876 : f32 to vector<16xf32>
      %sub3A_878 = arith.subf %select_n3A_870, %sub3A_877 : vector<16xf32>
      %mul3A_879 = arith.constant 19.6153851 : f32
      %mul3A_880 = vector.broadcast %mul3A_879 : f32 to vector<16xf32>
      %mul3A_881 = arith.mulf %sub3A_878, %mul3A_880 : vector<16xf32>
      %add3A_882 = arith.constant 5.000000e-01 : f32
      %add3A_883 = vector.broadcast %add3A_882 : f32 to vector<16xf32>
      %add3A_884 = arith.addf %mul3A_881, %add3A_883 : vector<16xf32>
      %max3A_885 = arith.constant 0.000000e+00 : f32
      %max3A_886 = vector.broadcast %max3A_885 : f32 to vector<16xf32>
      %max3A_887 = arith.maximumf %add3A_884, %max3A_886 : vector<16xf32>
      %min3A_888 = arith.constant 2.549990e+02 : f32
      %min3A_889 = vector.broadcast %min3A_888 : f32 to vector<16xf32>
      %min3A_890 = arith.minimumf %max3A_887, %min3A_889 : vector<16xf32>
      %convert_element_type3A_891 = arith.fptosi %min3A_890 : vector<16xf32> to vector<16xi32>
      %add3A_892 = arith.addi %mul3A_121, %convert_element_type3A_891 : vector<16xi32>
      tpu.vector_store_idx %arg7[%add3A_892], %select_n3A_860 {add = true} : memref<4096xf32, #tpu.memory_space<vmem>>[vector<16xi32>], vector<16xf32>,
      %sub3A_893 = arith.constant -6.500000e+00 : f32
      %sub3A_894 = vector.broadcast %sub3A_893 : f32 to vector<16xf32>
      %sub3A_895 = arith.subf %select_n3A_847, %sub3A_894 : vector<16xf32>
      %mul3A_896 = arith.constant 19.6153851 : f32
      %mul3A_897 = vector.broadcast %mul3A_896 : f32 to vector<16xf32>
      %mul3A_898 = arith.mulf %sub3A_895, %mul3A_897 : vector<16xf32>
      %add3A_899 = arith.constant 5.000000e-01 : f32
      %add3A_900 = vector.broadcast %add3A_899 : f32 to vector<16xf32>
      %add3A_901 = arith.addf %mul3A_898, %add3A_900 : vector<16xf32>
      %max3A_902 = arith.constant 0.000000e+00 : f32
      %max3A_903 = vector.broadcast %max3A_902 : f32 to vector<16xf32>
      %max3A_904 = arith.maximumf %add3A_901, %max3A_903 : vector<16xf32>
      %min3A_905 = arith.constant 2.549990e+02 : f32
      %min3A_906 = vector.broadcast %min3A_905 : f32 to vector<16xf32>
      %min3A_907 = arith.minimumf %max3A_904, %min3A_906 : vector<16xf32>
      %convert_element_type3A_908 = arith.fptosi %min3A_907 : vector<16xf32> to vector<16xi32>
      %add3A_909 = arith.addi %mul3A_121, %convert_element_type3A_908 : vector<16xi32>
      tpu.vector_store_idx %arg8[%add3A_909], %select_n3A_860 {add = true} : memref<4096xf32, #tpu.memory_space<vmem>>[vector<16xi32>], vector<16xf32>,
      scf.yield %add3A_875, %add3A_874 : vector<16xf32>, vector<16xf32>
    }
    %scan3A_213 = arith.constant 200 : i32
    %swap3A = arith.constant 2 : i32
    %swap3A_214 = arith.index_cast %swap3A : i32 to index
    %swap3A_215 = arith.constant 0 : index
    %swap3A_216 = tpu.vector_load %arg9[%swap3A_214, %swap3A_215] {strides = array<i32>} : memref<3x256xf32, #tpu.memory_space<vmem>>, vector<16xf32>,
    tpu.vector_store %arg9[%swap3A_214, %swap3A_215], %scan3A_212#0 {strides = array<i32>} : memref<3x256xf32, #tpu.memory_space<vmem>>, vector<16xf32>,
    %swap3A_217 = arith.constant 2 : i32
    %swap3A_218 = arith.index_cast %swap3A_217 : i32 to index
    %swap3A_219 = arith.constant 16 : index
    %swap3A_220 = tpu.vector_load %arg9[%swap3A_218, %swap3A_219] {strides = array<i32>} : memref<3x256xf32, #tpu.memory_space<vmem>>, vector<16xf32>,
    tpu.vector_store %arg9[%swap3A_218, %swap3A_219], %scan3A_212#1 {strides = array<i32>} : memref<3x256xf32, #tpu.memory_space<vmem>>, vector<16xf32>,
    %scan3A_221 = arith.constant 0 : i32
    %scan3A_222 = arith.constant 16 : i32
    %scan3A_223 = arith.addi %scan3A_221, %scan3A_222 : i32
    %scan3A_224 = arith.constant 1 : i32
    scf.for %scan3A_226 = %scan3A_221 to %scan3A_223 step %scan3A_224  : i32 {
      %mul3A_227 = arith.constant 1 : i32
      %mul3A_228 = arith.muli %scan3A_226, %mul3A_227 : i32
      %add3A_229 = arith.constant 0 : i32
      %add3A_230 = arith.addi %add3A_229, %mul3A_228 : i32
      %mul3A_231 = arith.constant 16 : i32
      %mul3A_232 = arith.muli %add3A_230, %mul3A_231 : i32
      %get3A_233 = arith.index_cast %mul3A_232 : i32 to index
      %get3A_234 = tpu.vector_load %arg7[%get3A_233] {strides = array<i32>} : memref<4096xf32, #tpu.memory_space<vmem>>, vector<16xf32>,
      %get3A_235 = arith.index_cast %mul3A_232 : i32 to index
      %get3A_236 = tpu.vector_load %arg8[%get3A_235] {strides = array<i32>} : memref<4096xf32, #tpu.memory_space<vmem>>, vector<16xf32>,
      %add3A_237 = arith.constant 256 : i32
      %add3A_238 = arith.addi %add3A_237, %mul3A_232 : i32
      %get3A_239 = arith.index_cast %add3A_238 : i32 to index
      %get3A_240 = tpu.vector_load %arg7[%get3A_239] {strides = array<i32>} : memref<4096xf32, #tpu.memory_space<vmem>>, vector<16xf32>,
      %add3A_241 = arith.addf %get3A_234, %get3A_240 : vector<16xf32>
      %add3A_242 = arith.constant 256 : i32
      %add3A_243 = arith.addi %add3A_242, %mul3A_232 : i32
      %get3A_244 = arith.index_cast %add3A_243 : i32 to index
      %get3A_245 = tpu.vector_load %arg8[%get3A_244] {strides = array<i32>} : memref<4096xf32, #tpu.memory_space<vmem>>, vector<16xf32>,
      %add3A_246 = arith.addf %get3A_236, %get3A_245 : vector<16xf32>
      %add3A_247 = arith.constant 512 : i32
      %add3A_248 = arith.addi %add3A_247, %mul3A_232 : i32
      %get3A_249 = arith.index_cast %add3A_248 : i32 to index
      %get3A_250 = tpu.vector_load %arg7[%get3A_249] {strides = array<i32>} : memref<4096xf32, #tpu.memory_space<vmem>>, vector<16xf32>,
      %add3A_251 = arith.addf %add3A_241, %get3A_250 : vector<16xf32>
      %add3A_252 = arith.constant 512 : i32
      %add3A_253 = arith.addi %add3A_252, %mul3A_232 : i32
      %get3A_254 = arith.index_cast %add3A_253 : i32 to index
      %get3A_255 = tpu.vector_load %arg8[%get3A_254] {strides = array<i32>} : memref<4096xf32, #tpu.memory_space<vmem>>, vector<16xf32>,
      %add3A_256 = arith.addf %add3A_246, %get3A_255 : vector<16xf32>
      %add3A_257 = arith.constant 768 : i32
      %add3A_258 = arith.addi %add3A_257, %mul3A_232 : i32
      %get3A_259 = arith.index_cast %add3A_258 : i32 to index
      %get3A_260 = tpu.vector_load %arg7[%get3A_259] {strides = array<i32>} : memref<4096xf32, #tpu.memory_space<vmem>>, vector<16xf32>,
      %add3A_261 = arith.addf %add3A_251, %get3A_260 : vector<16xf32>
      %add3A_262 = arith.constant 768 : i32
      %add3A_263 = arith.addi %add3A_262, %mul3A_232 : i32
      %get3A_264 = arith.index_cast %add3A_263 : i32 to index
      %get3A_265 = tpu.vector_load %arg8[%get3A_264] {strides = array<i32>} : memref<4096xf32, #tpu.memory_space<vmem>>, vector<16xf32>,
      %add3A_266 = arith.addf %add3A_256, %get3A_265 : vector<16xf32>
      %add3A_267 = arith.constant 1024 : i32
      %add3A_268 = arith.addi %add3A_267, %mul3A_232 : i32
      %get3A_269 = arith.index_cast %add3A_268 : i32 to index
      %get3A_270 = tpu.vector_load %arg7[%get3A_269] {strides = array<i32>} : memref<4096xf32, #tpu.memory_space<vmem>>, vector<16xf32>,
      %add3A_271 = arith.addf %add3A_261, %get3A_270 : vector<16xf32>
      %add3A_272 = arith.constant 1024 : i32
      %add3A_273 = arith.addi %add3A_272, %mul3A_232 : i32
      %get3A_274 = arith.index_cast %add3A_273 : i32 to index
      %get3A_275 = tpu.vector_load %arg8[%get3A_274] {strides = array<i32>} : memref<4096xf32, #tpu.memory_space<vmem>>, vector<16xf32>,
      %add3A_276 = arith.addf %add3A_266, %get3A_275 : vector<16xf32>
      %add3A_277 = arith.constant 1280 : i32
      %add3A_278 = arith.addi %add3A_277, %mul3A_232 : i32
      %get3A_279 = arith.index_cast %add3A_278 : i32 to index
      %get3A_280 = tpu.vector_load %arg7[%get3A_279] {strides = array<i32>} : memref<4096xf32, #tpu.memory_space<vmem>>, vector<16xf32>,
      %add3A_281 = arith.addf %add3A_271, %get3A_280 : vector<16xf32>
      %add3A_282 = arith.constant 1280 : i32
      %add3A_283 = arith.addi %add3A_282, %mul3A_232 : i32
      %get3A_284 = arith.index_cast %add3A_283 : i32 to index
      %get3A_285 = tpu.vector_load %arg8[%get3A_284] {strides = array<i32>} : memref<4096xf32, #tpu.memory_space<vmem>>, vector<16xf32>,
      %add3A_286 = arith.addf %add3A_276, %get3A_285 : vector<16xf32>
      %add3A_287 = arith.constant 1536 : i32
      %add3A_288 = arith.addi %add3A_287, %mul3A_232 : i32
      %get3A_289 = arith.index_cast %add3A_288 : i32 to index
      %get3A_290 = tpu.vector_load %arg7[%get3A_289] {strides = array<i32>} : memref<4096xf32, #tpu.memory_space<vmem>>, vector<16xf32>,
      %add3A_291 = arith.addf %add3A_281, %get3A_290 : vector<16xf32>
      %add3A_292 = arith.constant 1536 : i32
      %add3A_293 = arith.addi %add3A_292, %mul3A_232 : i32
      %get3A_294 = arith.index_cast %add3A_293 : i32 to index
      %get3A_295 = tpu.vector_load %arg8[%get3A_294] {strides = array<i32>} : memref<4096xf32, #tpu.memory_space<vmem>>, vector<16xf32>,
      %add3A_296 = arith.addf %add3A_286, %get3A_295 : vector<16xf32>
      %add3A_297 = arith.constant 1792 : i32
      %add3A_298 = arith.addi %add3A_297, %mul3A_232 : i32
      %get3A_299 = arith.index_cast %add3A_298 : i32 to index
      %get3A_300 = tpu.vector_load %arg7[%get3A_299] {strides = array<i32>} : memref<4096xf32, #tpu.memory_space<vmem>>, vector<16xf32>,
      %add3A_301 = arith.addf %add3A_291, %get3A_300 : vector<16xf32>
      %add3A_302 = arith.constant 1792 : i32
      %add3A_303 = arith.addi %add3A_302, %mul3A_232 : i32
      %get3A_304 = arith.index_cast %add3A_303 : i32 to index
      %get3A_305 = tpu.vector_load %arg8[%get3A_304] {strides = array<i32>} : memref<4096xf32, #tpu.memory_space<vmem>>, vector<16xf32>,
      %add3A_306 = arith.addf %add3A_296, %get3A_305 : vector<16xf32>
      %add3A_307 = arith.constant 2048 : i32
      %add3A_308 = arith.addi %add3A_307, %mul3A_232 : i32
      %get3A_309 = arith.index_cast %add3A_308 : i32 to index
      %get3A_310 = tpu.vector_load %arg7[%get3A_309] {strides = array<i32>} : memref<4096xf32, #tpu.memory_space<vmem>>, vector<16xf32>,
      %add3A_311 = arith.addf %add3A_301, %get3A_310 : vector<16xf32>
      %add3A_312 = arith.constant 2048 : i32
      %add3A_313 = arith.addi %add3A_312, %mul3A_232 : i32
      %get3A_314 = arith.index_cast %add3A_313 : i32 to index
      %get3A_315 = tpu.vector_load %arg8[%get3A_314] {strides = array<i32>} : memref<4096xf32, #tpu.memory_space<vmem>>, vector<16xf32>,
      %add3A_316 = arith.addf %add3A_306, %get3A_315 : vector<16xf32>
      %add3A_317 = arith.constant 2304 : i32
      %add3A_318 = arith.addi %add3A_317, %mul3A_232 : i32
      %get3A_319 = arith.index_cast %add3A_318 : i32 to index
      %get3A_320 = tpu.vector_load %arg7[%get3A_319] {strides = array<i32>} : memref<4096xf32, #tpu.memory_space<vmem>>, vector<16xf32>,
      %add3A_321 = arith.addf %add3A_311, %get3A_320 : vector<16xf32>
      %add3A_322 = arith.constant 2304 : i32
      %add3A_323 = arith.addi %add3A_322, %mul3A_232 : i32
      %get3A_324 = arith.index_cast %add3A_323 : i32 to index
      %get3A_325 = tpu.vector_load %arg8[%get3A_324] {strides = array<i32>} : memref<4096xf32, #tpu.memory_space<vmem>>, vector<16xf32>,
      %add3A_326 = arith.addf %add3A_316, %get3A_325 : vector<16xf32>
      %add3A_327 = arith.constant 2560 : i32
      %add3A_328 = arith.addi %add3A_327, %mul3A_232 : i32
      %get3A_329 = arith.index_cast %add3A_328 : i32 to index
      %get3A_330 = tpu.vector_load %arg7[%get3A_329] {strides = array<i32>} : memref<4096xf32, #tpu.memory_space<vmem>>, vector<16xf32>,
      %add3A_331 = arith.addf %add3A_321, %get3A_330 : vector<16xf32>
      %add3A_332 = arith.constant 2560 : i32
      %add3A_333 = arith.addi %add3A_332, %mul3A_232 : i32
      %get3A_334 = arith.index_cast %add3A_333 : i32 to index
      %get3A_335 = tpu.vector_load %arg8[%get3A_334] {strides = array<i32>} : memref<4096xf32, #tpu.memory_space<vmem>>, vector<16xf32>,
      %add3A_336 = arith.addf %add3A_326, %get3A_335 : vector<16xf32>
      %add3A_337 = arith.constant 2816 : i32
      %add3A_338 = arith.addi %add3A_337, %mul3A_232 : i32
      %get3A_339 = arith.index_cast %add3A_338 : i32 to index
      %get3A_340 = tpu.vector_load %arg7[%get3A_339] {strides = array<i32>} : memref<4096xf32, #tpu.memory_space<vmem>>, vector<16xf32>,
      %add3A_341 = arith.addf %add3A_331, %get3A_340 : vector<16xf32>
      %add3A_342 = arith.constant 2816 : i32
      %add3A_343 = arith.addi %add3A_342, %mul3A_232 : i32
      %get3A_344 = arith.index_cast %add3A_343 : i32 to index
      %get3A_345 = tpu.vector_load %arg8[%get3A_344] {strides = array<i32>} : memref<4096xf32, #tpu.memory_space<vmem>>, vector<16xf32>,
      %add3A_346 = arith.addf %add3A_336, %get3A_345 : vector<16xf32>
      %add3A_347 = arith.constant 3072 : i32
      %add3A_348 = arith.addi %add3A_347, %mul3A_232 : i32
      %get3A_349 = arith.index_cast %add3A_348 : i32 to index
      %get3A_350 = tpu.vector_load %arg7[%get3A_349] {strides = array<i32>} : memref<4096xf32, #tpu.memory_space<vmem>>, vector<16xf32>,
      %add3A_351 = arith.addf %add3A_341, %get3A_350 : vector<16xf32>
      %add3A_352 = arith.constant 3072 : i32
      %add3A_353 = arith.addi %add3A_352, %mul3A_232 : i32
      %get3A_354 = arith.index_cast %add3A_353 : i32 to index
      %get3A_355 = tpu.vector_load %arg8[%get3A_354] {strides = array<i32>} : memref<4096xf32, #tpu.memory_space<vmem>>, vector<16xf32>,
      %add3A_356 = arith.addf %add3A_346, %get3A_355 : vector<16xf32>
      %add3A_357 = arith.constant 3328 : i32
      %add3A_358 = arith.addi %add3A_357, %mul3A_232 : i32
      %get3A_359 = arith.index_cast %add3A_358 : i32 to index
      %get3A_360 = tpu.vector_load %arg7[%get3A_359] {strides = array<i32>} : memref<4096xf32, #tpu.memory_space<vmem>>, vector<16xf32>,
      %add3A_361 = arith.addf %add3A_351, %get3A_360 : vector<16xf32>
      %add3A_362 = arith.constant 3328 : i32
      %add3A_363 = arith.addi %add3A_362, %mul3A_232 : i32
      %get3A_364 = arith.index_cast %add3A_363 : i32 to index
      %get3A_365 = tpu.vector_load %arg8[%get3A_364] {strides = array<i32>} : memref<4096xf32, #tpu.memory_space<vmem>>, vector<16xf32>,
      %add3A_366 = arith.addf %add3A_356, %get3A_365 : vector<16xf32>
      %add3A_367 = arith.constant 3584 : i32
      %add3A_368 = arith.addi %add3A_367, %mul3A_232 : i32
      %get3A_369 = arith.index_cast %add3A_368 : i32 to index
      %get3A_370 = tpu.vector_load %arg7[%get3A_369] {strides = array<i32>} : memref<4096xf32, #tpu.memory_space<vmem>>, vector<16xf32>,
      %add3A_371 = arith.addf %add3A_361, %get3A_370 : vector<16xf32>
      %add3A_372 = arith.constant 3584 : i32
      %add3A_373 = arith.addi %add3A_372, %mul3A_232 : i32
      %get3A_374 = arith.index_cast %add3A_373 : i32 to index
      %get3A_375 = tpu.vector_load %arg8[%get3A_374] {strides = array<i32>} : memref<4096xf32, #tpu.memory_space<vmem>>, vector<16xf32>,
      %add3A_376 = arith.addf %add3A_366, %get3A_375 : vector<16xf32>
      %add3A_377 = arith.constant 3840 : i32
      %add3A_378 = arith.addi %add3A_377, %mul3A_232 : i32
      %get3A_379 = arith.index_cast %add3A_378 : i32 to index
      %get3A_380 = tpu.vector_load %arg7[%get3A_379] {strides = array<i32>} : memref<4096xf32, #tpu.memory_space<vmem>>, vector<16xf32>,
      %add3A_381 = arith.addf %add3A_371, %get3A_380 : vector<16xf32>
      %add3A_382 = arith.constant 3840 : i32
      %add3A_383 = arith.addi %add3A_382, %mul3A_232 : i32
      %get3A_384 = arith.index_cast %add3A_383 : i32 to index
      %get3A_385 = tpu.vector_load %arg8[%get3A_384] {strides = array<i32>} : memref<4096xf32, #tpu.memory_space<vmem>>, vector<16xf32>,
      %add3A_386 = arith.addf %add3A_376, %get3A_385 : vector<16xf32>
      %swap3A_387 = arith.constant 0 : i32
      %swap3A_388 = arith.index_cast %swap3A_387 : i32 to index
      %swap3A_389 = arith.index_cast %mul3A_232 : i32 to index
      %swap3A_390 = tpu.vector_load %arg9[%swap3A_388, %swap3A_389] {strides = array<i32>} : memref<3x256xf32, #tpu.memory_space<vmem>>, vector<16xf32>,
      tpu.vector_store %arg9[%swap3A_388, %swap3A_389], %add3A_381 {strides = array<i32>} : memref<3x256xf32, #tpu.memory_space<vmem>>, vector<16xf32>,
      %swap3A_391 = arith.constant 1 : i32
      %swap3A_392 = arith.index_cast %swap3A_391 : i32 to index
      %swap3A_393 = arith.index_cast %mul3A_232 : i32 to index
      %swap3A_394 = tpu.vector_load %arg9[%swap3A_392, %swap3A_393] {strides = array<i32>} : memref<3x256xf32, #tpu.memory_space<vmem>>, vector<16xf32>,
      tpu.vector_store %arg9[%swap3A_392, %swap3A_393], %add3A_386 {strides = array<i32>} : memref<3x256xf32, #tpu.memory_space<vmem>>, vector<16xf32>,
    }
    %scan3A_225 = arith.constant 16 : i32
    "tpu.region"() ({
      %run_scoped3A = tpu.sem_alloc : memref<!tpu.dma_semaphore, #tpu.memory_space<semaphore_mem>>
      %dma_start3A_226 = arith.constant 0 : i32
      %dma_start3A_227 = arith.constant 0 : i32
      %dma_start3A_228 = tpu.memref_slice %arg5[%add3A, %dma_start3A_226, %dma_start3A_227] : memref<32x3x256xf32, #tpu.memory_space<hbm>> -> memref<1x3x256xf32, #tpu.memory_space<hbm>>
      %dma_start3A_229 = tpu.memref_squeeze %dma_start3A_228 : memref<1x3x256xf32, #tpu.memory_space<hbm>> -> memref<3x256xf32, #tpu.memory_space<hbm>>
      %dma_start3A_230 = arith.constant 0 : i32
      %dma_start3A_231 = arith.constant 0 : i32
      %dma_start3A_232 = tpu.memref_slice %arg5[%add3A, %dma_start3A_230, %dma_start3A_231] : memref<32x3x256xf32, #tpu.memory_space<hbm>> -> memref<1x3x256xf32, #tpu.memory_space<hbm>>
      %dma_start3A_233 = tpu.memref_squeeze %dma_start3A_232 : memref<1x3x256xf32, #tpu.memory_space<hbm>> -> memref<3x256xf32, #tpu.memory_space<hbm>>
      tpu.enqueue_dma source(%arg9 : memref<3x256xf32, #tpu.memory_space<vmem>>) target(%dma_start3A_233 : memref<3x256xf32, #tpu.memory_space<hbm>>) target_semaphore(%run_scoped3A : memref<!tpu.dma_semaphore, #tpu.memory_space<semaphore_mem>>)
      %dma_wait3A_234 = arith.constant 0 : i32
      %dma_wait3A_235 = arith.constant 0 : i32
      %dma_wait3A_236 = tpu.memref_slice %arg5[%add3A, %dma_wait3A_234, %dma_wait3A_235] : memref<32x3x256xf32, #tpu.memory_space<hbm>> -> memref<1x3x256xf32, #tpu.memory_space<hbm>>
      %dma_wait3A_237 = tpu.memref_squeeze %dma_wait3A_236 : memref<1x3x256xf32, #tpu.memory_space<hbm>> -> memref<3x256xf32, #tpu.memory_space<hbm>>
      %dma_wait3A_238 = arith.constant 0 : i32
      %dma_wait3A_239 = arith.constant 0 : i32
      %dma_wait3A_240 = tpu.memref_slice %arg5[%add3A, %dma_wait3A_238, %dma_wait3A_239] : memref<32x3x256xf32, #tpu.memory_space<hbm>> -> memref<1x3x256xf32, #tpu.memory_space<hbm>>
      %dma_wait3A_241 = tpu.memref_squeeze %dma_wait3A_240 : memref<1x3x256xf32, #tpu.memory_space<hbm>> -> memref<3x256xf32, #tpu.memory_space<hbm>>
      tpu.wait_dma2 semaphore(%run_scoped3A : memref<!tpu.dma_semaphore, #tpu.memory_space<semaphore_mem>>) src(%arg9 : memref<3x256xf32, #tpu.memory_space<vmem>>) dst(%dma_wait3A_241 : memref<3x256xf32, #tpu.memory_space<hbm>>)
      tpu.yield
    }) : () -> ()
    return
  }
}

module attributes {stable_mosaic.version = 14 : i64} {
  func.func @_tc_body(%arg0: memref<32x3x256xf32, #tpu.memory_space<vmem>>, %arg1: memref<128xf32, #tpu.memory_space<vmem>>) attributes {dimension_semantics = [], scalar_prefetch = 0 : i64, scratch_operands = 0 : i64, tpu.core_type = #tpu.core_type<tc>} {
    %get3A = arith.constant 0 : index
    %get3A_0 = arith.constant 0 : index
    %get3A_1 = arith.constant 0 : index
    %get3A_2 = vector.load %arg0[%get3A, %get3A_0, %get3A_1] : memref<32x3x256xf32, #tpu.memory_space<vmem>>, vector<32x3x256xf32>
    %reduce_sum3A = arith.constant dense<0.000000e+00> : vector<3x256xf32>
    %reduce_sum3A_3 = vector.multi_reduction <add>, %get3A_2, %reduce_sum3A [0] : vector<32x3x256xf32> to vector<3x256xf32>
    %slice3A = vector.extract_strided_slice %get3A_2 {offsets = [0, 2, 0], sizes = [32, 1, 16], strides = [1, 1, 1]} : vector<32x3x256xf32> to vector<32x1x16xf32>
    %squeeze3A = vector.shape_cast %slice3A : vector<32x1x16xf32> to vector<32x16xf32>
    %reduce_sum3A_4 = vector.shape_cast %squeeze3A : vector<32x16xf32> to vector<1x32x16xf32>
    %reduce_sum3A_5 = arith.constant dense<0.000000e+00> : vector<1xf32>
    %reduce_sum3A_6 = vector.multi_reduction <add>, %reduce_sum3A_4, %reduce_sum3A_5 [1, 2] : vector<1x32x16xf32> to vector<1xf32>
    %reduce_sum3A_7 = vector.shape_cast %reduce_sum3A_6 : vector<1xf32> to vector<1x1x1xf32>
    %reduce_sum3A_8 = vector.extract %reduce_sum3A_7[0, 0, 0] : f32 from vector<1x1x1xf32>
    %slice3A_9 = vector.extract_strided_slice %get3A_2 {offsets = [0, 2, 16], sizes = [32, 1, 16], strides = [1, 1, 1]} : vector<32x3x256xf32> to vector<32x1x16xf32>
    %squeeze3A_10 = vector.shape_cast %slice3A_9 : vector<32x1x16xf32> to vector<32x16xf32>
    %reduce_sum3A_11 = vector.shape_cast %squeeze3A_10 : vector<32x16xf32> to vector<1x32x16xf32>
    %reduce_sum3A_12 = arith.constant dense<0.000000e+00> : vector<1xf32>
    %reduce_sum3A_13 = vector.multi_reduction <add>, %reduce_sum3A_11, %reduce_sum3A_12 [1, 2] : vector<1x32x16xf32> to vector<1xf32>
    %reduce_sum3A_14 = vector.shape_cast %reduce_sum3A_13 : vector<1xf32> to vector<1x1x1xf32>
    %reduce_sum3A_15 = vector.extract %reduce_sum3A_14[0, 0, 0] : f32 from vector<1x1x1xf32>
    %iota3A = tpu.iota {dimensions = array<i32: 1>} : vector<128x256xi32>
    %convert_element_type3A = arith.sitofp %iota3A : vector<128x256xi32> to vector<128x256xf32>
    %iota3A_16 = tpu.iota {dimensions = array<i32: 0>} : vector<128x256xi32>
    %convert_element_type3A_17 = arith.sitofp %iota3A_16 : vector<128x256xi32> to vector<128x256xf32>
    %mul3A = arith.constant 0.0509803928 : f32
    %mul3A_18 = vector.broadcast %mul3A : f32 to vector<128x256xf32>
    %mul3A_19 = arith.mulf %mul3A_18, %convert_element_type3A : vector<128x256xf32>
    %add3A = arith.constant -6.500000e+00 : f32
    %add3A_20 = vector.broadcast %add3A : f32 to vector<128x256xf32>
    %add3A_21 = arith.addf %add3A_20, %mul3A_19 : vector<128x256xf32>
    %add3A_22 = arith.constant 5.000000e-01 : f32
    %add3A_23 = vector.broadcast %add3A_22 : f32 to vector<128x256xf32>
    %add3A_24 = arith.addf %convert_element_type3A_17, %add3A_23 : vector<128x256xf32>
    %mul3A_25 = arith.constant 2.100000e-02 : f32
    %mul3A_26 = vector.broadcast %mul3A_25 : f32 to vector<128x256xf32>
    %mul3A_27 = arith.mulf %mul3A_26, %add3A_24 : vector<128x256xf32>
    %add3A_28 = arith.constant -1.050000e+00 : f32
    %add3A_29 = vector.broadcast %add3A_28 : f32 to vector<128x256xf32>
    %add3A_30 = arith.addf %add3A_29, %mul3A_27 : vector<128x256xf32>
    %sub3A = arith.subf %add3A_21, %add3A_30 : vector<128x256xf32>
    %mul3A_31 = arith.constant 1.66666663 : f32
    %mul3A_32 = vector.broadcast %mul3A_31 : f32 to vector<128x256xf32>
    %mul3A_33 = arith.mulf %sub3A, %mul3A_32 : vector<128x256xf32>
    %integer_pow3A = arith.mulf %mul3A_33, %mul3A_33 : vector<128x256xf32>
    %mul3A_34 = arith.constant -5.000000e-01 : f32
    %mul3A_35 = vector.broadcast %mul3A_34 : f32 to vector<128x256xf32>
    %mul3A_36 = arith.mulf %mul3A_35, %integer_pow3A : vector<128x256xf32>
    %exp3A = math.exp %mul3A_36 : vector<128x256xf32>
    %lt3A = arith.constant 1.000000e+02 : f32
    %lt3A_37 = vector.broadcast %lt3A : f32 to vector<128x256xf32>
    %lt3A_38 = arith.cmpf olt, %convert_element_type3A_17, %lt3A_37 : vector<128x256xf32>
    %jit3A = arith.constant 0.000000e+00 : f32
    %broadcast_in_dim3A = vector.broadcast %jit3A : f32 to vector<128x256xf32>
    %select_n3A = arith.select %lt3A_38, %exp3A, %broadcast_in_dim3A : vector<128x256xi1>, vector<128x256xf32>
    %slice3A_39 = vector.extract_strided_slice %reduce_sum3A_3 {offsets = [0, 0], sizes = [1, 256], strides = [1, 1]} : vector<3x256xf32> to vector<1x256xf32>
    %squeeze3A_40 = vector.shape_cast %slice3A_39 : vector<1x256xf32> to vector<256xf32>
    %broadcast_in_dim3A_41 = vector.shape_cast %squeeze3A_40 : vector<256xf32> to vector<1x256xf32>
    %mul3A_42 = vector.broadcast %broadcast_in_dim3A_41 : vector<1x256xf32> to vector<128x256xf32>
    %mul3A_43 = arith.mulf %select_n3A, %mul3A_42 : vector<128x256xf32>
    %reduce_sum3A_44 = arith.constant dense<0.000000e+00> : vector<128xf32>
    %reduce_sum3A_45 = vector.multi_reduction <add>, %mul3A_43, %reduce_sum3A_44 [1] : vector<128x256xf32> to vector<128xf32>
    %slice3A_46 = vector.extract_strided_slice %reduce_sum3A_3 {offsets = [1, 0], sizes = [1, 256], strides = [1, 1]} : vector<3x256xf32> to vector<1x256xf32>
    %squeeze3A_47 = vector.shape_cast %slice3A_46 : vector<1x256xf32> to vector<256xf32>
    %broadcast_in_dim3A_48 = vector.shape_cast %squeeze3A_47 : vector<256xf32> to vector<1x256xf32>
    %mul3A_49 = vector.broadcast %broadcast_in_dim3A_48 : vector<1x256xf32> to vector<128x256xf32>
    %mul3A_50 = arith.mulf %select_n3A, %mul3A_49 : vector<128x256xf32>
    %reduce_sum3A_51 = arith.constant dense<0.000000e+00> : vector<128xf32>
    %reduce_sum3A_52 = vector.multi_reduction <add>, %mul3A_50, %reduce_sum3A_51 [1] : vector<128x256xf32> to vector<128xf32>
    %div3A = arith.divf %reduce_sum3A_15, %reduce_sum3A_8 : f32
    %reduce_sum3A_53 = vector.shape_cast %reduce_sum3A_45 : vector<128xf32> to vector<1x128xf32>
    %reduce_sum3A_54 = arith.constant dense<0.000000e+00> : vector<1xf32>
    %reduce_sum3A_55 = vector.multi_reduction <add>, %reduce_sum3A_53, %reduce_sum3A_54 [1] : vector<1x128xf32> to vector<1xf32>
    %reduce_sum3A_56 = vector.shape_cast %reduce_sum3A_55 : vector<1xf32> to vector<1x1xf32>
    %reduce_sum3A_57 = vector.extract %reduce_sum3A_56[0, 0] : f32 from vector<1x1xf32>
    %div3A_58 = vector.broadcast %reduce_sum3A_57 : f32 to vector<128xf32>
    %div3A_59 = arith.divf %reduce_sum3A_45, %div3A_58 : vector<128xf32>
    %add3A_60 = vector.broadcast %div3A : f32 to vector<128xf32>
    %add3A_61 = arith.addf %add3A_60, %div3A_59 : vector<128xf32>
    %reduce_sum3A_62 = vector.shape_cast %reduce_sum3A_52 : vector<128xf32> to vector<1x128xf32>
    %reduce_sum3A_63 = arith.constant dense<0.000000e+00> : vector<1xf32>
    %reduce_sum3A_64 = vector.multi_reduction <add>, %reduce_sum3A_62, %reduce_sum3A_63 [1] : vector<1x128xf32> to vector<1xf32>
    %reduce_sum3A_65 = vector.shape_cast %reduce_sum3A_64 : vector<1xf32> to vector<1x1xf32>
    %reduce_sum3A_66 = vector.extract %reduce_sum3A_65[0, 0] : f32 from vector<1x1xf32>
    %div3A_67 = vector.broadcast %reduce_sum3A_66 : f32 to vector<128xf32>
    %div3A_68 = arith.divf %reduce_sum3A_52, %div3A_67 : vector<128xf32>
    %sub3A_69 = arith.subf %add3A_61, %div3A_68 : vector<128xf32>
    %swap3A = arith.constant 0 : index
    %swap3A_70 = vector.load %arg1[%swap3A] : memref<128xf32, #tpu.memory_space<vmem>>, vector<128xf32>
    tpu.vector_store %arg1[%swap3A], %sub3A_69 {strides = array<i32>} : memref<128xf32, #tpu.memory_space<vmem>>, vector<128xf32>,
    return
  }
}

</mosaic_0001>

<sc_bundles>
// kernel: kernel.4.cloned.1.call-start
scs
__scs_entry_jumppad:
0x0: {  	(pc) =	sbr.rel $0x88, $3  }
0x1: {  	(tag) =	ssettag $0x0;
	lr =	simm.s32 $0x1  }
0x2: {  	[smem:$0x3F9D] =	sst lr;
	_ =	strace $0xD0000000  }
0x3: {  	_ = 	snop  }
0x4: {  	_ = 	snop  }
0x5: {  	_ = 	snop  }
0x6: {  	_ = 	snop  }
0x7: {  	_ = 	snop  }
__scs_overlays_trampoline_lowered:
0x8: {  	[smem:$0x3FAC] =	sst s0  }
0x9: {  	[smem:$0x3FAD] =	sst s1  }
0xa: {  	[smem:$0x3FAE] =	sst s2  }
0xb: {  	[smem:$0x3FAF] =	sst s3  }
0xc: {  	[smem:$0x3FB0] =	sst s4  }
0xd: {  	[smem:$0x3FB1] =	sst s5  }
0xe: {  	[smem:$0x3FB2] =	sst s6  }
0xf: {  	[smem:$0x3FB3] =	sst s7  }
0x10: {  	[smem:$0x3FB4] =	sst s8  }
0x11: {  	[smem:$0x3FB5] =	sst s9;
	s0 =	simm.s32 @!p0 $0x0  }
0x12: {  	s1 =	sld [smem:$0x3F9B];
	s0 =	simm.s32 @p0 $0x1  }
0x13: {  	[smem:$0x3FB6] =	sst s0;
	s0 =	simm.s32 @!p1 $0x0  }
0x14: {  	s2 =	sld [smem:$0x3F9A];
	s0 =	simm.s32 @p1 $0x1  }
0x15: {  	[smem:$0x3FB7] =	sst s0;
	s0 =	simm.s32 @!p2 $0x0  }
0x16: {  	s3 =	sld [smem:$0x3FDB];
	s0 =	simm.s32 @p2 $0x1  }
0x17: {  	s4 =	simm.s32 $0x1BF5;
	[smem:$0x3FB9] =	sst s0  }
0x18: {  	s0 =	sld [smem:$0x3F9C];
	_ =	swait.ge [sflag:s4], $0x0  }
0x19: {  	s7 =	sld [smem:$0x3F9D]  }
0x1a: {  	s8 =	sadd.s32 $0xFFFFE003, lr  }
0x1b: {  	s9 =	sadd.s32 $0xFFFFFEF7, lr;
	s5 =	simm.s32 $0xFFFFFFFF;
	p2 =	slt.u32 s8, $0xFFFFF086  }
0x1c: {  	p1 =	slt.u32 s9, $0xF7A;
	s5 =	simm.s32 @!p2 $0x0  }
0x1d: {  	s5 =	simm.s32 @p1 $0x1;
	p0 =	seq.s32 s7, s2  }
0x1e: {  	s7 =	smul.u32 @!p0 $0xF7A, s2;
	p2 =	seq.s32 @!p0 s5, $0x0  }
0x1f: {  	s9 =	smul.u32 $0xF7A, s1;
	s8 =	simm.s32 @!p0 $0x1BF5;
	p2 =	por !p2, p0  }
0x20: {  	[sflag:s8] =	ssyncset.s32 @!p0 $0xFFFFF086;
	s6 =	sadd.s32 @!p0 s3, s7;
	s7 =	simm.s32 @!p0 $0x108  }
0x21: {  	s3 =	sadd.s32 s3, s9;
	s6 =	sadd.s32 @!p0 $0x88, s6;
	s7 =	simm.s32 @p2 $0x1082  }
0x22: {  	[simem:s7], [sflag:s8] =	dma.local @!p0 [hbm:s6], $0xF7A  }
0x23: {  	s9 =	sor.u32 $0xD0000000, s2;
	s6 =	simm.s32 $0x108;
	_ =	swait.ge @!p0 [sflag:s8], $0x0  }
0x24: {  	s3 =	sadd.s32 $0x88, s3;
	s6 =	simm.s32 @!p1 $0x1082;
	[sflag:s4] =	ssyncset.s32 $0xFFFFF086  }
0x25: {  	[simem:s6], [sflag:s4] =	dma.local [hbm:s3], $0xF7A  }
0x26: {  	[smem:$0x3F9D] =	sst s1;
	(tag) =	ssettag s2;
	_ =	strace s9  }
0x27: {  	s1 =	sld [smem:$0x3FAD]  }
0x28: {  	s2 =	sld [smem:$0x3FAE]  }
0x29: {  	s4 =	sld [smem:$0x3FB0]  }
0x2a: {  	p0 =	seq.s32 s5, $0x0;
	s5 =	sld [smem:$0x3FB1]  }
0x2b: {  	s6 =	sld [smem:$0x3FB2]  }
0x2c: {  	s7 =	sld [smem:$0x3FB3]  }
0x2d: {  	s3 =	simm.s32 $0x108;
	s8 =	sld [smem:$0x3FB4]  }
0x2e: {  	s3 =	simm.s32 @!p0 $0x1082;
	s9 =	sld [smem:$0x3FB5]  }
0x2f: {  	lr =	sadd.s32 s0, s3;
	s0 =	sld [smem:$0x3FAC]  }
0x30: {  	s3 =	sld [smem:$0x3FAF]  }
0x31: {  	[smem:$0x3FB8] =	sst s10  }
0x32: {  	s10 =	sld [smem:$0x3FB6];
	_ =	sdelay $0x3  }
0x33: {  	p0 =	seq.s32 s10, $0x1;
	s10 =	sld [smem:$0x3FB8];
	_ =	sdelay $0x3  }
0x34: {  	[smem:$0x3FB8] =	sst s10  }
0x35: {  	s10 =	sld [smem:$0x3FB7];
	_ =	sdelay $0x3  }
0x36: {  	p1 =	seq.s32 s10, $0x1;
	s10 =	sld [smem:$0x3FB8];
	_ =	sdelay $0x3  }
0x37: {  	[smem:$0x3FB8] =	sst s10  }
0x38: {  	s10 =	sld [smem:$0x3FB9]  }
0x39: {  	_ = 	snop;
	(pc) =	sbr.ind lr, $3  }
0x3a: {  	_ = 	snop  }
0x3b: {  	_ = 	snop  }
0x3c: {  	p2 =	seq.s32 s10, $0x1;
	s10 =	sld [smem:$0x3FB8]  }
0x3d: {  	_ =	shalt  }
0x3e: {  	_ =	shalt  }
0x3f: {  	_ =	shalt  }
0x40: {  	_ =	shalt  }
0x41: {  	_ =	shalt  }
0x42: {  	_ =	shalt  }
0x43: {  	_ =	shalt  }
0x44: {  	_ =	shalt  }
0x45: {  	_ =	shalt  }
0x46: {  	_ =	shalt  }
0x47: {  	_ =	shalt  }
0x48: {  	_ =	shalt  }
0x49: {  	_ =	shalt  }
0x4a: {  	_ =	shalt  }
0x4b: {  	_ =	shalt  }
0x4c: {  	_ =	shalt  }
0x4d: {  	_ =	shalt  }
0x4e: {  	_ =	shalt  }
0x4f: {  	_ =	shalt  }
0x50: {  	_ =	shalt  }
0x51: {  	_ =	shalt  }
0x52: {  	_ =	shalt  }
0x53: {  	_ =	shalt  }
0x54: {  	_ =	shalt  }
0x55: {  	_ =	shalt  }
0x56: {  	_ =	shalt  }
0x57: {  	_ =	shalt  }
0x58: {  	_ =	shalt  }
0x59: {  	_ =	shalt  }
0x5a: {  	_ =	shalt  }
0x5b: {  	_ =	shalt  }
0x5c: {  	_ =	shalt  }
0x5d: {  	_ =	shalt  }
0x5e: {  	_ =	shalt  }
0x5f: {  	_ =	shalt  }
0x60: {  	_ =	shalt  }
0x61: {  	_ =	shalt  }
0x62: {  	_ =	shalt  }
0x63: {  	_ =	shalt  }
0x64: {  	_ =	shalt  }
0x65: {  	_ =	shalt  }
0x66: {  	_ =	shalt  }
0x67: {  	_ =	shalt  }
0x68: {  	_ =	shalt  }
0x69: {  	_ =	shalt  }
0x6a: {  	_ =	shalt  }
0x6b: {  	_ =	shalt  }
0x6c: {  	_ =	shalt  }
0x6d: {  	_ =	shalt  }
0x6e: {  	_ =	shalt  }
0x6f: {  	_ =	shalt  }
0x70: {  	_ =	shalt  }
0x71: {  	_ =	shalt  }
0x72: {  	_ =	shalt  }
0x73: {  	_ =	shalt  }
0x74: {  	_ =	shalt  }
0x75: {  	_ =	shalt  }
0x76: {  	_ =	shalt  }
0x77: {  	_ =	shalt  }
0x78: {  	_ =	shalt  }
0x79: {  	_ =	shalt  }
0x7a: {  	_ =	shalt  }
0x7b: {  	_ =	shalt  }
0x7c: {  	_ =	shalt  }
0x7d: {  	_ =	shalt  }
0x7e: {  	_ =	shalt  }
0x7f: {  	_ =	shalt  }
0x80: {  	_ =	shalt  }
0x81: {  	_ =	shalt  }
0x82: {  	_ =	shalt  }
0x83: {  	_ =	shalt  }
0x84: {  	_ =	shalt  }
0x85: {  	_ =	shalt  }
0x86: {  	_ =	shalt  }
0x87: {  	_ =	shalt  }
.Lfunc_end0:
.L_simem_size_0:
called_computation_lowered:
.L_overlay_start_0:
0x88: {  	s2 =	sld [smem:$0x3FD9]  }
0x89: {  	s3 =	sld [smem:$0x3FFE];
	_ =	sdelay $0x1  }
0x8a: {  	s1 =	srdreg.scid  }
0x8b: {  	s0 =	sand.u32 $0x1, s1  }
0x8c: {  	s16 =	sshll.u32 s0, $0xA;
	s2 =	sadd.s32 s3, s2  }
0x8d: {  	s2 =	sadd.s32 s2, s16  }
0x8e: {  	[smem:$0x3FC4] =	sst s2  }
0x8f: {  	_ = 	snop  }
0x90: {  	(tm) =	ssettm $0x1  }
0x91: {  	s17 =	sld [smem:$0x3FFB];
	_ =	sdelay $0x3  }
0x92: {  	_ =	strace s17  }
0x93: {  	s2 =	sld [smem:$0x3FFC];
	_ =	sdelay $0x3  }
0x94: {  	_ =	strace s2  }
0x95: {  	s2 =	sld [smem:$0x3FFD];
	_ =	sdelay $0x3  }
0x96: {  	_ =	strace s2  }
0x97: {  	_ =	strace $0x8FFFFFFF  }
0x98: {  	s18 =	sld [smem:$0x3FDB];
	_ =	sdelay $0x1  }
0x99: {  	s19 =	simm.s32 $_scs_section_size  }
0x9a: {  	s4 =	simm.s32 $_size__tile_overlayer_lowered;
	s5 =	simm.s32 $_tile_overlayer_lowered  }
0x9b: {  	s22 =	simm.s32 $0x1BFF;
	s21 =	sshll.u32 s5, $0x1;
	s2 =	sadd.s32 s19, s18  }
0x9c: {  	s6 =	simm.s32 $0x0;
	s20 =	sshll.u32 s4, $0x1;
	s4 =	sadd.s32 s21, s2  }
0x9d: {  	[timem:s6], [sflag:s22] =	dma.local [hbm:s4], s20  }
0x9e: {  	_ =	swait.ge [sflag:s22], s20  }
0x9f: {  	s3 =	ssub.s32 $0x0, s20;
	[sflag:s22] =	ssyncset.done $0x0  }
0xa0: {  	[sflag:s22] =	ssyncadd.s32 s3;
	_ =	sdelay $0x1  }
0xa1: {  	s23 =	simm.s32 $0x1B8B  }
0xa2: {  	_ =	swait.ge [sflag:s23], $0x1  }
0xa3: {  	[sflag:s23] =	ssyncset.done $0x0  }
0xa4: {  	s25 =	simm.s32 $0x1B8E;
	s24 =	sld [smem:$0x3FFE];
	[sflag:s23] =	ssyncadd.s32 $0xFFFFFFFF  }
0xa5: {  	s26 =	simm.s32 $execute0_lowered;
	[smem:$0x3FD2] =	sst s25  }
0xa6: {  	s4 =	sshll.u32 s26, $0x1;
	_ =	strace $0x80000046;
	[dreg:$0x1] =	wrdreg $0xFFFFFFFF  }
0xa7: {  	s28 =	simm.s32 $_size_execute0_lowered;
	s2 =	sadd.s32 s2, s4;
	[dreg:$0x0] =	wrdreg $0x0  }
0xa8: {  	s4 =	sshll.u32 s28, $0x1;
	[dreg:$0x2] =	wrdreg s2  }
0xa9: {  	[dreg:$0x3] =	wrdreg s4  }
0xaa: {  	[dreg:$0x4] =	wrdreg $0xC0  }
0xab: {  	_ =	task [dreg:s6], $0x5FFFF  }
0xac: {  	[dreg:$0x1] =	wrdreg $0xFFFFFFFF  }
0xad: {  	[dreg:$0x0] =	wrdreg $0x60  }
0xae: {  	[dreg:$0x2] =	wrdreg s24  }
0xaf: {  	[dreg:$0x3] =	wrdreg $0x9  }
0xb0: {  	_ =	task.clear_ibuf [dreg:s6], $0x4FFFF;
	_ =	strace $0x90000046  }
0xb1: {  	s29 =	simm.s32 $0x9;
	_ =	strace $0x80000048  }
0xb2: {  	_ =	swait.ge [sflag:s29], $0x1  }
0xb3: {  	[sflag:s29] =	ssyncadd.s32 $0xFFFFFFFF  }
0xb4: {  	_ =	strace $0x90000048  }
0xb5: {  	_ =	sfence  }
0xb6: {  	s30 =	sld [smem:$0x0];
	_ =	sdelay $0x2  }
0xb7: {  	s31 =	sshll.u32 s1, $0xD;
	s1 =	sshrl.u32 s1, $0x2  }
0xb8: {  	s3 =	sand.u32 $0x4000, s31;
	s1 =	sadd.s32 s1, s30  }
0xb9: {  	s0 =	sor.u32 s3, s0;
	s1 =	sshll.u32 s1, $0x11  }
0xba: {  	s0 =	sor.u32 s1, s0  }
0xbb: {  	s0 =	sadd.s32 $0x8F2B, s0  }
0xbc: {  	[sflag:s0] =	ssyncadd.remote.s32 $0x1  }
0xbd: {  	_ =	sfence.sel $0xFFFF  }
0xbe: {  	[dreg:$0x0] =	wrdreg $0xFFFFFFFF;
	(pc) =	sbr.abs _section_cstart, $3  }
0xbf: {  	[dreg:$0x1] =	wrdreg $0xFFFFFFFF  }
0xc0: {  	_ =	task.clear_ibuf [dreg:s6], $0x2FFFF;
	_ =	strace $0x9FFFFFFF  }
0xc1: {  	(tm) =	ssettm $0x7FFFFFFF  }
tec
execute0_lowered:
.L_overlay_start_1:
0x0: {  	(tag) =	ssettag $0x1  }
0x1: {  	s0 =	rddreg [dreg:$0x0];
	s1 =	simm.s32 $0x0;
	s3 =	srdreg.scid  }
0x2: {  	s5 =	stileid.u32;
	s28 =	simm.s32 $0x6200;
	s29 =	simm.s32 $0x7200  }
0x3: {  	s30 =	simm.s32 $0x2;
	s31 =	simm.s32 $0x8200;
	[smem:$0x7FF] =	sst s1  }
0x4: {  	s2 =	sadd.s32 $0xC00, s0;
	s4 =	sand.u32 $0x1, s3;
	s19 =	sshll.u32 s5, $0x1  }
0x5: {  	s5 =	sshrl.u32 s5, $0x2;
	s11 =	sadd.s32 $0x6E00, s0;
	s3 =	sadd.s32 $0x1F600, s0  }
0x6: {  	s6 =	sor.u32 s4, s19;
	s7 =	smul.u32 $0x3, s5;
	s10 =	sshll.u32 s5, $0x7  }
0x7: {  	s5 =	smul.u32 $0x180, s5;
	s8 =	sshll.u32 s6, $0x7;
	s6 =	sand.u32 $0x7, s6  }
0x8: {  	_ =	strace $0x80000047;
	s4 =	ssub.s32 $0x2, s4;
	s20 =	smul.u32 $0x6200, s6  }
0x9: {  	s12 =	sshrl.u32 s4, $0x1;
	s0 =	sadd.s32 s8, s0;
	s13 =	smul.u32 $0xC400, s6  }
0xa: {  	s9 =	sshrl.u32 s7, $0x3;
	s14 =	ssub.s32 s4, s12;
	s6 =	smul.u32 $0x1880, s6  }
0xb: {  	s22 =	sadd.s32 $0x1, s7;
	s12 =	sand.u32 $0x380, s5;
	s7 =	sadd.s32 $0x2, s7  }
0xc: {  	s9 =	smul.u32 $0x62000, s9;
	s15 =	sshrl.u32 s22, $0x3;
	s16 =	sshrl.u32 s7, $0x3  }
0xd: {  	s7 =	sshll.u32 s7, $0x7;
	s8 =	sor.u32 s10, s20;
	s15 =	smul.u32 $0x62000, s15  }
0xe: {  	s16 =	smul.u32 $0x62000, s16;
	s18 =	sand.u32 $0x380, s7;
	s26 =	sadd.s32 $0xC00, s6  }
0xf: {  	s21 =	sshrl.u32 s8, $0x3;
	s23 =	sadd.s32 s13, s9;
	s8 =	sshll.u32 s22, $0x7  }
0x10: {  	s20 =	sshll.u32 s26, $0x2;
	s4 =	sadd.s32 s2, s21;
	s5 =	sor.u32 s12, s23  }
0x11: {  	s17 =	sand.u32 $0x380, s8;
	s24 =	sadd.s32 s13, s15;
	s25 =	sadd.s32 s13, s16  }
0x12: {  	s21 =	sshll.u32 s26, $0x3;
	s13 =	smax.u32 s14, $0x1;
	s14 =	simm.s32 $0x80  }
0x13: {  	s5 =	sshrl.u32 s5, $0x3;
	s8 =	sor.u32 s17, s24;
	s7 =	sor.u32 s18, s25  }
0x14: {  	s22 =	sadd.s32 s9, s21;
	s23 =	sadd.s32 s15, s21;
	s15 =	simm.s32 $0x200  }
0x15: {  	s5 =	sadd.s32 s11, s5;
	s19 =	sshrl.u32 s8, $0x3;
	s7 =	sshrl.u32 s7, $0x3  }
0x16: {  	s8 =	sor.u32 s10, s20;
	s9 =	sor.u32 s17, s23;
	s10 =	sadd.s32 s16, s21  }
0x17: {  	s16 =	simm.s32 $0x400;
	s21 =	simm.s32 $0x3;
	s6 =	sadd.s32 s11, s19  }
0x18: {  	s7 =	sadd.s32 s11, s7;
	s8 =	sshrl.u32 s8, $0x3;
	s24 =	sshrl.u32 s9, $0x3  }
0x19: {  	s25 =	sor.u32 s18, s10;
	s8 =	sadd.s32 s2, s8;
	s2 =	sor.u32 s12, s22  }
0x1a: {  	s10 =	sadd.s32 s11, s24;
	s26 =	sshrl.u32 s25, $0x3;
	s12 =	sadd.s32 $0x1F800, s0  }
0x1b: {  	v1 =	vlaneseq.u32;
	s25 =	simm.s32 $0x5580;
	s0 =	simm.s32 $0x0;
	s2 =	sshrl.u32 s2, $0x3  }
0x1c: {  	v0 =	vimm.f32 $0.0e+00;
	v1 =	vmul.u32 $0x100, v1;
	s9 =	sadd.s32 s11, s2;
	s11 =	sadd.s32 s11, s26;
	s26 =	simm.s32 $0x1  }
.LBB2_1:
0x1d: {  	[tilespmem:s1], [sflag:$0x1] =	stream.strided.gather [hbm4b:s4+s14], $0xC00, s15, s14, $0x38;
	[tilespmem:$0x8700] =	vst v63  }
0x1e: {  	s2 =	simm.s32 $0x1880  }
0x1f: {  	[tilespmem:s2], [sflag:$0x1] =	stream.strided.gather [hbm4b:s5+s14], $0xC00, s16, s14, $0x38;
	[tilespmem:$0x8700] =	vst v63  }
0x20: {  	s18 =	simm.s32 $0x3100  }
0x21: {  	[tilespmem:s18], [sflag:$0x1] =	stream.strided.gather [hbm4b:s6+s14], $0xC00, s16, s14, $0x38;
	[tilespmem:$0x8700] =	vst v63  }
0x22: {  	s19 =	simm.s32 $0x4980  }
0x23: {  	[tilespmem:s19], [sflag:$0x1] =	stream.strided.gather [hbm4b:s7+s14], $0xC00, s16, s14, $0x38;
	[tilespmem:$0x8700] =	vst v63  }
0x24: {  	s20 =	simm.s32 $0x8600  }
0x25: {  	[tilespmem:s20], [sflag:$0x3] =	stream.linear.gather [hbm4b:s3+s1], $0x100, $0x38;
	[tilespmem:$0x8700] =	vst v63  }
0x26: {  	_ =	swait.ge [sflag:s21], $0x100  }
0x27: {  	[sflag:s21] =	ssyncset.done $0x0  }
0x28: {  	s22 =	simm.s32 $0xC00;
	[sflag:s21] =	ssyncadd.s32 $0xFFFFFF00  }
0x29: {  	[tilespmem:s22], [sflag:$0x2] =	stream.strided.gather [hbm4b:s8+s14], $0xC80, s15, s14, $0x38;
	[tilespmem:$0x8700] =	vst v63  }
0x2a: {  	s23 =	simm.s32 $0x2480  }
0x2b: {  	[tilespmem:s23], [sflag:$0x2] =	stream.strided.gather [hbm4b:s9+s14], $0xC80, s16, s14, $0x38;
	[tilespmem:$0x8700] =	vst v63  }
0x2c: {  	s24 =	simm.s32 $0x3D00  }
0x2d: {  	[tilespmem:s24], [sflag:$0x2] =	stream.strided.gather [hbm4b:s10+s14], $0xC80, s16, s14, $0x38;
	[tilespmem:$0x8700] =	vst v63  }
0x2e: {  	s17 =	simm.s32 $0x6220  }
0x2f: {  	[tilespmem:s25], [sflag:$0x2] =	stream.strided.gather [hbm4b:s11+s14], $0xC80, s16, s14, $0x38;
	[tilespmem:$0x8700] =	vst v63  }
0x30: {  	s2 =	simm.s32 $0x7220;
	[tilespmem:s17+$0xFFFFFFE0] =	vst v0  }
0x31: {  	[tilespmem:s2+$0xFFFFFFE0] =	vst v0  }
0x32: {  	[tilespmem:s17+$0xFFFFFFF0] =	vst v0  }
0x33: {  	[tilespmem:s2+$0xFFFFFFF0] =	vst v0  }
0x34: {  	[tilespmem:s17+$0x0] =	vst v0  }
0x35: {  	[tilespmem:s2+$0x0] =	vst v0  }
0x36: {  	[tilespmem:s17+$0x10] =	vst v0  }
0x37: {  	s18 =	simm.s32 $0x6260;
	s17 =	simm.s32 $0x0;
	[tilespmem:s2+$0x10] =	vst v0  }
.LBB2_2:
0x38: {  	[tilespmem:s18+$0xFFFFFFE0] =	vst v0;
	s2 =	sadd.s32 $0x40, s2  }
0x39: {  	s17 =	sadd.s32 $0x4, s17;
	[tilespmem:s2+$0xFFFFFFE0] =	vst v0  }
0x3a: {  	p0 =	slt.u32 s17, $0xFC;
	[tilespmem:s18+$0xFFFFFFF0] =	vst v0  }
.Ltmp0:
0x3b: {  	[tilespmem:s2+$0xFFFFFFF0] =	vst v0;
	(pc) =	sbr.rel @p0 .LBB2_2-.Ltmp0, $4  }
0x3c: {  	[tilespmem:s18+$0x0] =	vst v0  }
0x3d: {  	[tilespmem:s2+$0x0] =	vst v0  }
0x3e: {  	[tilespmem:s18+$0x10] =	vst v0  }
0x3f: {  	s18 =	sadd.s32 $0x40, s18;
	[tilespmem:s2+$0x10] =	vst v0  }
0x40: {  	_ =	swait.ge [sflag:s26], $0xC00  }
0x41: {  	[sflag:s26] =	ssyncset.done $0x0  }
0x42: {  	[sflag:s26] =	ssyncadd.s32 $0xFFFFF400  }
0x43: {  	_ =	swait.ge [sflag:s26], $0xC00  }
0x44: {  	[sflag:s26] =	ssyncset.done $0x0  }
0x45: {  	[sflag:s26] =	ssyncadd.s32 $0xFFFFF400  }
0x46: {  	_ =	swait.ge [sflag:s26], $0xC00  }
0x47: {  	[sflag:s26] =	ssyncset.done $0x0  }
0x48: {  	[sflag:s26] =	ssyncadd.s32 $0xFFFFF400  }
0x49: {  	_ =	swait.ge [sflag:s26], $0xC00  }
0x4a: {  	[sflag:s26] =	ssyncset.done $0x0  }
0x4b: {  	[sflag:s26] =	ssyncadd.s32 $0xFFFFF400  }
0x4c: {  	v3 =	vld [tilespmem:$0x8600];
	_ =	sdelay $0x3  }
0x4d: {  	v4 =	vimm.f32 $0.0e+00  }
0x4e: {  	s2 =	simm.s32 $0xFFFFFFF8;
	s17 =	simm.s32 $0x0;
	v2 =	vld [tilespmem:$0x8680];
	vm0 =	veq.f32 v3, $1.000000000e+00;
	vm1 =	veq.f32 v3, $0.0e+00;
	v3 =	vimm.f32 $0.0e+00  }
.LBB2_4:
0x4f: {  	v5 =	vld [tilespmem:s17+$0x0]  }
0x50: {  	v7 =	vld [tilespmem:s17+$0x3100]  }
0x51: {  	v8 =	vld [tilespmem:s17+$0x4980]  }
0x52: {  	v9 =	vld [tilespmem:s17+$0x1880];
	_ =	sdelay $0x1  }
0x53: {  	v6 =	vmul.f32 v5, v2;
	v10 =	vand.u32 $0x7FFFFFFF, v5  }
0x54: {  	vm2 =	vgt.f32 v10, $1.000000000e+00  }
0x55: {  	v36 =	vsel vm0, v7, v8;
	v5 =	vsel vm2, v6, v5  }
0x56: {  	v6 =	vsel vm1, v9, v36;
	v37 =	vadd.f32 $6.500000000e+00, v5  }
0x57: {  	v11 =	vadd.f32 $6.500000000e+00, v6  }
0x58: {  	v10 =	vmul.f32 $1.961538510e+01, v37  }
0x59: {  	v11 =	vmul.f32 $1.961538510e+01, v11  }
0x5a: {  	v10 =	vadd.f32 $5.000000000e-01, v10  }
0x5b: {  	v11 =	vadd.f32 $5.000000000e-01, v11  }
0x5c: {  	v10 =	vmax.f32 v10, $0.0e+00  }
0x5d: {  	v11 =	vmax.f32 v11, $0.0e+00;
	v10 =	vmin.f32 v10, $2.549989930e+02  }
0x5e: {  	v7 =	vand.u32 $0x7FFFFFFF, v7;
	v11 =	vmin.f32 v11, $2.549989930e+02;
	v10 =	vtrunc.f32 v10  }
0x5f: {  	v9 =	vand.u32 $0x7FFFFFFF, v9;
	v11 =	vtrunc.f32 v11;
	v10 =	vcvt.f32.s32 v10  }
0x60: {  	v7 =	vadd.f32 v7, v9;
	v38 =	vcvt.f32.s32 v11  }
0x61: {  	v8 =	vand.u32 $0x7FFFFFFF, v8;
	v10 =	vadd.s32 v1, v10  }
0x62: {  	v7 =	vadd.f32 v8, v7;
	v39 =	vadd.s32 v1, v38;
	_ =	sdelay $0x1  }
0x63: {  	vm2 =	vgt.f32 v7, $0.0e+00  }
0x64: {  	v7 =	vsel vm2, $0x3F800000, v0  }
0x65: {  	[tilespmem:v10+s28+$0x0] =	vst.idx.add.f32.msk $0xffff, v7  }
0x66: {  	[tilespmem:v39+s29+$0x0] =	vst.idx.add.f32.msk $0xffff, v7  }
0x67: {  	v8 =	vld [tilespmem:s17+$0x10]  }
0x68: {  	v10 =	vld [tilespmem:s17+$0x3110]  }
0x69: {  	v40 =	vld [tilespmem:s17+$0x4990]  }
0x6a: {  	v12 =	vld [tilespmem:s17+$0x1890];
	_ =	sdelay $0x1  }
0x6b: {  	v41 =	vmul.f32 v8, v2;
	v13 =	vand.u32 $0x7FFFFFFF, v8  }
0x6c: {  	vm2 =	vgt.f32 v13, $1.000000000e+00  }
0x6d: {  	v42 =	vsel vm0, v10, v40;
	v8 =	vsel vm2, v41, v8  }
0x6e: {  	v9 =	vsel vm1, v12, v42;
	v43 =	vadd.f32 $6.500000000e+00, v8  }
0x6f: {  	v14 =	vadd.f32 $6.500000000e+00, v9  }
0x70: {  	v13 =	vmul.f32 $1.961538510e+01, v43  }
0x71: {  	v14 =	vmul.f32 $1.961538510e+01, v14  }
0x72: {  	v13 =	vadd.f32 $5.000000000e-01, v13  }
0x73: {  	v14 =	vadd.f32 $5.000000000e-01, v14  }
0x74: {  	v13 =	vmax.f32 v13, $0.0e+00  }
0x75: {  	v14 =	vmax.f32 v14, $0.0e+00;
	v13 =	vmin.f32 v13, $2.549989930e+02  }
0x76: {  	v10 =	vand.u32 $0x7FFFFFFF, v10;
	v14 =	vmin.f32 v14, $2.549989930e+02;
	v13 =	vtrunc.f32 v13  }
0x77: {  	v12 =	vand.u32 $0x7FFFFFFF, v12;
	v14 =	vtrunc.f32 v14;
	v13 =	vcvt.f32.s32 v13  }
0x78: {  	v10 =	vadd.f32 v10, v12;
	v44 =	vcvt.f32.s32 v14  }
0x79: {  	v11 =	vand.u32 $0x7FFFFFFF, v40;
	v13 =	vadd.s32 v1, v13  }
0x7a: {  	v10 =	vadd.f32 v11, v10;
	v45 =	vadd.s32 v1, v44;
	_ =	sdelay $0x1  }
0x7b: {  	vm2 =	vgt.f32 v10, $0.0e+00  }
0x7c: {  	v10 =	vsel vm2, $0x3F800000, v0  }
0x7d: {  	[tilespmem:v13+s28+$0x0] =	vst.idx.add.f32.msk $0xffff, v10  }
0x7e: {  	[tilespmem:v45+s29+$0x0] =	vst.idx.add.f32.msk $0xffff, v10  }
0x7f: {  	v11 =	vld [tilespmem:s17+$0x20]  }
0x80: {  	v13 =	vld [tilespmem:s17+$0x3120]  }
0x81: {  	v46 =	vld [tilespmem:s17+$0x49A0]  }
0x82: {  	v15 =	vld [tilespmem:s17+$0x18A0];
	_ =	sdelay $0x1  }
0x83: {  	v47 =	vmul.f32 v11, v2;
	v16 =	vand.u32 $0x7FFFFFFF, v11  }
0x84: {  	vm2 =	vgt.f32 v16, $1.000000000e+00  }
0x85: {  	v48 =	vsel vm0, v13, v46;
	v11 =	vsel vm2, v47, v11  }
0x86: {  	v49 =	vsel vm1, v15, v48;
	v50 =	vadd.f32 $6.500000000e+00, v11  }
0x87: {  	v17 =	vadd.f32 $6.500000000e+00, v49  }
0x88: {  	v16 =	vmul.f32 $1.961538510e+01, v50  }
0x89: {  	v17 =	vmul.f32 $1.961538510e+01, v17  }
0x8a: {  	v16 =	vadd.f32 $5.000000000e-01, v16  }
0x8b: {  	v17 =	vadd.f32 $5.000000000e-01, v17  }
0x8c: {  	v16 =	vmax.f32 v16, $0.0e+00  }
0x8d: {  	v17 =	vmax.f32 v17, $0.0e+00;
	v16 =	vmin.f32 v16, $2.549989930e+02  }
0x8e: {  	v13 =	vand.u32 $0x7FFFFFFF, v13;
	v17 =	vmin.f32 v17, $2.549989930e+02;
	v16 =	vtrunc.f32 v16  }
0x8f: {  	v15 =	vand.u32 $0x7FFFFFFF, v15;
	v17 =	vtrunc.f32 v17;
	v16 =	vcvt.f32.s32 v16  }
0x90: {  	v13 =	vadd.f32 v13, v15;
	v51 =	vcvt.f32.s32 v17  }
0x91: {  	v14 =	vand.u32 $0x7FFFFFFF, v46;
	v16 =	vadd.s32 v1, v16  }
0x92: {  	v13 =	vadd.f32 v14, v13;
	v52 =	vadd.s32 v1, v51;
	_ =	sdelay $0x1  }
0x93: {  	vm2 =	vgt.f32 v13, $0.0e+00  }
0x94: {  	v13 =	vsel vm2, $0x3F800000, v0  }
0x95: {  	[tilespmem:v16+s28+$0x0] =	vst.idx.add.f32.msk $0xffff, v13  }
0x96: {  	[tilespmem:v52+s29+$0x0] =	vst.idx.add.f32.msk $0xffff, v13  }
0x97: {  	v14 =	vld [tilespmem:s17+$0x30]  }
0x98: {  	v16 =	vld [tilespmem:s17+$0x3130]  }
0x99: {  	v53 =	vld [tilespmem:s17+$0x49B0]  }
0x9a: {  	v18 =	vld [tilespmem:s17+$0x18B0];
	_ =	sdelay $0x1  }
0x9b: {  	v54 =	vmul.f32 v14, v2;
	v19 =	vand.u32 $0x7FFFFFFF, v14  }
0x9c: {  	vm2 =	vgt.f32 v19, $1.000000000e+00  }
0x9d: {  	v55 =	vsel vm0, v16, v53;
	v14 =	vsel vm2, v54, v14  }
0x9e: {  	v56 =	vsel vm1, v18, v55;
	v57 =	vadd.f32 $6.500000000e+00, v14  }
0x9f: {  	v20 =	vadd.f32 $6.500000000e+00, v56  }
0xa0: {  	v19 =	vmul.f32 $1.961538510e+01, v57  }
0xa1: {  	v20 =	vmul.f32 $1.961538510e+01, v20  }
0xa2: {  	v19 =	vadd.f32 $5.000000000e-01, v19  }
0xa3: {  	v20 =	vadd.f32 $5.000000000e-01, v20  }
0xa4: {  	v19 =	vmax.f32 v19, $0.0e+00  }
0xa5: {  	v20 =	vmax.f32 v20, $0.0e+00;
	v19 =	vmin.f32 v19, $2.549989930e+02  }
0xa6: {  	v16 =	vand.u32 $0x7FFFFFFF, v16;
	v20 =	vmin.f32 v20, $2.549989930e+02;
	v19 =	vtrunc.f32 v19  }
0xa7: {  	v18 =	vand.u32 $0x7FFFFFFF, v18;
	v20 =	vtrunc.f32 v20;
	v19 =	vcvt.f32.s32 v19  }
0xa8: {  	v16 =	vadd.f32 v16, v18;
	v58 =	vcvt.f32.s32 v20  }
0xa9: {  	v17 =	vand.u32 $0x7FFFFFFF, v53;
	v19 =	vadd.s32 v1, v19  }
0xaa: {  	v16 =	vadd.f32 v17, v16;
	v59 =	vadd.s32 v1, v58;
	_ =	sdelay $0x1  }
0xab: {  	vm2 =	vgt.f32 v16, $0.0e+00  }
0xac: {  	v16 =	vsel vm2, $0x3F800000, v0  }
0xad: {  	[tilespmem:v19+s28+$0x0] =	vst.idx.add.f32.msk $0xffff, v16  }
0xae: {  	[tilespmem:v59+s29+$0x0] =	vst.idx.add.f32.msk $0xffff, v16  }
0xaf: {  	v17 =	vld [tilespmem:s17+$0x40]  }
0xb0: {  	v60 =	vld [tilespmem:s17+$0x3140]  }
0xb1: {  	v19 =	vld [tilespmem:s17+$0x49C0]  }
0xb2: {  	v61 =	vld [tilespmem:s17+$0x18C0];
	_ =	sdelay $0x1  }
0xb3: {  	v21 =	vmul.f32 v17, v2;
	v22 =	vand.u32 $0x7FFFFFFF, v17  }
0xb4: {  	vm2 =	vgt.f32 v22, $1.000000000e+00  }
0xb5: {  	v62 =	vsel vm0, v60, v19;
	v17 =	vsel vm2, v21, v17  }
0xb6: {  	v63 =	vsel vm1, v61, v62;
	v26 =	vadd.f32 $6.500000000e+00, v17  }
0xb7: {  	v23 =	vadd.f32 $6.500000000e+00, v63  }
0xb8: {  	v22 =	vmul.f32 $1.961538510e+01, v26  }
0xb9: {  	v23 =	vmul.f32 $1.961538510e+01, v23  }
0xba: {  	v22 =	vadd.f32 $5.000000000e-01, v22  }
0xbb: {  	v23 =	vadd.f32 $5.000000000e-01, v23  }
0xbc: {  	v22 =	vmax.f32 v22, $0.0e+00  }
0xbd: {  	v23 =	vmax.f32 v23, $0.0e+00;
	v22 =	vmin.f32 v22, $2.549989930e+02  }
0xbe: {  	v20 =	vand.u32 $0x7FFFFFFF, v61;
	v23 =	vmin.f32 v23, $2.549989930e+02;
	v22 =	vtrunc.f32 v22  }
0xbf: {  	v18 =	vand.u32 $0x7FFFFFFF, v60;
	v23 =	vtrunc.f32 v23;
	v22 =	vcvt.f32.s32 v22  }
0xc0: {  	v18 =	vadd.f32 v18, v20;
	v27 =	vcvt.f32.s32 v23  }
0xc1: {  	v19 =	vand.u32 $0x7FFFFFFF, v19;
	v22 =	vadd.s32 v1, v22  }
0xc2: {  	v18 =	vadd.f32 v19, v18;
	v28 =	vadd.s32 v1, v27;
	_ =	sdelay $0x1  }
0xc3: {  	vm2 =	vgt.f32 v18, $0.0e+00  }
0xc4: {  	v18 =	vsel vm2, $0x3F800000, v0  }
0xc5: {  	[tilespmem:v22+s28+$0x0] =	vst.idx.add.f32.msk $0xffff, v18  }
0xc6: {  	[tilespmem:v28+s29+$0x0] =	vst.idx.add.f32.msk $0xffff, v18  }
0xc7: {  	v19 =	vld [tilespmem:s17+$0x50]  }
0xc8: {  	v29 =	vld [tilespmem:s17+$0x3150]  }
0xc9: {  	v22 =	vld [tilespmem:s17+$0x49D0]  }
0xca: {  	v30 =	vld [tilespmem:s17+$0x18D0];
	_ =	sdelay $0x1  }
0xcb: {  	v24 =	vmul.f32 v19, v2;
	v25 =	vand.u32 $0x7FFFFFFF, v19  }
0xcc: {  	vm2 =	vgt.f32 v25, $1.000000000e+00  }
0xcd: {  	v31 =	vsel vm0, v29, v22;
	v19 =	vsel vm2, v24, v19  }
0xce: {  	v32 =	vsel vm1, v30, v31;
	v33 =	vadd.f32 $6.500000000e+00, v19  }
0xcf: {  	v26 =	vadd.f32 $6.500000000e+00, v32  }
0xd0: {  	v25 =	vmul.f32 $1.961538510e+01, v33  }
0xd1: {  	v26 =	vmul.f32 $1.961538510e+01, v26  }
0xd2: {  	v25 =	vadd.f32 $5.000000000e-01, v25  }
0xd3: {  	v26 =	vadd.f32 $5.000000000e-01, v26  }
0xd4: {  	v25 =	vmax.f32 v25, $0.0e+00  }
0xd5: {  	v26 =	vmax.f32 v26, $0.0e+00;
	v25 =	vmin.f32 v25, $2.549989930e+02  }
0xd6: {  	v23 =	vand.u32 $0x7FFFFFFF, v30;
	v26 =	vmin.f32 v26, $2.549989930e+02;
	v25 =	vtrunc.f32 v25  }
0xd7: {  	v20 =	vand.u32 $0x7FFFFFFF, v29;
	v26 =	vtrunc.f32 v26;
	v25 =	vcvt.f32.s32 v25  }
0xd8: {  	v20 =	vadd.f32 v20, v23;
	v34 =	vcvt.f32.s32 v26  }
0xd9: {  	v22 =	vand.u32 $0x7FFFFFFF, v22;
	v25 =	vadd.s32 v1, v25  }
0xda: {  	v20 =	vadd.f32 v22, v20;
	v35 =	vadd.s32 v1, v34;
	_ =	sdelay $0x1  }
0xdb: {  	vm2 =	vgt.f32 v20, $0.0e+00  }
0xdc: {  	v20 =	vsel vm2, $0x3F800000, v0  }
0xdd: {  	[tilespmem:v25+s28+$0x0] =	vst.idx.add.f32.msk $0xffff, v20  }
0xde: {  	[tilespmem:v35+s29+$0x0] =	vst.idx.add.f32.msk $0xffff, v20  }
0xdf: {  	v22 =	vld [tilespmem:s17+$0x60]  }
0xe0: {  	v36 =	vld [tilespmem:s17+$0x3160]  }
0xe1: {  	v25 =	vld [tilespmem:s17+$0x49E0]  }
0xe2: {  	v37 =	vld [tilespmem:s17+$0x18E0];
	_ =	sdelay $0x1  }
0xe3: {  	v27 =	vmul.f32 v22, v2;
	v28 =	vand.u32 $0x7FFFFFFF, v22  }
0xe4: {  	vm2 =	vgt.f32 v28, $1.000000000e+00  }
0xe5: {  	v38 =	vsel vm0, v36, v25;
	v22 =	vsel vm2, v27, v22  }
0xe6: {  	v39 =	vsel vm1, v37, v38;
	v40 =	vadd.f32 $6.500000000e+00, v22  }
0xe7: {  	v29 =	vadd.f32 $6.500000000e+00, v39  }
0xe8: {  	v28 =	vmul.f32 $1.961538510e+01, v40  }
0xe9: {  	v29 =	vmul.f32 $1.961538510e+01, v29  }
0xea: {  	v28 =	vadd.f32 $5.000000000e-01, v28  }
0xeb: {  	v29 =	vadd.f32 $5.000000000e-01, v29  }
0xec: {  	v28 =	vmax.f32 v28, $0.0e+00  }
0xed: {  	v29 =	vmax.f32 v29, $0.0e+00;
	v28 =	vmin.f32 v28, $2.549989930e+02  }
0xee: {  	v26 =	vand.u32 $0x7FFFFFFF, v37;
	v29 =	vmin.f32 v29, $2.549989930e+02;
	v28 =	vtrunc.f32 v28  }
0xef: {  	v23 =	vand.u32 $0x7FFFFFFF, v36;
	v29 =	vtrunc.f32 v29;
	v28 =	vcvt.f32.s32 v28  }
0xf0: {  	v23 =	vadd.f32 v23, v26;
	v41 =	vcvt.f32.s32 v29  }
0xf1: {  	v25 =	vand.u32 $0x7FFFFFFF, v25;
	v28 =	vadd.s32 v1, v28  }
0xf2: {  	v23 =	vadd.f32 v25, v23;
	v42 =	vadd.s32 v1, v41;
	_ =	sdelay $0x1  }
0xf3: {  	v5 =	vsub.f32 v5, v6;
	vm2 =	vgt.f32 v23, $0.0e+00  }
0xf4: {  	v6 =	vsel vm2, $0x3F800000, v0  }
0xf5: {  	v5 =	vmul.f32 v5, v5;
	v8 =	vsub.f32 v8, v9;
	[tilespmem:v28+s28+$0x0] =	vst.idx.add.f32.msk $0xffff, v6  }
0xf6: {  	[tilespmem:v42+s29+$0x0] =	vst.idx.add.f32.msk $0xffff, v6  }
0xf7: {  	v5 =	vmul.f32 v7, v5;
	v8 =	vmul.f32 v8, v8;
	v43 =	vsub.f32 v11, v49;
	v44 =	vld [tilespmem:s17+$0x70]  }
0xf8: {  	v3 =	vadd.f32 v7, v3;
	v46 =	vld [tilespmem:s17+$0x3170]  }
0xf9: {  	v4 =	vadd.f32 v5, v4;
	v5 =	vmul.f32 v10, v8;
	v45 =	vmul.f32 v43, v43;
	v48 =	vld [tilespmem:s17+$0x49F0]  }
0xfa: {  	v3 =	vadd.f32 v10, v3;
	v7 =	vld [tilespmem:s17+$0x18F0]  }
0xfb: {  	v4 =	vadd.f32 v5, v4;
	v5 =	vmul.f32 v13, v45;
	v47 =	vsub.f32 v14, v56  }
0xfc: {  	v3 =	vadd.f32 v13, v3;
	v50 =	vmul.f32 v44, v2;
	v51 =	vand.u32 $0x7FFFFFFF, v44  }
0xfd: {  	v4 =	vadd.f32 v5, v4;
	v49 =	vmul.f32 v47, v47;
	vm2 =	vgt.f32 v51, $1.000000000e+00  }
0xfe: {  	v52 =	vsub.f32 v17, v63;
	v53 =	vsel vm0, v46, v48;
	v5 =	vsel vm2, v50, v44  }
0xff: {  	v8 =	vmul.f32 v16, v49;
	v54 =	vsel vm1, v7, v53;
	v55 =	vadd.f32 $6.500000000e+00, v5  }
0x100: {  	v10 =	vmul.f32 v52, v52;
	v56 =	vadd.f32 $6.500000000e+00, v54  }
0x101: {  	v3 =	vadd.f32 v16, v3;
	v4 =	vadd.f32 v8, v4;
	v11 =	vmul.f32 $1.961538510e+01, v55  }
0x102: {  	v10 =	vmul.f32 v18, v10;
	v58 =	vsub.f32 v19, v32;
	v57 =	vmul.f32 $1.961538510e+01, v56  }
0x103: {  	v59 =	vsub.f32 v22, v39;
	v11 =	vadd.f32 $5.000000000e-01, v11  }
0x104: {  	v4 =	vadd.f32 v10, v4;
	v61 =	vmul.f32 v58, v58;
	v10 =	vadd.f32 $5.000000000e-01, v57  }
0x105: {  	v63 =	vmul.f32 v59, v59;
	v9 =	vand.u32 $0x7FFFFFFF, v46;
	v11 =	vmax.f32 v11, $0.0e+00  }
0x106: {  	v7 =	vand.u32 $0x7FFFFFFF, v7;
	v10 =	vmax.f32 v10, $0.0e+00;
	v60 =	vmin.f32 v11, $2.549989930e+02  }
0x107: {  	v7 =	vadd.f32 v9, v7;
	v10 =	vmin.f32 v10, $2.549989930e+02;
	v9 =	vtrunc.f32 v60  }
0x108: {  	v3 =	vadd.f32 v18, v3;
	v10 =	vtrunc.f32 v10;
	v9 =	vcvt.f32.s32 v9  }
0x109: {  	v62 =	vand.u32 $0x7FFFFFFF, v48;
	v5 =	vsub.f32 v5, v54;
	v10 =	vcvt.f32.s32 v10  }
0x10a: {  	s2 =	sadd.s32 $0x8, s2;
	v7 =	vadd.f32 v62, v7;
	v11 =	vmul.f32 v20, v61;
	v9 =	vadd.s32 v1, v9  }
0x10b: {  	p0 =	slt.u32 s2, $0xB8;
	v3 =	vadd.f32 v20, v3;
	v8 =	vmul.f32 v6, v63;
	v10 =	vadd.s32 v1, v10  }
.Ltmp1:
0x10c: {  	v5 =	vmul.f32 v5, v5;
	vm2 =	vgt.f32 v7, $0.0e+00;
	v4 =	vadd.f32 v11, v4;
	(pc) =	sbr.rel @p0 .LBB2_4-.Ltmp1, $4  }
0x10d: {  	v7 =	vsel vm2, $0x3F800000, v0  }
0x10e: {  	v3 =	vadd.f32 v6, v3;
	v5 =	vmul.f32 v7, v5;
	v4 =	vadd.f32 v8, v4  }
0x10f: {  	[tilespmem:v9+s28+$0x0] =	vst.idx.add.f32.msk $0xffff, v7  }
0x110: {  	s17 =	sadd.s32 $0x80, s17;
	v3 =	vadd.f32 v7, v3;
	v4 =	vadd.f32 v5, v4;
	[tilespmem:v10+s29+$0x0] =	vst.idx.add.f32.msk $0xffff, v7  }
0x111: {  	_ =	swait.ge [sflag:s30], $0xC80  }
0x112: {  	[sflag:s30] =	ssyncset.done $0x0  }
0x113: {  	[sflag:s30] =	ssyncadd.s32 $0xFFFFF380  }
0x114: {  	_ =	swait.ge [sflag:s30], $0xC80  }
0x115: {  	[sflag:s30] =	ssyncset.done $0x0  }
0x116: {  	[sflag:s30] =	ssyncadd.s32 $0xFFFFF380  }
0x117: {  	_ =	swait.ge [sflag:s30], $0xC80  }
0x118: {  	[sflag:s30] =	ssyncset.done $0x0  }
0x119: {  	[sflag:s30] =	ssyncadd.s32 $0xFFFFF380  }
0x11a: {  	_ =	swait.ge [sflag:s30], $0xC80  }
0x11b: {  	[sflag:s30] =	ssyncset.done $0x0  }
0x11c: {  	s2 =	simm.s32 $0xFFFFFFF8;
	s17 =	simm.s32 $0x0;
	[sflag:s30] =	ssyncadd.s32 $0xFFFFF380  }
.LBB2_6:
0x11d: {  	s18 =	sshra.s32 s17, $0x2  }
0x11e: {  	v5 =	vld [tilespmem:s18+$0xC00]  }
0x11f: {  	v7 =	vld [tilespmem:s18+$0x3D00]  }
0x120: {  	v8 =	vld [tilespmem:s18+$0x5580]  }
0x121: {  	v9 =	vld [tilespmem:s18+$0x2480];
	_ =	sdelay $0x1  }
0x122: {  	v6 =	vmul.f32 v5, v2;
	v10 =	vand.u32 $0x7FFFFFFF, v5  }
0x123: {  	vm2 =	vgt.f32 v10, $1.000000000e+00  }
0x124: {  	v36 =	vsel vm0, v7, v8;
	v5 =	vsel vm2, v6, v5  }
0x125: {  	v6 =	vsel vm1, v9, v36;
	v37 =	vadd.f32 $6.500000000e+00, v5  }
0x126: {  	v11 =	vadd.f32 $6.500000000e+00, v6  }
0x127: {  	v10 =	vmul.f32 $1.961538510e+01, v37  }
0x128: {  	v11 =	vmul.f32 $1.961538510e+01, v11  }
0x129: {  	v10 =	vadd.f32 $5.000000000e-01, v10  }
0x12a: {  	v11 =	vadd.f32 $5.000000000e-01, v11  }
0x12b: {  	v10 =	vmax.f32 v10, $0.0e+00  }
0x12c: {  	v11 =	vmax.f32 v11, $0.0e+00;
	v10 =	vmin.f32 v10, $2.549989930e+02  }
0x12d: {  	v7 =	vand.u32 $0x7FFFFFFF, v7;
	v11 =	vmin.f32 v11, $2.549989930e+02;
	v10 =	vtrunc.f32 v10  }
0x12e: {  	v9 =	vand.u32 $0x7FFFFFFF, v9;
	v11 =	vtrunc.f32 v11;
	v10 =	vcvt.f32.s32 v10  }
0x12f: {  	v7 =	vadd.f32 v7, v9;
	v38 =	vcvt.f32.s32 v11  }
0x130: {  	v8 =	vand.u32 $0x7FFFFFFF, v8;
	v10 =	vadd.s32 v1, v10  }
0x131: {  	v7 =	vadd.f32 v8, v7;
	v39 =	vadd.s32 v1, v38;
	_ =	sdelay $0x1  }
0x132: {  	vm2 =	vgt.f32 v7, $0.0e+00  }
0x133: {  	v7 =	vsel vm2, $0x3F800000, v0  }
0x134: {  	[tilespmem:v10+s28+$0x0] =	vst.idx.add.f32.msk $0xffff, v7  }
0x135: {  	[tilespmem:v39+s29+$0x0] =	vst.idx.add.f32.msk $0xffff, v7  }
0x136: {  	v8 =	vld [tilespmem:s18+$0xC10]  }
0x137: {  	v10 =	vld [tilespmem:s18+$0x3D10]  }
0x138: {  	v40 =	vld [tilespmem:s18+$0x5590]  }
0x139: {  	v12 =	vld [tilespmem:s18+$0x2490];
	_ =	sdelay $0x1  }
0x13a: {  	v41 =	vmul.f32 v8, v2;
	v13 =	vand.u32 $0x7FFFFFFF, v8  }
0x13b: {  	vm2 =	vgt.f32 v13, $1.000000000e+00  }
0x13c: {  	v42 =	vsel vm0, v10, v40;
	v8 =	vsel vm2, v41, v8  }
0x13d: {  	v9 =	vsel vm1, v12, v42;
	v43 =	vadd.f32 $6.500000000e+00, v8  }
0x13e: {  	v14 =	vadd.f32 $6.500000000e+00, v9  }
0x13f: {  	v13 =	vmul.f32 $1.961538510e+01, v43  }
0x140: {  	v14 =	vmul.f32 $1.961538510e+01, v14  }
0x141: {  	v13 =	vadd.f32 $5.000000000e-01, v13  }
0x142: {  	v14 =	vadd.f32 $5.000000000e-01, v14  }
0x143: {  	v13 =	vmax.f32 v13, $0.0e+00  }
0x144: {  	v14 =	vmax.f32 v14, $0.0e+00;
	v13 =	vmin.f32 v13, $2.549989930e+02  }
0x145: {  	v10 =	vand.u32 $0x7FFFFFFF, v10;
	v14 =	vmin.f32 v14, $2.549989930e+02;
	v13 =	vtrunc.f32 v13  }
0x146: {  	v12 =	vand.u32 $0x7FFFFFFF, v12;
	v14 =	vtrunc.f32 v14;
	v13 =	vcvt.f32.s32 v13  }
0x147: {  	v10 =	vadd.f32 v10, v12;
	v44 =	vcvt.f32.s32 v14  }
0x148: {  	v11 =	vand.u32 $0x7FFFFFFF, v40;
	v13 =	vadd.s32 v1, v13  }
0x149: {  	v10 =	vadd.f32 v11, v10;
	v45 =	vadd.s32 v1, v44;
	_ =	sdelay $0x1  }
0x14a: {  	vm2 =	vgt.f32 v10, $0.0e+00  }
0x14b: {  	v10 =	vsel vm2, $0x3F800000, v0  }
0x14c: {  	[tilespmem:v13+s28+$0x0] =	vst.idx.add.f32.msk $0xffff, v10  }
0x14d: {  	[tilespmem:v45+s29+$0x0] =	vst.idx.add.f32.msk $0xffff, v10  }
0x14e: {  	v11 =	vld [tilespmem:s18+$0xC20]  }
0x14f: {  	v13 =	vld [tilespmem:s18+$0x3D20]  }
0x150: {  	v46 =	vld [tilespmem:s18+$0x55A0]  }
0x151: {  	v15 =	vld [tilespmem:s18+$0x24A0];
	_ =	sdelay $0x1  }
0x152: {  	v47 =	vmul.f32 v11, v2;
	v16 =	vand.u32 $0x7FFFFFFF, v11  }
0x153: {  	vm2 =	vgt.f32 v16, $1.000000000e+00  }
0x154: {  	v48 =	vsel vm0, v13, v46;
	v11 =	vsel vm2, v47, v11  }
0x155: {  	v49 =	vsel vm1, v15, v48;
	v50 =	vadd.f32 $6.500000000e+00, v11  }
0x156: {  	v17 =	vadd.f32 $6.500000000e+00, v49  }
0x157: {  	v16 =	vmul.f32 $1.961538510e+01, v50  }
0x158: {  	v17 =	vmul.f32 $1.961538510e+01, v17  }
0x159: {  	v16 =	vadd.f32 $5.000000000e-01, v16  }
0x15a: {  	v17 =	vadd.f32 $5.000000000e-01, v17  }
0x15b: {  	v16 =	vmax.f32 v16, $0.0e+00  }
0x15c: {  	v17 =	vmax.f32 v17, $0.0e+00;
	v16 =	vmin.f32 v16, $2.549989930e+02  }
0x15d: {  	v13 =	vand.u32 $0x7FFFFFFF, v13;
	v17 =	vmin.f32 v17, $2.549989930e+02;
	v16 =	vtrunc.f32 v16  }
0x15e: {  	v15 =	vand.u32 $0x7FFFFFFF, v15;
	v17 =	vtrunc.f32 v17;
	v16 =	vcvt.f32.s32 v16  }
0x15f: {  	v13 =	vadd.f32 v13, v15;
	v51 =	vcvt.f32.s32 v17  }
0x160: {  	v14 =	vand.u32 $0x7FFFFFFF, v46;
	v16 =	vadd.s32 v1, v16  }
0x161: {  	v13 =	vadd.f32 v14, v13;
	v52 =	vadd.s32 v1, v51;
	_ =	sdelay $0x1  }
0x162: {  	vm2 =	vgt.f32 v13, $0.0e+00  }
0x163: {  	v13 =	vsel vm2, $0x3F800000, v0  }
0x164: {  	[tilespmem:v16+s28+$0x0] =	vst.idx.add.f32.msk $0xffff, v13  }
0x165: {  	[tilespmem:v52+s29+$0x0] =	vst.idx.add.f32.msk $0xffff, v13  }
0x166: {  	v14 =	vld [tilespmem:s18+$0xC30]  }
0x167: {  	v16 =	vld [tilespmem:s18+$0x3D30]  }
0x168: {  	v53 =	vld [tilespmem:s18+$0x55B0]  }
0x169: {  	v18 =	vld [tilespmem:s18+$0x24B0];
	_ =	sdelay $0x1  }
0x16a: {  	v54 =	vmul.f32 v14, v2;
	v19 =	vand.u32 $0x7FFFFFFF, v14  }
0x16b: {  	vm2 =	vgt.f32 v19, $1.000000000e+00  }
0x16c: {  	v55 =	vsel vm0, v16, v53;
	v14 =	vsel vm2, v54, v14  }
0x16d: {  	v56 =	vsel vm1, v18, v55;
	v57 =	vadd.f32 $6.500000000e+00, v14  }
0x16e: {  	v20 =	vadd.f32 $6.500000000e+00, v56  }
0x16f: {  	v19 =	vmul.f32 $1.961538510e+01, v57  }
0x170: {  	v20 =	vmul.f32 $1.961538510e+01, v20  }
0x171: {  	v19 =	vadd.f32 $5.000000000e-01, v19  }
0x172: {  	v20 =	vadd.f32 $5.000000000e-01, v20  }
0x173: {  	v19 =	vmax.f32 v19, $0.0e+00  }
0x174: {  	v20 =	vmax.f32 v20, $0.0e+00;
	v19 =	vmin.f32 v19, $2.549989930e+02  }
0x175: {  	v16 =	vand.u32 $0x7FFFFFFF, v16;
	v20 =	vmin.f32 v20, $2.549989930e+02;
	v19 =	vtrunc.f32 v19  }
0x176: {  	v18 =	vand.u32 $0x7FFFFFFF, v18;
	v20 =	vtrunc.f32 v20;
	v19 =	vcvt.f32.s32 v19  }
0x177: {  	v16 =	vadd.f32 v16, v18;
	v58 =	vcvt.f32.s32 v20  }
0x178: {  	v17 =	vand.u32 $0x7FFFFFFF, v53;
	v19 =	vadd.s32 v1, v19  }
0x179: {  	v16 =	vadd.f32 v17, v16;
	v59 =	vadd.s32 v1, v58;
	_ =	sdelay $0x1  }
0x17a: {  	vm2 =	vgt.f32 v16, $0.0e+00  }
0x17b: {  	v16 =	vsel vm2, $0x3F800000, v0  }
0x17c: {  	[tilespmem:v19+s28+$0x0] =	vst.idx.add.f32.msk $0xffff, v16  }
0x17d: {  	[tilespmem:v59+s29+$0x0] =	vst.idx.add.f32.msk $0xffff, v16  }
0x17e: {  	v17 =	vld [tilespmem:s18+$0xC40]  }
0x17f: {  	v60 =	vld [tilespmem:s18+$0x3D40]  }
0x180: {  	v19 =	vld [tilespmem:s18+$0x55C0]  }
0x181: {  	v61 =	vld [tilespmem:s18+$0x24C0];
	_ =	sdelay $0x1  }
0x182: {  	v21 =	vmul.f32 v17, v2;
	v22 =	vand.u32 $0x7FFFFFFF, v17  }
0x183: {  	vm2 =	vgt.f32 v22, $1.000000000e+00  }
0x184: {  	v62 =	vsel vm0, v60, v19;
	v17 =	vsel vm2, v21, v17  }
0x185: {  	v63 =	vsel vm1, v61, v62;
	v26 =	vadd.f32 $6.500000000e+00, v17  }
0x186: {  	v23 =	vadd.f32 $6.500000000e+00, v63  }
0x187: {  	v22 =	vmul.f32 $1.961538510e+01, v26  }
0x188: {  	v23 =	vmul.f32 $1.961538510e+01, v23  }
0x189: {  	v22 =	vadd.f32 $5.000000000e-01, v22  }
0x18a: {  	v23 =	vadd.f32 $5.000000000e-01, v23  }
0x18b: {  	v22 =	vmax.f32 v22, $0.0e+00  }
0x18c: {  	v23 =	vmax.f32 v23, $0.0e+00;
	v22 =	vmin.f32 v22, $2.549989930e+02  }
0x18d: {  	v20 =	vand.u32 $0x7FFFFFFF, v61;
	v23 =	vmin.f32 v23, $2.549989930e+02;
	v22 =	vtrunc.f32 v22  }
0x18e: {  	v18 =	vand.u32 $0x7FFFFFFF, v60;
	v23 =	vtrunc.f32 v23;
	v22 =	vcvt.f32.s32 v22  }
0x18f: {  	v18 =	vadd.f32 v18, v20;
	v27 =	vcvt.f32.s32 v23  }
0x190: {  	v19 =	vand.u32 $0x7FFFFFFF, v19;
	v22 =	vadd.s32 v1, v22  }
0x191: {  	v18 =	vadd.f32 v19, v18;
	v28 =	vadd.s32 v1, v27;
	_ =	sdelay $0x1  }
0x192: {  	vm2 =	vgt.f32 v18, $0.0e+00  }
0x193: {  	v18 =	vsel vm2, $0x3F800000, v0  }
0x194: {  	[tilespmem:v22+s28+$0x0] =	vst.idx.add.f32.msk $0xffff, v18  }
0x195: {  	[tilespmem:v28+s29+$0x0] =	vst.idx.add.f32.msk $0xffff, v18  }
0x196: {  	v19 =	vld [tilespmem:s18+$0xC50]  }
0x197: {  	v29 =	vld [tilespmem:s18+$0x3D50]  }
0x198: {  	v22 =	vld [tilespmem:s18+$0x55D0]  }
0x199: {  	v30 =	vld [tilespmem:s18+$0x24D0];
	_ =	sdelay $0x1  }
0x19a: {  	v24 =	vmul.f32 v19, v2;
	v25 =	vand.u32 $0x7FFFFFFF, v19  }
0x19b: {  	vm2 =	vgt.f32 v25, $1.000000000e+00  }
0x19c: {  	v31 =	vsel vm0, v29, v22;
	v19 =	vsel vm2, v24, v19  }
0x19d: {  	v32 =	vsel vm1, v30, v31;
	v33 =	vadd.f32 $6.500000000e+00, v19  }
0x19e: {  	v26 =	vadd.f32 $6.500000000e+00, v32  }
0x19f: {  	v25 =	vmul.f32 $1.961538510e+01, v33  }
0x1a0: {  	v26 =	vmul.f32 $1.961538510e+01, v26  }
0x1a1: {  	v25 =	vadd.f32 $5.000000000e-01, v25  }
0x1a2: {  	v26 =	vadd.f32 $5.000000000e-01, v26  }
0x1a3: {  	v25 =	vmax.f32 v25, $0.0e+00  }
0x1a4: {  	v26 =	vmax.f32 v26, $0.0e+00;
	v25 =	vmin.f32 v25, $2.549989930e+02  }
0x1a5: {  	v23 =	vand.u32 $0x7FFFFFFF, v30;
	v26 =	vmin.f32 v26, $2.549989930e+02;
	v25 =	vtrunc.f32 v25  }
0x1a6: {  	v20 =	vand.u32 $0x7FFFFFFF, v29;
	v26 =	vtrunc.f32 v26;
	v25 =	vcvt.f32.s32 v25  }
0x1a7: {  	v20 =	vadd.f32 v20, v23;
	v34 =	vcvt.f32.s32 v26  }
0x1a8: {  	v22 =	vand.u32 $0x7FFFFFFF, v22;
	v25 =	vadd.s32 v1, v25  }
0x1a9: {  	v20 =	vadd.f32 v22, v20;
	v35 =	vadd.s32 v1, v34;
	_ =	sdelay $0x1  }
0x1aa: {  	vm2 =	vgt.f32 v20, $0.0e+00  }
0x1ab: {  	v20 =	vsel vm2, $0x3F800000, v0  }
0x1ac: {  	[tilespmem:v25+s28+$0x0] =	vst.idx.add.f32.msk $0xffff, v20  }
0x1ad: {  	[tilespmem:v35+s29+$0x0] =	vst.idx.add.f32.msk $0xffff, v20  }
0x1ae: {  	v22 =	vld [tilespmem:s18+$0xC60]  }
0x1af: {  	v36 =	vld [tilespmem:s18+$0x3D60]  }
0x1b0: {  	v25 =	vld [tilespmem:s18+$0x55E0]  }
0x1b1: {  	v37 =	vld [tilespmem:s18+$0x24E0];
	_ =	sdelay $0x1  }
0x1b2: {  	v27 =	vmul.f32 v22, v2;
	v28 =	vand.u32 $0x7FFFFFFF, v22  }
0x1b3: {  	vm2 =	vgt.f32 v28, $1.000000000e+00  }
0x1b4: {  	v38 =	vsel vm0, v36, v25;
	v22 =	vsel vm2, v27, v22  }
0x1b5: {  	v39 =	vsel vm1, v37, v38;
	v40 =	vadd.f32 $6.500000000e+00, v22  }
0x1b6: {  	v29 =	vadd.f32 $6.500000000e+00, v39  }
0x1b7: {  	v28 =	vmul.f32 $1.961538510e+01, v40  }
0x1b8: {  	v29 =	vmul.f32 $1.961538510e+01, v29  }
0x1b9: {  	v28 =	vadd.f32 $5.000000000e-01, v28  }
0x1ba: {  	v29 =	vadd.f32 $5.000000000e-01, v29  }
0x1bb: {  	v28 =	vmax.f32 v28, $0.0e+00  }
0x1bc: {  	v29 =	vmax.f32 v29, $0.0e+00;
	v28 =	vmin.f32 v28, $2.549989930e+02  }
0x1bd: {  	v26 =	vand.u32 $0x7FFFFFFF, v37;
	v29 =	vmin.f32 v29, $2.549989930e+02;
	v28 =	vtrunc.f32 v28  }
0x1be: {  	v23 =	vand.u32 $0x7FFFFFFF, v36;
	v29 =	vtrunc.f32 v29;
	v28 =	vcvt.f32.s32 v28  }
0x1bf: {  	v23 =	vadd.f32 v23, v26;
	v41 =	vcvt.f32.s32 v29  }
0x1c0: {  	v25 =	vand.u32 $0x7FFFFFFF, v25;
	v28 =	vadd.s32 v1, v28  }
0x1c1: {  	v23 =	vadd.f32 v25, v23;
	v42 =	vadd.s32 v1, v41;
	_ =	sdelay $0x1  }
0x1c2: {  	v5 =	vsub.f32 v5, v6;
	vm2 =	vgt.f32 v23, $0.0e+00  }
0x1c3: {  	v6 =	vsel vm2, $0x3F800000, v0  }
0x1c4: {  	v5 =	vmul.f32 v5, v5;
	v8 =	vsub.f32 v8, v9;
	[tilespmem:v28+s28+$0x0] =	vst.idx.add.f32.msk $0xffff, v6  }
0x1c5: {  	[tilespmem:v42+s29+$0x0] =	vst.idx.add.f32.msk $0xffff, v6  }
0x1c6: {  	v5 =	vmul.f32 v7, v5;
	v8 =	vmul.f32 v8, v8;
	v43 =	vsub.f32 v11, v49;
	v44 =	vld [tilespmem:s18+$0xC70]  }
0x1c7: {  	v3 =	vadd.f32 v7, v3;
	v46 =	vld [tilespmem:s18+$0x3D70]  }
0x1c8: {  	v4 =	vadd.f32 v5, v4;
	v5 =	vmul.f32 v10, v8;
	v45 =	vmul.f32 v43, v43;
	v48 =	vld [tilespmem:s18+$0x55F0]  }
0x1c9: {  	v3 =	vadd.f32 v10, v3;
	v7 =	vld [tilespmem:s18+$0x24F0]  }
0x1ca: {  	v4 =	vadd.f32 v5, v4;
	v5 =	vmul.f32 v13, v45;
	v47 =	vsub.f32 v14, v56  }
0x1cb: {  	v3 =	vadd.f32 v13, v3;
	v50 =	vmul.f32 v44, v2;
	v51 =	vand.u32 $0x7FFFFFFF, v44  }
0x1cc: {  	v4 =	vadd.f32 v5, v4;
	v49 =	vmul.f32 v47, v47;
	vm2 =	vgt.f32 v51, $1.000000000e+00  }
0x1cd: {  	v52 =	vsub.f32 v17, v63;
	v53 =	vsel vm0, v46, v48;
	v5 =	vsel vm2, v50, v44  }
0x1ce: {  	v8 =	vmul.f32 v16, v49;
	v54 =	vsel vm1, v7, v53;
	v55 =	vadd.f32 $6.500000000e+00, v5  }
0x1cf: {  	v10 =	vmul.f32 v52, v52;
	v56 =	vadd.f32 $6.500000000e+00, v54  }
0x1d0: {  	v3 =	vadd.f32 v16, v3;
	v4 =	vadd.f32 v8, v4;
	v11 =	vmul.f32 $1.961538510e+01, v55  }
0x1d1: {  	v10 =	vmul.f32 v18, v10;
	v58 =	vsub.f32 v19, v32;
	v57 =	vmul.f32 $1.961538510e+01, v56  }
0x1d2: {  	v59 =	vsub.f32 v22, v39;
	v11 =	vadd.f32 $5.000000000e-01, v11  }
0x1d3: {  	v4 =	vadd.f32 v10, v4;
	v61 =	vmul.f32 v58, v58;
	v10 =	vadd.f32 $5.000000000e-01, v57  }
0x1d4: {  	v63 =	vmul.f32 v59, v59;
	v9 =	vand.u32 $0x7FFFFFFF, v46;
	v11 =	vmax.f32 v11, $0.0e+00  }
0x1d5: {  	v7 =	vand.u32 $0x7FFFFFFF, v7;
	v10 =	vmax.f32 v10, $0.0e+00;
	v60 =	vmin.f32 v11, $2.549989930e+02  }
0x1d6: {  	v7 =	vadd.f32 v9, v7;
	v10 =	vmin.f32 v10, $2.549989930e+02;
	v9 =	vtrunc.f32 v60  }
0x1d7: {  	v3 =	vadd.f32 v18, v3;
	v10 =	vtrunc.f32 v10;
	v9 =	vcvt.f32.s32 v9  }
0x1d8: {  	v62 =	vand.u32 $0x7FFFFFFF, v48;
	v5 =	vsub.f32 v5, v54;
	v10 =	vcvt.f32.s32 v10  }
0x1d9: {  	s2 =	sadd.s32 $0x8, s2;
	v7 =	vadd.f32 v62, v7;
	v11 =	vmul.f32 v20, v61;
	v9 =	vadd.s32 v1, v9  }
0x1da: {  	p0 =	slt.u32 s2, $0xC0;
	v3 =	vadd.f32 v20, v3;
	v8 =	vmul.f32 v6, v63;
	v10 =	vadd.s32 v1, v10  }
.Ltmp2:
0x1db: {  	v5 =	vmul.f32 v5, v5;
	vm2 =	vgt.f32 v7, $0.0e+00;
	v4 =	vadd.f32 v11, v4;
	(pc) =	sbr.rel @p0 .LBB2_6-.Ltmp2, $4  }
0x1dc: {  	v7 =	vsel vm2, $0x3F800000, v0  }
0x1dd: {  	v3 =	vadd.f32 v6, v3;
	v5 =	vmul.f32 v7, v5;
	v4 =	vadd.f32 v8, v4  }
0x1de: {  	[tilespmem:v9+s28+$0x0] =	vst.idx.add.f32.msk $0xffff, v7  }
0x1df: {  	s17 =	sadd.s32 $0x200, s17;
	v3 =	vadd.f32 v7, v3;
	v4 =	vadd.f32 v5, v4;
	[tilespmem:v10+s29+$0x0] =	vst.idx.add.f32.msk $0xffff, v7  }
0x1e0: {  	_ = 	snop  }
0x1e1: {  	[tilespmem:$0x8300] =	vst v3  }
0x1e2: {  	s2 =	simm.s32 $0x0;
	[tilespmem:$0x8310] =	vst v4  }
0x1e3: {  	v2 =	vld [tilespmem:s2+$0x7300]  }
0x1e4: {  	v5 =	vld [tilespmem:s2+$0x6200]  }
0x1e5: {  	v7 =	vld [tilespmem:s2+$0x6300]  }
0x1e6: {  	v6 =	vld [tilespmem:s2+$0x7200]  }
0x1e7: {  	s19 =	simm.s32 $0x0;
	v3 =	vld [tilespmem:s2+$0x6400]  }
0x1e8: {  	s20 =	simm.s32 $0x10;
	s18 =	simm.s32 $0x0;
	s17 =	sand.u32 $0x200, s19;
	v4 =	vld [tilespmem:s2+$0x7400]  }
.LBB2_8:
0x1e9: {  	p0 =	sne.s32 s20, $0xF0  }
0x1ea: {  	v8 =	vld [tilespmem:s2+$0x6500];
	s19 =	sadd.s32 $0x40, s19;
	s23 =	smov.u32 s20;
	s20 =	sadd.s32 $0x10, s20  }
0x1eb: {  	s22 =	sand.u32 $0x200, s19;
	v5 =	vadd.f32 v7, v5;
	v7 =	vld [tilespmem:s2+$0x7500]  }
0x1ec: {  	v2 =	vadd.f32 v2, v6;
	v6 =	vld [tilespmem:s2+$0x6600]  }
0x1ed: {  	s24 =	sshra.s32 s19, $0x2;
	v3 =	vadd.f32 v3, v5;
	v5 =	vld [tilespmem:s2+$0x7600]  }
0x1ee: {  	v2 =	vadd.f32 v4, v2;
	v4 =	vld [tilespmem:s2+$0x6700]  }
0x1ef: {  	v3 =	vadd.f32 v8, v3;
	v8 =	vld [tilespmem:s2+$0x7700]  }
0x1f0: {  	v2 =	vadd.f32 v7, v2;
	v7 =	vld [tilespmem:s2+$0x6800]  }
0x1f1: {  	v3 =	vadd.f32 v6, v3;
	v6 =	vld [tilespmem:s2+$0x7800]  }
0x1f2: {  	v2 =	vadd.f32 v5, v2;
	v5 =	vld [tilespmem:s2+$0x6900]  }
0x1f3: {  	v3 =	vadd.f32 v4, v3;
	v4 =	vld [tilespmem:s2+$0x7900]  }
0x1f4: {  	v2 =	vadd.f32 v8, v2;
	v8 =	vld [tilespmem:s2+$0x6A00]  }
0x1f5: {  	v3 =	vadd.f32 v7, v3;
	v7 =	vld [tilespmem:s2+$0x7A00]  }
0x1f6: {  	v2 =	vadd.f32 v6, v2;
	v6 =	vld [tilespmem:s2+$0x6B00]  }
0x1f7: {  	v3 =	vadd.f32 v5, v3;
	v5 =	vld [tilespmem:s2+$0x7B00]  }
0x1f8: {  	v2 =	vadd.f32 v4, v2;
	v4 =	vld [tilespmem:s2+$0x6C00]  }
0x1f9: {  	v3 =	vadd.f32 v8, v3;
	v8 =	vld [tilespmem:s2+$0x7C00]  }
0x1fa: {  	v2 =	vadd.f32 v7, v2;
	v7 =	vld [tilespmem:s2+$0x6D00]  }
0x1fb: {  	v3 =	vadd.f32 v6, v3;
	v6 =	vld [tilespmem:s2+$0x7D00]  }
0x1fc: {  	v2 =	vadd.f32 v5, v2;
	v5 =	vld [tilespmem:s2+$0x6E00]  }
0x1fd: {  	v3 =	vadd.f32 v4, v3;
	v4 =	vld [tilespmem:s2+$0x7E00]  }
0x1fe: {  	v2 =	vadd.f32 v8, v2;
	v8 =	vld [tilespmem:s2+$0x6F00]  }
0x1ff: {  	v3 =	vadd.f32 v7, v3;
	v7 =	vld [tilespmem:s2+$0x7F00]  }
0x200: {  	v2 =	vadd.f32 v6, v2;
	v6 =	vld [tilespmem:s2+$0x7000]  }
0x201: {  	v3 =	vadd.f32 v5, v3;
	v5 =	vld [tilespmem:s2+$0x8000]  }
0x202: {  	v2 =	vadd.f32 v4, v2;
	v4 =	vld [tilespmem:s2+$0x7100]  }
0x203: {  	v3 =	vadd.f32 v8, v3;
	v8 =	vld [tilespmem:s2+$0x8100];
	s2 =	smov.u32 s24  }
0x204: {  	v2 =	vadd.f32 v7, v2  }
0x205: {  	v3 =	vadd.f32 v6, v3  }
0x206: {  	v2 =	vadd.f32 v5, v2  }
0x207: {  	s24 =	sand.u32 $0x70, s18;
	s18 =	smov.u32 s23;
	v3 =	vadd.f32 v4, v3  }
0x208: {  	s23 =	sor.u32 s24, s17;
	s17 =	smov.u32 s22;
	v2 =	vadd.f32 v8, v2  }
0x209: {  	[tilespmem:s23+$0x8200] =	vst v3  }
0x20a: {  	[tilespmem:s23+$0x8280] =	vst v2  }
0x20b: {  	v2 =	vld [tilespmem:s2+$0x7300]  }
.Ltmp3:
0x20c: {  	v5 =	vld [tilespmem:s2+$0x6200];
	(pc) =	sbr.rel @p0 .LBB2_8-.Ltmp3, $4  }
0x20d: {  	v7 =	vld [tilespmem:s2+$0x6300]  }
0x20e: {  	v6 =	vld [tilespmem:s2+$0x7200]  }
0x20f: {  	v3 =	vld [tilespmem:s2+$0x6400]  }
0x210: {  	v4 =	vld [tilespmem:s2+$0x7400]  }
0x211: {  	v8 =	vld [tilespmem:s2+$0x6500]  }
0x212: {  	v39 =	vld [tilespmem:s2+$0x7500];
	v5 =	vadd.f32 v7, v5  }
0x213: {  	v40 =	vld [tilespmem:s2+$0x6600];
	v2 =	vadd.f32 v2, v6  }
0x214: {  	v41 =	vld [tilespmem:s2+$0x7600];
	v3 =	vadd.f32 v3, v5  }
0x215: {  	v42 =	vld [tilespmem:s2+$0x6700];
	v2 =	vadd.f32 v4, v2  }
0x216: {  	v43 =	vld [tilespmem:s2+$0x7700];
	v3 =	vadd.f32 v8, v3  }
0x217: {  	v44 =	vld [tilespmem:s2+$0x6800];
	v2 =	vadd.f32 v39, v2  }
0x218: {  	v45 =	vld [tilespmem:s2+$0x7800];
	v3 =	vadd.f32 v40, v3  }
0x219: {  	v46 =	vld [tilespmem:s2+$0x6900];
	v2 =	vadd.f32 v41, v2  }
0x21a: {  	v47 =	vld [tilespmem:s2+$0x7900];
	v3 =	vadd.f32 v42, v3  }
0x21b: {  	v48 =	vld [tilespmem:s2+$0x6A00];
	v2 =	vadd.f32 v43, v2  }
0x21c: {  	v49 =	vld [tilespmem:s2+$0x7A00];
	v3 =	vadd.f32 v44, v3  }
0x21d: {  	v50 =	vld [tilespmem:s2+$0x6B00];
	v2 =	vadd.f32 v45, v2  }
0x21e: {  	v51 =	vld [tilespmem:s2+$0x7B00];
	v3 =	vadd.f32 v46, v3  }
0x21f: {  	v52 =	vld [tilespmem:s2+$0x6C00];
	v2 =	vadd.f32 v47, v2  }
0x220: {  	v53 =	vld [tilespmem:s2+$0x7C00];
	v3 =	vadd.f32 v48, v3  }
0x221: {  	v54 =	vld [tilespmem:s2+$0x6D00];
	v2 =	vadd.f32 v49, v2  }
0x222: {  	v55 =	vld [tilespmem:s2+$0x7D00];
	v3 =	vadd.f32 v50, v3  }
0x223: {  	v56 =	vld [tilespmem:s2+$0x6E00];
	v2 =	vadd.f32 v51, v2  }
0x224: {  	v57 =	vld [tilespmem:s2+$0x7E00];
	v3 =	vadd.f32 v52, v3  }
0x225: {  	v58 =	vld [tilespmem:s2+$0x6F00];
	v2 =	vadd.f32 v53, v2  }
0x226: {  	v59 =	vld [tilespmem:s2+$0x7F00];
	v3 =	vadd.f32 v54, v3  }
0x227: {  	v60 =	vld [tilespmem:s2+$0x7000];
	v2 =	vadd.f32 v55, v2  }
0x228: {  	v61 =	vld [tilespmem:s2+$0x8000];
	v3 =	vadd.f32 v56, v3  }
0x229: {  	v62 =	vld [tilespmem:s2+$0x7100];
	v2 =	vadd.f32 v57, v2  }
0x22a: {  	v63 =	vld [tilespmem:s2+$0x8100];
	v3 =	vadd.f32 v58, v3  }
0x22b: {  	v2 =	vadd.f32 v59, v2  }
0x22c: {  	v3 =	vadd.f32 v60, v3  }
0x22d: {  	v2 =	vadd.f32 v61, v2  }
0x22e: {  	s24 =	sand.u32 $0x70, s18;
	v3 =	vadd.f32 v62, v3  }
0x22f: {  	s0 =	sadd.s32 $0x1, s0;
	s2 =	sor.u32 s24, s17;
	v2 =	vadd.f32 v63, v2  }
0x230: {  	p0 =	sne.s32 s0, s13;
	[tilespmem:s2+$0x8200] =	vst v3  }
.Ltmp4:
0x231: {  	[tilespmem:s2+$0x8280] =	vst v2;
	(pc) =	sbr.rel @p0 .LBB2_1-.Ltmp4, $4  }
0x232: {  	[hbm4b:s12+s1] =	stream.linear.scatter [tilespmem:s31], [sflag:$0x3], $0x400, $0x38;
	[tilespmem:$0x8700] =	vst v63  }
0x233: {  	_ =	swait.ge [sflag:s21], $0x400  }
0x234: {  	[sflag:s21] =	ssyncset.done $0x0  }
0x235: {  	[sflag:s21] =	ssyncadd.s32 $0xFFFFFC00  }
0x236: {  	_ =	sfence.sel $0x180000  }
0x237: {  	[bflag:$0x0] =	sbarrier.arrive $0xFFFF  }
0x238: {  	_ =	strace $0x90000047  }
0x239: {  	s0 =	stileid.u32;
	[bflag:$0x2] =	sbarrier.arrive $0xFFFF  }
0x23a: {  	p0 =	sne.s32 s0, $0x0;
	s0 =	rddreg [dreg:$0x1]  }
0x23b: {  	s0 =	sadd.s32 @!p0 $0x100000, s0  }
0x23c: {  	[sflag:s0] =	ssyncadd.tile.s32 @!p0 $0x1;
	_ =	shalt  }
.Lfunc_end2:
_tile_overlayer_lowered:
.L_overlay_start_2:
0x23d: {  	(tag) =	ssettag $0x2  }
0x23e: {  	s0 =	rddreg [dreg:$0x0];
	s2 =	stileid.u32  }
0x23f: {  	s1 =	rddreg [dreg:$0x1];
	p0 =	sne.s32 s2, $0x0  }
0x240: {  	s3 =	rddreg [dreg:$0x2];
	[bflag:$0x3] =	sbarrier.arrive $0xFFFF;
	s2 =	simm.s32 @!p0 $0x1C03  }
0x241: {  	[timem:s3], [sflag:s2] =	dma.local @!p0 [hbm:s0], s1  }
0x242: {  	s0 =	simm.s32 @!p0 $0x3  }
0x243: {  	_ =	swait.ge @!p0 [sflag:s0], s1  }
0x244: {  	s1 =	ssub.s32 @!p0 $0x0, s1;
	[sflag:s0] =	ssyncset.done @!p0 $0x0  }
0x245: {  	[sflag:s0] =	ssyncadd.s32 @!p0 s1  }
0x246: {  	[bflag:$0x3] =	sbarrier.arrive $0xFFFF  }
0x247: {  	_ =	shalt  }

</sc_bundles>
